<compile_context>
chip_gen: v7x
topology: tpu7x:2x2x1
jax: 0.10.2.dev20260603
libtpu: 0.0.44.dev20260713+nightly
codegen_flags: <defaults>
</compile_context>

<pallas_src>
import jax
import jax.numpy as jnp
from jax import lax
from jax.experimental import pallas as pl
from jax.experimental.pallas import tpu as pltpu
from jax.experimental.pallas import tpu_sc as plsc

N_NODES = 10000
N_EDGES = 320000
D = 128
DE = 4
G = 64
EAP = 16

NC = 2
NS = 16
NW = NC * NS
K = 80
NCHUNK = 125
EPW = NCHUNK * K
NP = N_NODES
ZR = 640
ZR_LAST = NP - (NS - 1) * ZR

NB = 2000
NBLK = N_NODES // NB

_f32 = jnp.float32


def _sc_mesh():
  return plsc.VectorSubcoreMesh(
      core_axis_name="c", subcore_axis_name="s", num_cores=NC,
      num_subcores=NS)


def _make_sc_pass(with_ea: bool, with_att: bool):
  out_type = [jax.ShapeDtypeStruct((NC * NP, D), _f32)]
  if with_ea:
    out_type.append(jax.ShapeDtypeStruct((NC * NP, EAP), _f32))

  scratch = [
      pltpu.VMEM((K,), jnp.int32),
      pltpu.VMEM((K,), jnp.int32),
      pltpu.VMEM((K, D), _f32),
      pltpu.VMEM_SHARED((NP, D), _f32),
      pltpu.SemaphoreType.DMA,
  ]
  if with_ea:
    scratch += [
        pltpu.VMEM((K, EAP), _f32),
        pltpu.VMEM_SHARED((NP, EAP), _f32),
    ]
  if with_att:
    scratch += [
        pltpu.VMEM((K, EAP), _f32),
        pltpu.SemaphoreType.DMA,
    ]

  def body(*refs):
    it = iter(refs)
    y = next(it)
    src = next(it)
    dst = next(it)
    zeros = next(it)
    ea = next(it) if with_ea else None
    z16 = next(it) if with_ea else None
    att = next(it) if with_att else None
    s_out = next(it)
    ea_out = next(it) if with_ea else None
    src_i = next(it)
    dst_i = next(it)
    rows = next(it)
    acc = next(it)
    sem = next(it)
    if with_ea:
      ea_b = next(it)
      acc_ea = next(it)
    if with_att:
      att_r = next(it)
      sem_a = next(it)

    c = lax.axis_index("c")
    s = lax.axis_index("s")
    wid = s * NC + c
    r0 = s * ZR

    def _zero(rows_n):
      pltpu.sync_copy(zeros.at[pl.ds(r0, rows_n)], acc.at[pl.ds(r0, rows_n)])
      if with_ea:
        pltpu.sync_copy(z16.at[pl.ds(r0, rows_n)],
                        acc_ea.at[pl.ds(r0, rows_n)])

    @pl.when(s < NS - 1)
    def _():
      _zero(ZR)

    @pl.when(s == NS - 1)
    def _():
      _zero(ZR_LAST)

    plsc.subcore_barrier()

    def chunk(i, carry):
      base = wid * EPW + i * K
      pltpu.sync_copy(src.at[pl.ds(base, K)], src_i)
      pltpu.sync_copy(dst.at[pl.ds(base, K)], dst_i)
      cp = pltpu.async_copy(y.at[src_i], rows, sem)
      if with_att:
        cp_a = pltpu.async_copy(att.at[src_i], att_r, sem_a)
      if with_ea:
        pltpu.sync_copy(ea.at[pl.ds(base, K)], ea_b)
      cp.wait()
      if with_att:
        cp_a.wait()

        def mul8(t, carry2):
          for jj in range(8):
            j = t * 8 + jj
            ea_b[j, :] = ea_b[j, :] * att_r[j, :]
          return carry2

        lax.fori_loop(0, K // 8, mul8, 0)
      pltpu.sync_copy(rows, acc.at[dst_i], add=True)
      if with_ea:
        pltpu.sync_copy(ea_b, acc_ea.at[dst_i], add=True)
      return carry

    lax.fori_loop(0, NCHUNK, chunk, 0)

    plsc.subcore_barrier()
    o0 = c * NP + r0

    def _wb(rows_n):
      pltpu.sync_copy(acc.at[pl.ds(r0, rows_n)], s_out.at[pl.ds(o0, rows_n)])
      if with_ea:
        pltpu.sync_copy(acc_ea.at[pl.ds(r0, rows_n)],
                        ea_out.at[pl.ds(o0, rows_n)])

    @pl.when(s < NS - 1)
    def _():
      _wb(ZR)

    @pl.when(s == NS - 1)
    def _():
      _wb(ZR_LAST)

  return pl.kernel(
      body, out_type=out_type, mesh=_sc_mesh(),
      scratch_types=scratch,
      compiler_params=pltpu.CompilerParams(use_tc_tiling_on_sc=False))


_sc_pass_plain = _make_sc_pass(with_ea=False, with_att=False)
_sc_pass_ea = _make_sc_pass(with_ea=True, with_att=False)
_sc_pass_ea_att = _make_sc_pass(with_ea=True, with_att=True)


def _dot(a, b):
  return jnp.dot(a, b, preferred_element_type=_f32)


def _part_specs():
  return [
      pl.BlockSpec((1, NB, D), lambda i: (0, i, 0)),
      pl.BlockSpec((1, NB, D), lambda i: (1, i, 0)),
      pl.BlockSpec((1, NB, EAP), lambda i: (0, i, 0)),
      pl.BlockSpec((1, NB, EAP), lambda i: (1, i, 0)),
  ]


def _w_spec(shape):
  return pl.BlockSpec(shape, lambda i: tuple(0 for _ in shape))


def _layer1_body(sa, sb, pa, pb, x, we, w, ws, b, o_h1):
  agg = sa[0] + sb[0] + _dot((pa[0] + pb[0])[:, :DE], we[...])
  o_h1[...] = jax.nn.relu(_dot(agg, w[...]) + _dot(x[...], ws[...]) + b[...])


def _layer2_body(sa, sb, pa, pb, h1, x, we, w, ws, b, we1, be1, we2, be2,
                 o_att, o_y3):
  agg = sa[0] + sb[0] + _dot((pa[0] + pb[0])[:, :DE], we[...])
  emb = jax.nn.relu(_dot(agg, w[...]) + _dot(h1[...], ws[...]) + b[...])
  logit = _dot(jax.nn.relu(_dot(emb, we1[...]) + be1[...]), we2[...]) + be2[...]
  att = jax.nn.sigmoid(logit)
  o_att[...] = jnp.broadcast_to(att, (NB, EAP))
  o_y3[...] = x[...] * att


def _layer3_body(sa, sb, pa, pb, attp, x, we, w, ws, b, o_g1, o_y4):
  att = attp[:, 0:1]
  agg = (sa[0] + sb[0] + _dot((pa[0] + pb[0])[:, :DE], we[...])) * att
  g1 = jax.nn.relu(_dot(agg, w[...]) + _dot(x[...], ws[...]) + b[...])
  o_g1[...] = g1
  o_y4[...] = g1 * att


def _layer4_body(sa, sb, pa, pb, attp, g1, we, w, ws, b, o_g2):
  att = attp[:, 0:1]
  agg = (sa[0] + sb[0] + _dot((pa[0] + pb[0])[:, :DE], we[...])) * att
  o_g2[...] = jax.nn.relu(_dot(agg, w[...]) + _dot(g1[...], ws[...]) + b[...])


def _pool_body(g2, bt, wout, bout, wm, bm, o, acc, cnt):
  i = pl.program_id(0)

  @pl.when(i == 0)
  def _():
    acc[...] = jnp.zeros_like(acc)
    cnt[...] = jnp.zeros_like(cnt)

  gids = lax.broadcasted_iota(jnp.int32, (G, NB), 0)
  mask = (bt[0, 0, :][None, :] == gids).astype(_f32)
  acc[...] += _dot(mask, g2[...])
  cnt[...] += jnp.broadcast_to(jnp.sum(mask, axis=1, keepdims=True), (G, D))

  @pl.when(i == NBLK - 1)
  def _():
    pooled = acc[...] / jnp.maximum(cnt[...], 1.0)
    logits = _dot(pooled, wout[...]) + bout[...]
    o[...] = _dot(logits, wm[...]) + bm[...]


def _tc_layer1(sp, pp, x, we, w, ws, b):
  specs = _part_specs() + [
      pl.BlockSpec((NB, D), lambda i: (i, 0)),
      _w_spec((DE, D)), _w_spec((D, D)), _w_spec((D, D)), _w_spec((1, D)),
  ]
  return pl.pallas_call(
      _layer1_body, grid=(NBLK,), in_specs=specs,
      out_specs=pl.BlockSpec((NB, D), lambda i: (i, 0)),
      out_shape=jax.ShapeDtypeStruct((N_NODES, D), _f32),
  )(sp, sp, pp, pp, x, we, w, ws, b)


def _tc_layer2(sp, pp, h1, x, we, w, ws, b, we1, be1, we2, be2):
  specs = _part_specs() + [
      pl.BlockSpec((NB, D), lambda i: (i, 0)),
      pl.BlockSpec((NB, D), lambda i: (i, 0)),
      _w_spec((DE, D)), _w_spec((D, D)), _w_spec((D, D)), _w_spec((1, D)),
      _w_spec((D, 64)), _w_spec((1, 64)), _w_spec((64, 1)), _w_spec((1, 1)),
  ]
  return pl.pallas_call(
      _layer2_body, grid=(NBLK,), in_specs=specs,
      out_specs=[pl.BlockSpec((NB, EAP), lambda i: (i, 0)),
                 pl.BlockSpec((NB, D), lambda i: (i, 0))],
      out_shape=[jax.ShapeDtypeStruct((N_NODES, EAP), _f32),
                 jax.ShapeDtypeStruct((N_NODES, D), _f32)],
  )(sp, sp, pp, pp, h1, x, we, w, ws, b, we1, be1, we2, be2)


def _tc_layer3(sp, pp, attp, x, we, w, ws, b):
  specs = _part_specs() + [
      pl.BlockSpec((NB, EAP), lambda i: (i, 0)),
      pl.BlockSpec((NB, D), lambda i: (i, 0)),
      _w_spec((DE, D)), _w_spec((D, D)), _w_spec((D, D)), _w_spec((1, D)),
  ]
  return pl.pallas_call(
      _layer3_body, grid=(NBLK,), in_specs=specs,
      out_specs=[pl.BlockSpec((NB, D), lambda i: (i, 0)),
                 pl.BlockSpec((NB, D), lambda i: (i, 0))],
      out_shape=[jax.ShapeDtypeStruct((N_NODES, D), _f32),
                 jax.ShapeDtypeStruct((N_NODES, D), _f32)],
  )(sp, sp, pp, pp, attp, x, we, w, ws, b)


def _tc_layer4(sp, pp, attp, g1, we, w, ws, b):
  specs = _part_specs() + [
      pl.BlockSpec((NB, EAP), lambda i: (i, 0)),
      pl.BlockSpec((NB, D), lambda i: (i, 0)),
      _w_spec((DE, D)), _w_spec((D, D)), _w_spec((D, D)), _w_spec((1, D)),
  ]
  return pl.pallas_call(
      _layer4_body, grid=(NBLK,), in_specs=specs,
      out_specs=pl.BlockSpec((NB, D), lambda i: (i, 0)),
      out_shape=jax.ShapeDtypeStruct((N_NODES, D), _f32),
  )(sp, sp, pp, pp, attp, g1, we, w, ws, b)


def _tc_pool(g2, batch_r, wout, bout, wm, bm):
  specs = [
      pl.BlockSpec((NB, D), lambda i: (i, 0)),
      pl.BlockSpec((1, 1, NB), lambda i: (i, 0, 0)),
      _w_spec((D, 1)), _w_spec((1, 1)), _w_spec((1, 2)), _w_spec((1, 2)),
  ]
  return pl.pallas_call(
      _pool_body, grid=(NBLK,), in_specs=specs,
      out_specs=pl.BlockSpec((G, 2), lambda i: (0, 0)),
      out_shape=jax.ShapeDtypeStruct((G, 2), _f32),
      scratch_shapes=[pltpu.VMEM((G, D), _f32), pltpu.VMEM((G, D), _f32)],
  )(g2, batch_r, wout, bout, wm, bm)


@jax.jit
def kernel(x, edge_index, batch, edge_attr, We1, W1, Ws1, b1, We2, W2, Ws2,
           b2, Wext1, bext1, Wext2, bext2, Wout, bout, Wm, bm):
  src_r = edge_index[0]
  dst_r = edge_index[1]
  ea_pad = jnp.zeros((N_EDGES, EAP), _f32).at[:, :DE].set(edge_attr)
  zeros = jnp.zeros((NP, D), _f32)
  z16 = jnp.zeros((NP, EAP), _f32)
  b1r = b1.reshape(1, D)
  b2r = b2.reshape(1, D)
  be1 = bext1.reshape(1, 64)
  be2 = bext2.reshape(1, 1)
  boutr = bout.reshape(1, 1)
  bmr = bm.reshape(1, 2)
  batch_r = batch.reshape(NBLK, 1, NB)

  s1, p4a = _sc_pass_ea(x, src_r, dst_r, zeros, ea_pad, z16)
  s1 = s1.reshape(NC, NP, D)
  p4a = p4a.reshape(NC, NP, EAP)
  h1 = _tc_layer1(s1, p4a, x, We1, W1, Ws1, b1r)

  (s2,) = _sc_pass_plain(h1, src_r, dst_r, zeros)
  s2 = s2.reshape(NC, NP, D)
  attp, y3 = _tc_layer2(s2, p4a, h1, x, We2, W2, Ws2, b2r,
                        Wext1, be1, Wext2, be2)

  s3, p4b = _sc_pass_ea_att(y3, src_r, dst_r, zeros, ea_pad, z16, attp)
  s3 = s3.reshape(NC, NP, D)
  p4b = p4b.reshape(NC, NP, EAP)
  g1, y4 = _tc_layer3(s3, p4b, attp, x, We1, W1, Ws1, b1r)

  (s4,) = _sc_pass_plain(y4, src_r, dst_r, zeros)
  s4 = s4.reshape(NC, NP, D)
  g2 = _tc_layer4(s4, p4b, attp, g1, We2, W2, Ws2, b2r)

  return _tc_pool(g2, batch_r, Wout, boutr, Wm, bmr)

# --- scband reference (transcript-rebuilt; emitter-appended) ---
"""Pipeline reference for scband-model-wrapper-27367531610915 (READ-ONLY COPY).

The authoritative reference and input builder live on the scoring server;
editing this copy changes nothing except your own understanding.
"""

import jax, jax.numpy as jnp
import numpy as np

N = 10000
E = 320000
D = 128
DE = 4
G = 64

def setup_inputs(seed: int = 0) -> dict:
    key = jax.random.key(seed)
    ks = jax.random.split(key, 24)
    inp = {}
    inp['x'] = jax.random.normal(ks[0], (N, D), dtype=jnp.float32)
    inp['edge_index'] = jax.random.randint(ks[1], (2, E), 0, N, dtype=jnp.int32)
    inp['batch'] = jnp.sort(jax.random.randint(ks[2], (N,), 0, G, dtype=jnp.int32))
    inp['edge_attr'] = jax.random.normal(ks[3], (E, DE), dtype=jnp.float32)
    s = 0.05
    inp['We1'] = jax.random.normal(ks[4], (DE, D), dtype=jnp.float32) * s
    inp['W1'] = jax.random.normal(ks[5], (D, D), dtype=jnp.float32) * s
    inp['Ws1'] = jax.random.normal(ks[6], (D, D), dtype=jnp.float32) * s
    inp['b1'] = jnp.zeros((D,), dtype=jnp.float32)
    inp['We2'] = jax.random.normal(ks[7], (DE, D), dtype=jnp.float32) * s
    inp['W2'] = jax.random.normal(ks[8], (D, D), dtype=jnp.float32) * s
    inp['Ws2'] = jax.random.normal(ks[9], (D, D), dtype=jnp.float32) * s
    inp['b2'] = jnp.zeros((D,), dtype=jnp.float32)
    inp['Wext1'] = jax.random.normal(ks[10], (D, 64), dtype=jnp.float32) * s
    inp['bext1'] = jnp.zeros((64,), dtype=jnp.float32)
    inp['Wext2'] = jax.random.normal(ks[11], (64, 1), dtype=jnp.float32) * s
    inp['bext2'] = jnp.zeros((1,), dtype=jnp.float32)
    inp['Wout'] = jax.random.normal(ks[12], (D, 1), dtype=jnp.float32) * s
    inp['bout'] = jnp.zeros((1,), dtype=jnp.float32)
    inp['Wm'] = jax.random.normal(ks[13], (1, 2), dtype=jnp.float32) * s
    inp['bm'] = jnp.zeros((2,), dtype=jnp.float32)
    return inp

def _gnn_layer(h, ea, src, dst, We, W, Ws, b, eatt=None):
    msg = jnp.take(h, src, axis=0) + ea @ We
    if eatt is not None:
        msg = msg * eatt
    agg = jax.ops.segment_sum(msg, dst, num_segments=N)
    return jax.nn.relu(agg @ W + h @ Ws + b)

def reference(x, edge_index, batch, edge_attr, We1, W1, Ws1, b1, We2, W2, Ws2, b2, Wext1, bext1, Wext2, bext2, Wout, bout, Wm, bm):
    src = edge_index[0]
    dst = edge_index[1]
    # clf.get_emb: 2-layer message-passing GNN (no edge attention)
    h1 = _gnn_layer(x, edge_attr, src, dst, We1, W1, Ws1, b1)
    emb = _gnn_layer(h1, edge_attr, src, dst, We2, W2, Ws2, b2)
    # extractor: node-level attention logits (learn_edge_att=False)
    att_log_logits = jax.nn.relu(emb @ Wext1 + bext1) @ Wext2 + bext2
    # sampling (deterministic concrete relaxation, training mode)
    att = jax.nn.sigmoid(att_log_logits)
    # lift_node_att_to_edge_att: edge_att = att[src] * att[dst]
    edge_att = jnp.take(att, src, axis=0) * jnp.take(att, dst, axis=0)
    # clf forward with edge attention
    g1 = _gnn_layer(x, edge_attr, src, dst, We1, W1, Ws1, b1, edge_att)
    g2 = _gnn_layer(g1, edge_attr, src, dst, We2, W2, Ws2, b2, edge_att)
    # global mean pool per graph
    counts = jax.ops.segment_sum(jnp.ones((N, 1), dtype=jnp.float32), batch, num_segments=G)
    pooled = jax.ops.segment_sum(g2, batch, num_segments=G) / jnp.maximum(counts, 1.0)
    clf_logits = pooled @ Wout + bout
    # mapper: Linear(1, 2)
    return clf_logits @ Wm + bm

if __name__ == "__main__":
    import jax
    _d = setup_inputs()
    print(jax.jit(kernel)(*tuple(_d.values())))

</pallas_src>

<mosaic_0001>
#map = affine_map<(d0, d1) -> (0, 0)>
#map1 = affine_map<(d0, d1) -> (0)>
module attributes {stable_mosaic.version = 14 : i64} {
  func.func @body(%arg0: i32, %arg1: i32, %arg2: memref<10000x128xf32, #tpu.memory_space<hbm>>, %arg3: memref<320000xi32, #tpu.memory_space<hbm>>, %arg4: memref<320000xi32, #tpu.memory_space<hbm>>, %arg5: memref<10000x128xf32, #tpu.memory_space<hbm>>, %arg6: memref<20000x128xf32, #tpu.memory_space<hbm>>, %arg7: memref<80xi32, #tpu.memory_space<vmem>>, %arg8: memref<80xi32, #tpu.memory_space<vmem>>, %arg9: memref<80x128xf32, #tpu.memory_space<vmem>>, %arg10: memref<10000x128xf32, #tpu.memory_space<vmem_shared>>, %arg11: memref<!tpu.dma_semaphore, #tpu.memory_space<semaphore_mem>>) attributes {dimension_semantics = [#tpu.dimension_semantics<core_parallel>, #tpu.dimension_semantics<subcore_parallel>], iteration_bounds = array<i64: 2, 16>, scalar_prefetch = 0 : i64, scratch_operands = 5 : i64, tpu.core_type = #tpu.core_type<sc_vector_subcore>, window_params = [{transform_indices = #map}, {transform_indices = #map1}, {transform_indices = #map1}, {transform_indices = #map}, {transform_indices = #map}]} {
    %mul3A = arith.constant 2 : i32
    %mul3A_0 = arith.muli %arg1, %mul3A : i32
    %add3A = arith.addi %mul3A_0, %arg0 : i32
    %mul3A_1 = arith.constant 640 : i32
    %mul3A_2 = arith.muli %arg1, %mul3A_1 : i32
    %lt3A = arith.constant 15 : i32
    %lt3A_3 = arith.cmpi slt, %arg1, %lt3A : i32
    %convert_element_type3A = arith.extui %lt3A_3 : i1 to i32
    %cond3A = arith.constant 0 : i32
    %cond3A_4 = arith.cmpi ne, %convert_element_type3A, %cond3A : i32
    scf.if %cond3A_4 {
      "tpu.region"() ({
        %run_scoped3A = tpu.sem_alloc : memref<!tpu.dma_semaphore, #tpu.memory_space<semaphore_mem>>
        %dma_start3A = arith.constant 0 : i32
        %dma_start3A_28 = tpu.memref_slice %arg10[%mul3A_2, %dma_start3A] : memref<10000x128xf32, #tpu.memory_space<vmem_shared>> -> memref<640x128xf32, #tpu.memory_space<vmem_shared>>
        %dma_start3A_29 = arith.constant 0 : i32
        %dma_start3A_30 = tpu.memref_slice %arg5[%mul3A_2, %dma_start3A_29] : memref<10000x128xf32, #tpu.memory_space<hbm>> -> memref<640x128xf32, #tpu.memory_space<hbm>>
        tpu.enqueue_dma source(%dma_start3A_30 : memref<640x128xf32, #tpu.memory_space<hbm>>) target(%dma_start3A_28 : memref<640x128xf32, #tpu.memory_space<vmem_shared>>) target_semaphore(%run_scoped3A : memref<!tpu.dma_semaphore, #tpu.memory_space<semaphore_mem>>)
        %dma_wait3A = arith.constant 0 : i32
        %dma_wait3A_31 = tpu.memref_slice %arg10[%mul3A_2, %dma_wait3A] : memref<10000x128xf32, #tpu.memory_space<vmem_shared>> -> memref<640x128xf32, #tpu.memory_space<vmem_shared>>
        %dma_wait3A_32 = arith.constant 0 : i32
        %dma_wait3A_33 = tpu.memref_slice %arg5[%mul3A_2, %dma_wait3A_32] : memref<10000x128xf32, #tpu.memory_space<hbm>> -> memref<640x128xf32, #tpu.memory_space<hbm>>
        tpu.wait_dma2 semaphore(%run_scoped3A : memref<!tpu.dma_semaphore, #tpu.memory_space<semaphore_mem>>) src(%dma_wait3A_33 : memref<640x128xf32, #tpu.memory_space<hbm>>) dst(%dma_wait3A_31 : memref<640x128xf32, #tpu.memory_space<vmem_shared>>)
        tpu.yield
      }) : () -> ()
    } else {
    }
    %eq3A = arith.constant 15 : i32
    %eq3A_5 = arith.cmpi eq, %arg1, %eq3A : i32
    %convert_element_type3A_6 = arith.extui %eq3A_5 : i1 to i32
    %cond3A_7 = arith.constant 0 : i32
    %cond3A_8 = arith.cmpi ne, %convert_element_type3A_6, %cond3A_7 : i32
    scf.if %cond3A_8 {
      "tpu.region"() ({
        %run_scoped3A = tpu.sem_alloc : memref<!tpu.dma_semaphore, #tpu.memory_space<semaphore_mem>>
        %dma_start3A = arith.constant 0 : i32
        %dma_start3A_28 = tpu.memref_slice %arg10[%mul3A_2, %dma_start3A] : memref<10000x128xf32, #tpu.memory_space<vmem_shared>> -> memref<400x128xf32, #tpu.memory_space<vmem_shared>>
        %dma_start3A_29 = arith.constant 0 : i32
        %dma_start3A_30 = tpu.memref_slice %arg5[%mul3A_2, %dma_start3A_29] : memref<10000x128xf32, #tpu.memory_space<hbm>> -> memref<400x128xf32, #tpu.memory_space<hbm>>
        tpu.enqueue_dma source(%dma_start3A_30 : memref<400x128xf32, #tpu.memory_space<hbm>>) target(%dma_start3A_28 : memref<400x128xf32, #tpu.memory_space<vmem_shared>>) target_semaphore(%run_scoped3A : memref<!tpu.dma_semaphore, #tpu.memory_space<semaphore_mem>>)
        %dma_wait3A = arith.constant 0 : i32
        %dma_wait3A_31 = tpu.memref_slice %arg10[%mul3A_2, %dma_wait3A] : memref<10000x128xf32, #tpu.memory_space<vmem_shared>> -> memref<400x128xf32, #tpu.memory_space<vmem_shared>>
        %dma_wait3A_32 = arith.constant 0 : i32
        %dma_wait3A_33 = tpu.memref_slice %arg5[%mul3A_2, %dma_wait3A_32] : memref<10000x128xf32, #tpu.memory_space<hbm>> -> memref<400x128xf32, #tpu.memory_space<hbm>>
        tpu.wait_dma2 semaphore(%run_scoped3A : memref<!tpu.dma_semaphore, #tpu.memory_space<semaphore_mem>>) src(%dma_wait3A_33 : memref<400x128xf32, #tpu.memory_space<hbm>>) dst(%dma_wait3A_31 : memref<400x128xf32, #tpu.memory_space<vmem_shared>>)
        tpu.yield
      }) : () -> ()
    } else {
    }
    %barrier3A = arith.constant 0 : index
    tpu.barrier barrier_id(%barrier3A)
    %scan3A = arith.constant 0 : i32
    %scan3A_9 = arith.constant 0 : i32
    %scan3A_10 = arith.constant 125 : i32
    %scan3A_11 = arith.addi %scan3A_9, %scan3A_10 : i32
    %scan3A_12 = arith.constant 1 : i32
    scf.for %scan3A_28 = %scan3A_9 to %scan3A_11 step %scan3A_12  : i32 {
      %mul3A_29 = arith.constant 10000 : i32
      %mul3A_30 = arith.muli %add3A, %mul3A_29 : i32
      %mul3A_31 = arith.constant 80 : i32
      %mul3A_32 = arith.muli %scan3A_28, %mul3A_31 : i32
      %add3A_33 = arith.addi %mul3A_30, %mul3A_32 : i32
      "tpu.region"() ({
        %run_scoped3A = tpu.sem_alloc : memref<!tpu.dma_semaphore, #tpu.memory_space<semaphore_mem>>
        %dma_start3A_38 = tpu.memref_slice %arg3[%add3A_33] : memref<320000xi32, #tpu.memory_space<hbm>> -> memref<80xi32, #tpu.memory_space<hbm>>
        %dma_start3A_39 = tpu.memref_slice %arg3[%add3A_33] : memref<320000xi32, #tpu.memory_space<hbm>> -> memref<80xi32, #tpu.memory_space<hbm>>
        tpu.enqueue_dma source(%dma_start3A_39 : memref<80xi32, #tpu.memory_space<hbm>>) target(%arg7 : memref<80xi32, #tpu.memory_space<vmem>>) target_semaphore(%run_scoped3A : memref<!tpu.dma_semaphore, #tpu.memory_space<semaphore_mem>>)
        %dma_wait3A_40 = tpu.memref_slice %arg3[%add3A_33] : memref<320000xi32, #tpu.memory_space<hbm>> -> memref<80xi32, #tpu.memory_space<hbm>>
        %dma_wait3A_41 = tpu.memref_slice %arg3[%add3A_33] : memref<320000xi32, #tpu.memory_space<hbm>> -> memref<80xi32, #tpu.memory_space<hbm>>
        tpu.wait_dma2 semaphore(%run_scoped3A : memref<!tpu.dma_semaphore, #tpu.memory_space<semaphore_mem>>) src(%dma_wait3A_41 : memref<80xi32, #tpu.memory_space<hbm>>) dst(%arg7 : memref<80xi32, #tpu.memory_space<vmem>>)
        tpu.yield
      }) : () -> ()
      "tpu.region"() ({
        %run_scoped3A = tpu.sem_alloc : memref<!tpu.dma_semaphore, #tpu.memory_space<semaphore_mem>>
        %dma_start3A_38 = tpu.memref_slice %arg4[%add3A_33] : memref<320000xi32, #tpu.memory_space<hbm>> -> memref<80xi32, #tpu.memory_space<hbm>>
        %dma_start3A_39 = tpu.memref_slice %arg4[%add3A_33] : memref<320000xi32, #tpu.memory_space<hbm>> -> memref<80xi32, #tpu.memory_space<hbm>>
        tpu.enqueue_dma source(%dma_start3A_39 : memref<80xi32, #tpu.memory_space<hbm>>) target(%arg8 : memref<80xi32, #tpu.memory_space<vmem>>) target_semaphore(%run_scoped3A : memref<!tpu.dma_semaphore, #tpu.memory_space<semaphore_mem>>)
        %dma_wait3A_40 = tpu.memref_slice %arg4[%add3A_33] : memref<320000xi32, #tpu.memory_space<hbm>> -> memref<80xi32, #tpu.memory_space<hbm>>
        %dma_wait3A_41 = tpu.memref_slice %arg4[%add3A_33] : memref<320000xi32, #tpu.memory_space<hbm>> -> memref<80xi32, #tpu.memory_space<hbm>>
        tpu.wait_dma2 semaphore(%run_scoped3A : memref<!tpu.dma_semaphore, #tpu.memory_space<semaphore_mem>>) src(%dma_wait3A_41 : memref<80xi32, #tpu.memory_space<hbm>>) dst(%arg8 : memref<80xi32, #tpu.memory_space<vmem>>)
        tpu.yield
      }) : () -> ()
      %dma_start3A = arith.constant 0 : i32
      %dma_start3A_34 = arith.constant 0 : i32
      %dma_start3A_35 = tpu.memref_slice %arg2[%dma_start3A, %dma_start3A_34] : memref<10000x128xf32, #tpu.memory_space<hbm>> -> memref<10000x128xf32, #tpu.memory_space<hbm>>
      tpu.enqueue_indirect_dma source(%dma_start3A_35 : memref<10000x128xf32, #tpu.memory_space<hbm>>) target(%arg9 : memref<80x128xf32, #tpu.memory_space<vmem>>) offsets(%arg7 : memref<80xi32, #tpu.memory_space<vmem>>) semaphore(%arg11 : memref<!tpu.dma_semaphore, #tpu.memory_space<semaphore_mem>>)
      %dma_wait3A = arith.constant 0 : i32
      %dma_wait3A_36 = arith.constant 0 : i32
      %dma_wait3A_37 = tpu.memref_slice %arg2[%dma_wait3A, %dma_wait3A_36] : memref<10000x128xf32, #tpu.memory_space<hbm>> -> memref<10000x128xf32, #tpu.memory_space<hbm>>
      tpu.wait_indirect_dma semaphore(%arg11 : memref<!tpu.dma_semaphore, #tpu.memory_space<semaphore_mem>>) src(%dma_wait3A_37 : memref<10000x128xf32, #tpu.memory_space<hbm>>) dst(%arg9 : memref<80x128xf32, #tpu.memory_space<vmem>>)
      "tpu.region"() ({
        %run_scoped3A = tpu.sem_alloc : memref<!tpu.dma_semaphore, #tpu.memory_space<semaphore_mem>>
        %dma_start3A_38 = arith.constant 0 : i32
        %dma_start3A_39 = arith.constant 0 : i32
        %dma_start3A_40 = tpu.memref_slice %arg10[%dma_start3A_38, %dma_start3A_39] : memref<10000x128xf32, #tpu.memory_space<vmem_shared>> -> memref<10000x128xf32, #tpu.memory_space<vmem_shared>>
        tpu.enqueue_indirect_dma source(%arg9 : memref<80x128xf32, #tpu.memory_space<vmem>>) target(%dma_start3A_40 : memref<10000x128xf32, #tpu.memory_space<vmem_shared>>) offsets(%arg8 : memref<80xi32, #tpu.memory_space<vmem>>) semaphore(%run_scoped3A : memref<!tpu.dma_semaphore, #tpu.memory_space<semaphore_mem>>) {add = true}
        %dma_wait3A_41 = arith.constant 0 : i32
        %dma_wait3A_42 = arith.constant 0 : i32
        %dma_wait3A_43 = tpu.memref_slice %arg10[%dma_wait3A_41, %dma_wait3A_42] : memref<10000x128xf32, #tpu.memory_space<vmem_shared>> -> memref<10000x128xf32, #tpu.memory_space<vmem_shared>>
        tpu.wait_indirect_dma semaphore(%run_scoped3A : memref<!tpu.dma_semaphore, #tpu.memory_space<semaphore_mem>>) src(%arg9 : memref<80x128xf32, #tpu.memory_space<vmem>>) dst(%dma_wait3A_43 : memref<10000x128xf32, #tpu.memory_space<vmem_shared>>)
        tpu.yield
      }) : () -> ()
    }
    %scan3A_13 = arith.constant 125 : i32
    %barrier3A_14 = arith.constant 0 : index
    tpu.barrier barrier_id(%barrier3A_14)
    %mul3A_15 = arith.constant 10000 : i32
    %mul3A_16 = arith.muli %arg0, %mul3A_15 : i32
    %add3A_17 = arith.addi %mul3A_16, %mul3A_2 : i32
    %lt3A_18 = arith.constant 15 : i32
    %lt3A_19 = arith.cmpi slt, %arg1, %lt3A_18 : i32
    %convert_element_type3A_20 = arith.extui %lt3A_19 : i1 to i32
    %cond3A_21 = arith.constant 0 : i32
    %cond3A_22 = arith.cmpi ne, %convert_element_type3A_20, %cond3A_21 : i32
    scf.if %cond3A_22 {
      "tpu.region"() ({
        %run_scoped3A = tpu.sem_alloc : memref<!tpu.dma_semaphore, #tpu.memory_space<semaphore_mem>>
        %dma_start3A = arith.constant 0 : i32
        %dma_start3A_28 = tpu.memref_slice %arg6[%add3A_17, %dma_start3A] : memref<20000x128xf32, #tpu.memory_space<hbm>> -> memref<640x128xf32, #tpu.memory_space<hbm>>
        %dma_start3A_29 = arith.constant 0 : i32
        %dma_start3A_30 = tpu.memref_slice %arg10[%mul3A_2, %dma_start3A_29] : memref<10000x128xf32, #tpu.memory_space<vmem_shared>> -> memref<640x128xf32, #tpu.memory_space<vmem_shared>>
        tpu.enqueue_dma source(%dma_start3A_30 : memref<640x128xf32, #tpu.memory_space<vmem_shared>>) target(%dma_start3A_28 : memref<640x128xf32, #tpu.memory_space<hbm>>) target_semaphore(%run_scoped3A : memref<!tpu.dma_semaphore, #tpu.memory_space<semaphore_mem>>)
        %dma_wait3A = arith.constant 0 : i32
        %dma_wait3A_31 = tpu.memref_slice %arg6[%add3A_17, %dma_wait3A] : memref<20000x128xf32, #tpu.memory_space<hbm>> -> memref<640x128xf32, #tpu.memory_space<hbm>>
        %dma_wait3A_32 = arith.constant 0 : i32
        %dma_wait3A_33 = tpu.memref_slice %arg10[%mul3A_2, %dma_wait3A_32] : memref<10000x128xf32, #tpu.memory_space<vmem_shared>> -> memref<640x128xf32, #tpu.memory_space<vmem_shared>>
        tpu.wait_dma2 semaphore(%run_scoped3A : memref<!tpu.dma_semaphore, #tpu.memory_space<semaphore_mem>>) src(%dma_wait3A_33 : memref<640x128xf32, #tpu.memory_space<vmem_shared>>) dst(%dma_wait3A_31 : memref<640x128xf32, #tpu.memory_space<hbm>>)
        tpu.yield
      }) : () -> ()
    } else {
    }
    %eq3A_23 = arith.constant 15 : i32
    %eq3A_24 = arith.cmpi eq, %arg1, %eq3A_23 : i32
    %convert_element_type3A_25 = arith.extui %eq3A_24 : i1 to i32
    %cond3A_26 = arith.constant 0 : i32
    %cond3A_27 = arith.cmpi ne, %convert_element_type3A_25, %cond3A_26 : i32
    scf.if %cond3A_27 {
      "tpu.region"() ({
        %run_scoped3A = tpu.sem_alloc : memref<!tpu.dma_semaphore, #tpu.memory_space<semaphore_mem>>
        %dma_start3A = arith.constant 0 : i32
        %dma_start3A_28 = tpu.memref_slice %arg6[%add3A_17, %dma_start3A] : memref<20000x128xf32, #tpu.memory_space<hbm>> -> memref<400x128xf32, #tpu.memory_space<hbm>>
        %dma_start3A_29 = arith.constant 0 : i32
        %dma_start3A_30 = tpu.memref_slice %arg10[%mul3A_2, %dma_start3A_29] : memref<10000x128xf32, #tpu.memory_space<vmem_shared>> -> memref<400x128xf32, #tpu.memory_space<vmem_shared>>
        tpu.enqueue_dma source(%dma_start3A_30 : memref<400x128xf32, #tpu.memory_space<vmem_shared>>) target(%dma_start3A_28 : memref<400x128xf32, #tpu.memory_space<hbm>>) target_semaphore(%run_scoped3A : memref<!tpu.dma_semaphore, #tpu.memory_space<semaphore_mem>>)
        %dma_wait3A = arith.constant 0 : i32
        %dma_wait3A_31 = tpu.memref_slice %arg6[%add3A_17, %dma_wait3A] : memref<20000x128xf32, #tpu.memory_space<hbm>> -> memref<400x128xf32, #tpu.memory_space<hbm>>
        %dma_wait3A_32 = arith.constant 0 : i32
        %dma_wait3A_33 = tpu.memref_slice %arg10[%mul3A_2, %dma_wait3A_32] : memref<10000x128xf32, #tpu.memory_space<vmem_shared>> -> memref<400x128xf32, #tpu.memory_space<vmem_shared>>
        tpu.wait_dma2 semaphore(%run_scoped3A : memref<!tpu.dma_semaphore, #tpu.memory_space<semaphore_mem>>) src(%dma_wait3A_33 : memref<400x128xf32, #tpu.memory_space<vmem_shared>>) dst(%dma_wait3A_31 : memref<400x128xf32, #tpu.memory_space<hbm>>)
        tpu.yield
      }) : () -> ()
    } else {
    }
    return
  }
}

#map = affine_map<(d0, d1) -> (0, 0)>
#map1 = affine_map<(d0, d1) -> (0)>
module attributes {stable_mosaic.version = 14 : i64} {
  func.func @body(%arg0: i32, %arg1: i32, %arg2: memref<10000x128xf32, #tpu.memory_space<hbm>>, %arg3: memref<320000xi32, #tpu.memory_space<hbm>>, %arg4: memref<320000xi32, #tpu.memory_space<hbm>>, %arg5: memref<10000x128xf32, #tpu.memory_space<hbm>>, %arg6: memref<320000x16xf32, #tpu.memory_space<hbm>>, %arg7: memref<10000x16xf32, #tpu.memory_space<hbm>>, %arg8: memref<20000x128xf32, #tpu.memory_space<hbm>>, %arg9: memref<20000x16xf32, #tpu.memory_space<hbm>>, %arg10: memref<80xi32, #tpu.memory_space<vmem>>, %arg11: memref<80xi32, #tpu.memory_space<vmem>>, %arg12: memref<80x128xf32, #tpu.memory_space<vmem>>, %arg13: memref<10000x128xf32, #tpu.memory_space<vmem_shared>>, %arg14: memref<!tpu.dma_semaphore, #tpu.memory_space<semaphore_mem>>, %arg15: memref<80x16xf32, #tpu.memory_space<vmem>>, %arg16: memref<10000x16xf32, #tpu.memory_space<vmem_shared>>) attributes {dimension_semantics = [#tpu.dimension_semantics<core_parallel>, #tpu.dimension_semantics<subcore_parallel>], iteration_bounds = array<i64: 2, 16>, scalar_prefetch = 0 : i64, scratch_operands = 7 : i64, tpu.core_type = #tpu.core_type<sc_vector_subcore>, window_params = [{transform_indices = #map}, {transform_indices = #map1}, {transform_indices = #map1}, {transform_indices = #map}, {transform_indices = #map}, {transform_indices = #map}, {transform_indices = #map}, {transform_indices = #map}]} {
    %mul3A = arith.constant 2 : i32
    %mul3A_0 = arith.muli %arg1, %mul3A : i32
    %add3A = arith.addi %mul3A_0, %arg0 : i32
    %mul3A_1 = arith.constant 640 : i32
    %mul3A_2 = arith.muli %arg1, %mul3A_1 : i32
    %lt3A = arith.constant 15 : i32
    %lt3A_3 = arith.cmpi slt, %arg1, %lt3A : i32
    %convert_element_type3A = arith.extui %lt3A_3 : i1 to i32
    %cond3A = arith.constant 0 : i32
    %cond3A_4 = arith.cmpi ne, %convert_element_type3A, %cond3A : i32
    scf.if %cond3A_4 {
      "tpu.region"() ({
        %run_scoped3A = tpu.sem_alloc : memref<!tpu.dma_semaphore, #tpu.memory_space<semaphore_mem>>
        %dma_start3A = arith.constant 0 : i32
        %dma_start3A_28 = tpu.memref_slice %arg13[%mul3A_2, %dma_start3A] : memref<10000x128xf32, #tpu.memory_space<vmem_shared>> -> memref<640x128xf32, #tpu.memory_space<vmem_shared>>
        %dma_start3A_29 = arith.constant 0 : i32
        %dma_start3A_30 = tpu.memref_slice %arg5[%mul3A_2, %dma_start3A_29] : memref<10000x128xf32, #tpu.memory_space<hbm>> -> memref<640x128xf32, #tpu.memory_space<hbm>>
        tpu.enqueue_dma source(%dma_start3A_30 : memref<640x128xf32, #tpu.memory_space<hbm>>) target(%dma_start3A_28 : memref<640x128xf32, #tpu.memory_space<vmem_shared>>) target_semaphore(%run_scoped3A : memref<!tpu.dma_semaphore, #tpu.memory_space<semaphore_mem>>)
        %dma_wait3A = arith.constant 0 : i32
        %dma_wait3A_31 = tpu.memref_slice %arg13[%mul3A_2, %dma_wait3A] : memref<10000x128xf32, #tpu.memory_space<vmem_shared>> -> memref<640x128xf32, #tpu.memory_space<vmem_shared>>
        %dma_wait3A_32 = arith.constant 0 : i32
        %dma_wait3A_33 = tpu.memref_slice %arg5[%mul3A_2, %dma_wait3A_32] : memref<10000x128xf32, #tpu.memory_space<hbm>> -> memref<640x128xf32, #tpu.memory_space<hbm>>
        tpu.wait_dma2 semaphore(%run_scoped3A : memref<!tpu.dma_semaphore, #tpu.memory_space<semaphore_mem>>) src(%dma_wait3A_33 : memref<640x128xf32, #tpu.memory_space<hbm>>) dst(%dma_wait3A_31 : memref<640x128xf32, #tpu.memory_space<vmem_shared>>)
        tpu.yield
      }) : () -> ()
      "tpu.region"() ({
        %run_scoped3A = tpu.sem_alloc : memref<!tpu.dma_semaphore, #tpu.memory_space<semaphore_mem>>
        %dma_start3A = arith.constant 0 : i32
        %dma_start3A_28 = tpu.memref_slice %arg16[%mul3A_2, %dma_start3A] : memref<10000x16xf32, #tpu.memory_space<vmem_shared>> -> memref<640x16xf32, #tpu.memory_space<vmem_shared>>
        %dma_start3A_29 = arith.constant 0 : i32
        %dma_start3A_30 = tpu.memref_slice %arg7[%mul3A_2, %dma_start3A_29] : memref<10000x16xf32, #tpu.memory_space<hbm>> -> memref<640x16xf32, #tpu.memory_space<hbm>>
        tpu.enqueue_dma source(%dma_start3A_30 : memref<640x16xf32, #tpu.memory_space<hbm>>) target(%dma_start3A_28 : memref<640x16xf32, #tpu.memory_space<vmem_shared>>) target_semaphore(%run_scoped3A : memref<!tpu.dma_semaphore, #tpu.memory_space<semaphore_mem>>)
        %dma_wait3A = arith.constant 0 : i32
        %dma_wait3A_31 = tpu.memref_slice %arg16[%mul3A_2, %dma_wait3A] : memref<10000x16xf32, #tpu.memory_space<vmem_shared>> -> memref<640x16xf32, #tpu.memory_space<vmem_shared>>
        %dma_wait3A_32 = arith.constant 0 : i32
        %dma_wait3A_33 = tpu.memref_slice %arg7[%mul3A_2, %dma_wait3A_32] : memref<10000x16xf32, #tpu.memory_space<hbm>> -> memref<640x16xf32, #tpu.memory_space<hbm>>
        tpu.wait_dma2 semaphore(%run_scoped3A : memref<!tpu.dma_semaphore, #tpu.memory_space<semaphore_mem>>) src(%dma_wait3A_33 : memref<640x16xf32, #tpu.memory_space<hbm>>) dst(%dma_wait3A_31 : memref<640x16xf32, #tpu.memory_space<vmem_shared>>)
        tpu.yield
      }) : () -> ()
    } else {
    }
    %eq3A = arith.constant 15 : i32
    %eq3A_5 = arith.cmpi eq, %arg1, %eq3A : i32
    %convert_element_type3A_6 = arith.extui %eq3A_5 : i1 to i32
    %cond3A_7 = arith.constant 0 : i32
    %cond3A_8 = arith.cmpi ne, %convert_element_type3A_6, %cond3A_7 : i32
    scf.if %cond3A_8 {
      "tpu.region"() ({
        %run_scoped3A = tpu.sem_alloc : memref<!tpu.dma_semaphore, #tpu.memory_space<semaphore_mem>>
        %dma_start3A = arith.constant 0 : i32
        %dma_start3A_28 = tpu.memref_slice %arg13[%mul3A_2, %dma_start3A] : memref<10000x128xf32, #tpu.memory_space<vmem_shared>> -> memref<400x128xf32, #tpu.memory_space<vmem_shared>>
        %dma_start3A_29 = arith.constant 0 : i32
        %dma_start3A_30 = tpu.memref_slice %arg5[%mul3A_2, %dma_start3A_29] : memref<10000x128xf32, #tpu.memory_space<hbm>> -> memref<400x128xf32, #tpu.memory_space<hbm>>
        tpu.enqueue_dma source(%dma_start3A_30 : memref<400x128xf32, #tpu.memory_space<hbm>>) target(%dma_start3A_28 : memref<400x128xf32, #tpu.memory_space<vmem_shared>>) target_semaphore(%run_scoped3A : memref<!tpu.dma_semaphore, #tpu.memory_space<semaphore_mem>>)
        %dma_wait3A = arith.constant 0 : i32
        %dma_wait3A_31 = tpu.memref_slice %arg13[%mul3A_2, %dma_wait3A] : memref<10000x128xf32, #tpu.memory_space<vmem_shared>> -> memref<400x128xf32, #tpu.memory_space<vmem_shared>>
        %dma_wait3A_32 = arith.constant 0 : i32
        %dma_wait3A_33 = tpu.memref_slice %arg5[%mul3A_2, %dma_wait3A_32] : memref<10000x128xf32, #tpu.memory_space<hbm>> -> memref<400x128xf32, #tpu.memory_space<hbm>>
        tpu.wait_dma2 semaphore(%run_scoped3A : memref<!tpu.dma_semaphore, #tpu.memory_space<semaphore_mem>>) src(%dma_wait3A_33 : memref<400x128xf32, #tpu.memory_space<hbm>>) dst(%dma_wait3A_31 : memref<400x128xf32, #tpu.memory_space<vmem_shared>>)
        tpu.yield
      }) : () -> ()
      "tpu.region"() ({
        %run_scoped3A = tpu.sem_alloc : memref<!tpu.dma_semaphore, #tpu.memory_space<semaphore_mem>>
        %dma_start3A = arith.constant 0 : i32
        %dma_start3A_28 = tpu.memref_slice %arg16[%mul3A_2, %dma_start3A] : memref<10000x16xf32, #tpu.memory_space<vmem_shared>> -> memref<400x16xf32, #tpu.memory_space<vmem_shared>>
        %dma_start3A_29 = arith.constant 0 : i32
        %dma_start3A_30 = tpu.memref_slice %arg7[%mul3A_2, %dma_start3A_29] : memref<10000x16xf32, #tpu.memory_space<hbm>> -> memref<400x16xf32, #tpu.memory_space<hbm>>
        tpu.enqueue_dma source(%dma_start3A_30 : memref<400x16xf32, #tpu.memory_space<hbm>>) target(%dma_start3A_28 : memref<400x16xf32, #tpu.memory_space<vmem_shared>>) target_semaphore(%run_scoped3A : memref<!tpu.dma_semaphore, #tpu.memory_space<semaphore_mem>>)
        %dma_wait3A = arith.constant 0 : i32
        %dma_wait3A_31 = tpu.memref_slice %arg16[%mul3A_2, %dma_wait3A] : memref<10000x16xf32, #tpu.memory_space<vmem_shared>> -> memref<400x16xf32, #tpu.memory_space<vmem_shared>>
        %dma_wait3A_32 = arith.constant 0 : i32
        %dma_wait3A_33 = tpu.memref_slice %arg7[%mul3A_2, %dma_wait3A_32] : memref<10000x16xf32, #tpu.memory_space<hbm>> -> memref<400x16xf32, #tpu.memory_space<hbm>>
        tpu.wait_dma2 semaphore(%run_scoped3A : memref<!tpu.dma_semaphore, #tpu.memory_space<semaphore_mem>>) src(%dma_wait3A_33 : memref<400x16xf32, #tpu.memory_space<hbm>>) dst(%dma_wait3A_31 : memref<400x16xf32, #tpu.memory_space<vmem_shared>>)
        tpu.yield
      }) : () -> ()
    } else {
    }
    %barrier3A = arith.constant 0 : index
    tpu.barrier barrier_id(%barrier3A)
    %scan3A = arith.constant 0 : i32
    %scan3A_9 = arith.constant 0 : i32
    %scan3A_10 = arith.constant 125 : i32
    %scan3A_11 = arith.addi %scan3A_9, %scan3A_10 : i32
    %scan3A_12 = arith.constant 1 : i32
    scf.for %scan3A_28 = %scan3A_9 to %scan3A_11 step %scan3A_12  : i32 {
      %mul3A_29 = arith.constant 10000 : i32
      %mul3A_30 = arith.muli %add3A, %mul3A_29 : i32
      %mul3A_31 = arith.constant 80 : i32
      %mul3A_32 = arith.muli %scan3A_28, %mul3A_31 : i32
      %add3A_33 = arith.addi %mul3A_30, %mul3A_32 : i32
      "tpu.region"() ({
        %run_scoped3A = tpu.sem_alloc : memref<!tpu.dma_semaphore, #tpu.memory_space<semaphore_mem>>
        %dma_start3A_38 = tpu.memref_slice %arg3[%add3A_33] : memref<320000xi32, #tpu.memory_space<hbm>> -> memref<80xi32, #tpu.memory_space<hbm>>
        %dma_start3A_39 = tpu.memref_slice %arg3[%add3A_33] : memref<320000xi32, #tpu.memory_space<hbm>> -> memref<80xi32, #tpu.memory_space<hbm>>
        tpu.enqueue_dma source(%dma_start3A_39 : memref<80xi32, #tpu.memory_space<hbm>>) target(%arg10 : memref<80xi32, #tpu.memory_space<vmem>>) target_semaphore(%run_scoped3A : memref<!tpu.dma_semaphore, #tpu.memory_space<semaphore_mem>>)
        %dma_wait3A_40 = tpu.memref_slice %arg3[%add3A_33] : memref<320000xi32, #tpu.memory_space<hbm>> -> memref<80xi32, #tpu.memory_space<hbm>>
        %dma_wait3A_41 = tpu.memref_slice %arg3[%add3A_33] : memref<320000xi32, #tpu.memory_space<hbm>> -> memref<80xi32, #tpu.memory_space<hbm>>
        tpu.wait_dma2 semaphore(%run_scoped3A : memref<!tpu.dma_semaphore, #tpu.memory_space<semaphore_mem>>) src(%dma_wait3A_41 : memref<80xi32, #tpu.memory_space<hbm>>) dst(%arg10 : memref<80xi32, #tpu.memory_space<vmem>>)
        tpu.yield
      }) : () -> ()
      "tpu.region"() ({
        %run_scoped3A = tpu.sem_alloc : memref<!tpu.dma_semaphore, #tpu.memory_space<semaphore_mem>>
        %dma_start3A_38 = tpu.memref_slice %arg4[%add3A_33] : memref<320000xi32, #tpu.memory_space<hbm>> -> memref<80xi32, #tpu.memory_space<hbm>>
        %dma_start3A_39 = tpu.memref_slice %arg4[%add3A_33] : memref<320000xi32, #tpu.memory_space<hbm>> -> memref<80xi32, #tpu.memory_space<hbm>>
        tpu.enqueue_dma source(%dma_start3A_39 : memref<80xi32, #tpu.memory_space<hbm>>) target(%arg11 : memref<80xi32, #tpu.memory_space<vmem>>) target_semaphore(%run_scoped3A : memref<!tpu.dma_semaphore, #tpu.memory_space<semaphore_mem>>)
        %dma_wait3A_40 = tpu.memref_slice %arg4[%add3A_33] : memref<320000xi32, #tpu.memory_space<hbm>> -> memref<80xi32, #tpu.memory_space<hbm>>
        %dma_wait3A_41 = tpu.memref_slice %arg4[%add3A_33] : memref<320000xi32, #tpu.memory_space<hbm>> -> memref<80xi32, #tpu.memory_space<hbm>>
        tpu.wait_dma2 semaphore(%run_scoped3A : memref<!tpu.dma_semaphore, #tpu.memory_space<semaphore_mem>>) src(%dma_wait3A_41 : memref<80xi32, #tpu.memory_space<hbm>>) dst(%arg11 : memref<80xi32, #tpu.memory_space<vmem>>)
        tpu.yield
      }) : () -> ()
      %dma_start3A = arith.constant 0 : i32
      %dma_start3A_34 = arith.constant 0 : i32
      %dma_start3A_35 = tpu.memref_slice %arg2[%dma_start3A, %dma_start3A_34] : memref<10000x128xf32, #tpu.memory_space<hbm>> -> memref<10000x128xf32, #tpu.memory_space<hbm>>
      tpu.enqueue_indirect_dma source(%dma_start3A_35 : memref<10000x128xf32, #tpu.memory_space<hbm>>) target(%arg12 : memref<80x128xf32, #tpu.memory_space<vmem>>) offsets(%arg10 : memref<80xi32, #tpu.memory_space<vmem>>) semaphore(%arg14 : memref<!tpu.dma_semaphore, #tpu.memory_space<semaphore_mem>>)
      "tpu.region"() ({
        %run_scoped3A = tpu.sem_alloc : memref<!tpu.dma_semaphore, #tpu.memory_space<semaphore_mem>>
        %dma_start3A_38 = arith.constant 0 : i32
        %dma_start3A_39 = tpu.memref_slice %arg6[%add3A_33, %dma_start3A_38] : memref<320000x16xf32, #tpu.memory_space<hbm>> -> memref<80x16xf32, #tpu.memory_space<hbm>>
        %dma_start3A_40 = arith.constant 0 : i32
        %dma_start3A_41 = tpu.memref_slice %arg6[%add3A_33, %dma_start3A_40] : memref<320000x16xf32, #tpu.memory_space<hbm>> -> memref<80x16xf32, #tpu.memory_space<hbm>>
        tpu.enqueue_dma source(%dma_start3A_41 : memref<80x16xf32, #tpu.memory_space<hbm>>) target(%arg15 : memref<80x16xf32, #tpu.memory_space<vmem>>) target_semaphore(%run_scoped3A : memref<!tpu.dma_semaphore, #tpu.memory_space<semaphore_mem>>)
        %dma_wait3A_42 = arith.constant 0 : i32
        %dma_wait3A_43 = tpu.memref_slice %arg6[%add3A_33, %dma_wait3A_42] : memref<320000x16xf32, #tpu.memory_space<hbm>> -> memref<80x16xf32, #tpu.memory_space<hbm>>
        %dma_wait3A_44 = arith.constant 0 : i32
        %dma_wait3A_45 = tpu.memref_slice %arg6[%add3A_33, %dma_wait3A_44] : memref<320000x16xf32, #tpu.memory_space<hbm>> -> memref<80x16xf32, #tpu.memory_space<hbm>>
        tpu.wait_dma2 semaphore(%run_scoped3A : memref<!tpu.dma_semaphore, #tpu.memory_space<semaphore_mem>>) src(%dma_wait3A_45 : memref<80x16xf32, #tpu.memory_space<hbm>>) dst(%arg15 : memref<80x16xf32, #tpu.memory_space<vmem>>)
        tpu.yield
      }) : () -> ()
      %dma_wait3A = arith.constant 0 : i32
      %dma_wait3A_36 = arith.constant 0 : i32
      %dma_wait3A_37 = tpu.memref_slice %arg2[%dma_wait3A, %dma_wait3A_36] : memref<10000x128xf32, #tpu.memory_space<hbm>> -> memref<10000x128xf32, #tpu.memory_space<hbm>>
      tpu.wait_indirect_dma semaphore(%arg14 : memref<!tpu.dma_semaphore, #tpu.memory_space<semaphore_mem>>) src(%dma_wait3A_37 : memref<10000x128xf32, #tpu.memory_space<hbm>>) dst(%arg12 : memref<80x128xf32, #tpu.memory_space<vmem>>)
      "tpu.region"() ({
        %run_scoped3A = tpu.sem_alloc : memref<!tpu.dma_semaphore, #tpu.memory_space<semaphore_mem>>
        %dma_start3A_38 = arith.constant 0 : i32
        %dma_start3A_39 = arith.constant 0 : i32
        %dma_start3A_40 = tpu.memref_slice %arg13[%dma_start3A_38, %dma_start3A_39] : memref<10000x128xf32, #tpu.memory_space<vmem_shared>> -> memref<10000x128xf32, #tpu.memory_space<vmem_shared>>
        tpu.enqueue_indirect_dma source(%arg12 : memref<80x128xf32, #tpu.memory_space<vmem>>) target(%dma_start3A_40 : memref<10000x128xf32, #tpu.memory_space<vmem_shared>>) offsets(%arg11 : memref<80xi32, #tpu.memory_space<vmem>>) semaphore(%run_scoped3A : memref<!tpu.dma_semaphore, #tpu.memory_space<semaphore_mem>>) {add = true}
        %dma_wait3A_41 = arith.constant 0 : i32
        %dma_wait3A_42 = arith.constant 0 : i32
        %dma_wait3A_43 = tpu.memref_slice %arg13[%dma_wait3A_41, %dma_wait3A_42] : memref<10000x128xf32, #tpu.memory_space<vmem_shared>> -> memref<10000x128xf32, #tpu.memory_space<vmem_shared>>
        tpu.wait_indirect_dma semaphore(%run_scoped3A : memref<!tpu.dma_semaphore, #tpu.memory_space<semaphore_mem>>) src(%arg12 : memref<80x128xf32, #tpu.memory_space<vmem>>) dst(%dma_wait3A_43 : memref<10000x128xf32, #tpu.memory_space<vmem_shared>>)
        tpu.yield
      }) : () -> ()
      "tpu.region"() ({
        %run_scoped3A = tpu.sem_alloc : memref<!tpu.dma_semaphore, #tpu.memory_space<semaphore_mem>>
        %dma_start3A_38 = arith.constant 0 : i32
        %dma_start3A_39 = arith.constant 0 : i32
        %dma_start3A_40 = tpu.memref_slice %arg16[%dma_start3A_38, %dma_start3A_39] : memref<10000x16xf32, #tpu.memory_space<vmem_shared>> -> memref<10000x16xf32, #tpu.memory_space<vmem_shared>>
        tpu.enqueue_indirect_dma source(%arg15 : memref<80x16xf32, #tpu.memory_space<vmem>>) target(%dma_start3A_40 : memref<10000x16xf32, #tpu.memory_space<vmem_shared>>) offsets(%arg11 : memref<80xi32, #tpu.memory_space<vmem>>) semaphore(%run_scoped3A : memref<!tpu.dma_semaphore, #tpu.memory_space<semaphore_mem>>) {add = true}
        %dma_wait3A_41 = arith.constant 0 : i32
        %dma_wait3A_42 = arith.constant 0 : i32
        %dma_wait3A_43 = tpu.memref_slice %arg16[%dma_wait3A_41, %dma_wait3A_42] : memref<10000x16xf32, #tpu.memory_space<vmem_shared>> -> memref<10000x16xf32, #tpu.memory_space<vmem_shared>>
        tpu.wait_indirect_dma semaphore(%run_scoped3A : memref<!tpu.dma_semaphore, #tpu.memory_space<semaphore_mem>>) src(%arg15 : memref<80x16xf32, #tpu.memory_space<vmem>>) dst(%dma_wait3A_43 : memref<10000x16xf32, #tpu.memory_space<vmem_shared>>)
        tpu.yield
      }) : () -> ()
    }
    %scan3A_13 = arith.constant 125 : i32
    %barrier3A_14 = arith.constant 0 : index
    tpu.barrier barrier_id(%barrier3A_14)
    %mul3A_15 = arith.constant 10000 : i32
    %mul3A_16 = arith.muli %arg0, %mul3A_15 : i32
    %add3A_17 = arith.addi %mul3A_16, %mul3A_2 : i32
    %lt3A_18 = arith.constant 15 : i32
    %lt3A_19 = arith.cmpi slt, %arg1, %lt3A_18 : i32
    %convert_element_type3A_20 = arith.extui %lt3A_19 : i1 to i32
    %cond3A_21 = arith.constant 0 : i32
    %cond3A_22 = arith.cmpi ne, %convert_element_type3A_20, %cond3A_21 : i32
    scf.if %cond3A_22 {
      "tpu.region"() ({
        %run_scoped3A = tpu.sem_alloc : memref<!tpu.dma_semaphore, #tpu.memory_space<semaphore_mem>>
        %dma_start3A = arith.constant 0 : i32
        %dma_start3A_28 = tpu.memref_slice %arg8[%add3A_17, %dma_start3A] : memref<20000x128xf32, #tpu.memory_space<hbm>> -> memref<640x128xf32, #tpu.memory_space<hbm>>
        %dma_start3A_29 = arith.constant 0 : i32
        %dma_start3A_30 = tpu.memref_slice %arg13[%mul3A_2, %dma_start3A_29] : memref<10000x128xf32, #tpu.memory_space<vmem_shared>> -> memref<640x128xf32, #tpu.memory_space<vmem_shared>>
        tpu.enqueue_dma source(%dma_start3A_30 : memref<640x128xf32, #tpu.memory_space<vmem_shared>>) target(%dma_start3A_28 : memref<640x128xf32, #tpu.memory_space<hbm>>) target_semaphore(%run_scoped3A : memref<!tpu.dma_semaphore, #tpu.memory_space<semaphore_mem>>)
        %dma_wait3A = arith.constant 0 : i32
        %dma_wait3A_31 = tpu.memref_slice %arg8[%add3A_17, %dma_wait3A] : memref<20000x128xf32, #tpu.memory_space<hbm>> -> memref<640x128xf32, #tpu.memory_space<hbm>>
        %dma_wait3A_32 = arith.constant 0 : i32
        %dma_wait3A_33 = tpu.memref_slice %arg13[%mul3A_2, %dma_wait3A_32] : memref<10000x128xf32, #tpu.memory_space<vmem_shared>> -> memref<640x128xf32, #tpu.memory_space<vmem_shared>>
        tpu.wait_dma2 semaphore(%run_scoped3A : memref<!tpu.dma_semaphore, #tpu.memory_space<semaphore_mem>>) src(%dma_wait3A_33 : memref<640x128xf32, #tpu.memory_space<vmem_shared>>) dst(%dma_wait3A_31 : memref<640x128xf32, #tpu.memory_space<hbm>>)
        tpu.yield
      }) : () -> ()
      "tpu.region"() ({
        %run_scoped3A = tpu.sem_alloc : memref<!tpu.dma_semaphore, #tpu.memory_space<semaphore_mem>>
        %dma_start3A = arith.constant 0 : i32
        %dma_start3A_28 = tpu.memref_slice %arg9[%add3A_17, %dma_start3A] : memref<20000x16xf32, #tpu.memory_space<hbm>> -> memref<640x16xf32, #tpu.memory_space<hbm>>
        %dma_start3A_29 = arith.constant 0 : i32
        %dma_start3A_30 = tpu.memref_slice %arg16[%mul3A_2, %dma_start3A_29] : memref<10000x16xf32, #tpu.memory_space<vmem_shared>> -> memref<640x16xf32, #tpu.memory_space<vmem_shared>>
        tpu.enqueue_dma source(%dma_start3A_30 : memref<640x16xf32, #tpu.memory_space<vmem_shared>>) target(%dma_start3A_28 : memref<640x16xf32, #tpu.memory_space<hbm>>) target_semaphore(%run_scoped3A : memref<!tpu.dma_semaphore, #tpu.memory_space<semaphore_mem>>)
        %dma_wait3A = arith.constant 0 : i32
        %dma_wait3A_31 = tpu.memref_slice %arg9[%add3A_17, %dma_wait3A] : memref<20000x16xf32, #tpu.memory_space<hbm>> -> memref<640x16xf32, #tpu.memory_space<hbm>>
        %dma_wait3A_32 = arith.constant 0 : i32
        %dma_wait3A_33 = tpu.memref_slice %arg16[%mul3A_2, %dma_wait3A_32] : memref<10000x16xf32, #tpu.memory_space<vmem_shared>> -> memref<640x16xf32, #tpu.memory_space<vmem_shared>>
        tpu.wait_dma2 semaphore(%run_scoped3A : memref<!tpu.dma_semaphore, #tpu.memory_space<semaphore_mem>>) src(%dma_wait3A_33 : memref<640x16xf32, #tpu.memory_space<vmem_shared>>) dst(%dma_wait3A_31 : memref<640x16xf32, #tpu.memory_space<hbm>>)
        tpu.yield
      }) : () -> ()
    } else {
    }
    %eq3A_23 = arith.constant 15 : i32
    %eq3A_24 = arith.cmpi eq, %arg1, %eq3A_23 : i32
    %convert_element_type3A_25 = arith.extui %eq3A_24 : i1 to i32
    %cond3A_26 = arith.constant 0 : i32
    %cond3A_27 = arith.cmpi ne, %convert_element_type3A_25, %cond3A_26 : i32
    scf.if %cond3A_27 {
      "tpu.region"() ({
        %run_scoped3A = tpu.sem_alloc : memref<!tpu.dma_semaphore, #tpu.memory_space<semaphore_mem>>
        %dma_start3A = arith.constant 0 : i32
        %dma_start3A_28 = tpu.memref_slice %arg8[%add3A_17, %dma_start3A] : memref<20000x128xf32, #tpu.memory_space<hbm>> -> memref<400x128xf32, #tpu.memory_space<hbm>>
        %dma_start3A_29 = arith.constant 0 : i32
        %dma_start3A_30 = tpu.memref_slice %arg13[%mul3A_2, %dma_start3A_29] : memref<10000x128xf32, #tpu.memory_space<vmem_shared>> -> memref<400x128xf32, #tpu.memory_space<vmem_shared>>
        tpu.enqueue_dma source(%dma_start3A_30 : memref<400x128xf32, #tpu.memory_space<vmem_shared>>) target(%dma_start3A_28 : memref<400x128xf32, #tpu.memory_space<hbm>>) target_semaphore(%run_scoped3A : memref<!tpu.dma_semaphore, #tpu.memory_space<semaphore_mem>>)
        %dma_wait3A = arith.constant 0 : i32
        %dma_wait3A_31 = tpu.memref_slice %arg8[%add3A_17, %dma_wait3A] : memref<20000x128xf32, #tpu.memory_space<hbm>> -> memref<400x128xf32, #tpu.memory_space<hbm>>
        %dma_wait3A_32 = arith.constant 0 : i32
        %dma_wait3A_33 = tpu.memref_slice %arg13[%mul3A_2, %dma_wait3A_32] : memref<10000x128xf32, #tpu.memory_space<vmem_shared>> -> memref<400x128xf32, #tpu.memory_space<vmem_shared>>
        tpu.wait_dma2 semaphore(%run_scoped3A : memref<!tpu.dma_semaphore, #tpu.memory_space<semaphore_mem>>) src(%dma_wait3A_33 : memref<400x128xf32, #tpu.memory_space<vmem_shared>>) dst(%dma_wait3A_31 : memref<400x128xf32, #tpu.memory_space<hbm>>)
        tpu.yield
      }) : () -> ()
      "tpu.region"() ({
        %run_scoped3A = tpu.sem_alloc : memref<!tpu.dma_semaphore, #tpu.memory_space<semaphore_mem>>
        %dma_start3A = arith.constant 0 : i32
        %dma_start3A_28 = tpu.memref_slice %arg9[%add3A_17, %dma_start3A] : memref<20000x16xf32, #tpu.memory_space<hbm>> -> memref<400x16xf32, #tpu.memory_space<hbm>>
        %dma_start3A_29 = arith.constant 0 : i32
        %dma_start3A_30 = tpu.memref_slice %arg16[%mul3A_2, %dma_start3A_29] : memref<10000x16xf32, #tpu.memory_space<vmem_shared>> -> memref<400x16xf32, #tpu.memory_space<vmem_shared>>
        tpu.enqueue_dma source(%dma_start3A_30 : memref<400x16xf32, #tpu.memory_space<vmem_shared>>) target(%dma_start3A_28 : memref<400x16xf32, #tpu.memory_space<hbm>>) target_semaphore(%run_scoped3A : memref<!tpu.dma_semaphore, #tpu.memory_space<semaphore_mem>>)
        %dma_wait3A = arith.constant 0 : i32
        %dma_wait3A_31 = tpu.memref_slice %arg9[%add3A_17, %dma_wait3A] : memref<20000x16xf32, #tpu.memory_space<hbm>> -> memref<400x16xf32, #tpu.memory_space<hbm>>
        %dma_wait3A_32 = arith.constant 0 : i32
        %dma_wait3A_33 = tpu.memref_slice %arg16[%mul3A_2, %dma_wait3A_32] : memref<10000x16xf32, #tpu.memory_space<vmem_shared>> -> memref<400x16xf32, #tpu.memory_space<vmem_shared>>
        tpu.wait_dma2 semaphore(%run_scoped3A : memref<!tpu.dma_semaphore, #tpu.memory_space<semaphore_mem>>) src(%dma_wait3A_33 : memref<400x16xf32, #tpu.memory_space<vmem_shared>>) dst(%dma_wait3A_31 : memref<400x16xf32, #tpu.memory_space<hbm>>)
        tpu.yield
      }) : () -> ()
    } else {
    }
    return
  }
}

#map = affine_map<(d0, d1) -> (0, 0)>
#map1 = affine_map<(d0, d1) -> (0)>
module attributes {stable_mosaic.version = 14 : i64} {
  func.func @body(%arg0: i32, %arg1: i32, %arg2: memref<10000x128xf32, #tpu.memory_space<hbm>>, %arg3: memref<320000xi32, #tpu.memory_space<hbm>>, %arg4: memref<320000xi32, #tpu.memory_space<hbm>>, %arg5: memref<10000x128xf32, #tpu.memory_space<hbm>>, %arg6: memref<320000x16xf32, #tpu.memory_space<hbm>>, %arg7: memref<10000x16xf32, #tpu.memory_space<hbm>>, %arg8: memref<10000x16xf32, #tpu.memory_space<hbm>>, %arg9: memref<20000x128xf32, #tpu.memory_space<hbm>>, %arg10: memref<20000x16xf32, #tpu.memory_space<hbm>>, %arg11: memref<80xi32, #tpu.memory_space<vmem>>, %arg12: memref<80xi32, #tpu.memory_space<vmem>>, %arg13: memref<80x128xf32, #tpu.memory_space<vmem>>, %arg14: memref<10000x128xf32, #tpu.memory_space<vmem_shared>>, %arg15: memref<!tpu.dma_semaphore, #tpu.memory_space<semaphore_mem>>, %arg16: memref<80x16xf32, #tpu.memory_space<vmem>>, %arg17: memref<10000x16xf32, #tpu.memory_space<vmem_shared>>, %arg18: memref<80x16xf32, #tpu.memory_space<vmem>>, %arg19: memref<!tpu.dma_semaphore, #tpu.memory_space<semaphore_mem>>) attributes {dimension_semantics = [#tpu.dimension_semantics<core_parallel>, #tpu.dimension_semantics<subcore_parallel>], iteration_bounds = array<i64: 2, 16>, scalar_prefetch = 0 : i64, scratch_operands = 9 : i64, tpu.core_type = #tpu.core_type<sc_vector_subcore>, window_params = [{transform_indices = #map}, {transform_indices = #map1}, {transform_indices = #map1}, {transform_indices = #map}, {transform_indices = #map}, {transform_indices = #map}, {transform_indices = #map}, {transform_indices = #map}, {transform_indices = #map}]} {
    %mul3A = arith.constant 2 : i32
    %mul3A_0 = arith.muli %arg1, %mul3A : i32
    %add3A = arith.addi %mul3A_0, %arg0 : i32
    %mul3A_1 = arith.constant 640 : i32
    %mul3A_2 = arith.muli %arg1, %mul3A_1 : i32
    %lt3A = arith.constant 15 : i32
    %lt3A_3 = arith.cmpi slt, %arg1, %lt3A : i32
    %convert_element_type3A = arith.extui %lt3A_3 : i1 to i32
    %cond3A = arith.constant 0 : i32
    %cond3A_4 = arith.cmpi ne, %convert_element_type3A, %cond3A : i32
    scf.if %cond3A_4 {
      "tpu.region"() ({
        %run_scoped3A = tpu.sem_alloc : memref<!tpu.dma_semaphore, #tpu.memory_space<semaphore_mem>>
        %dma_start3A = arith.constant 0 : i32
        %dma_start3A_28 = tpu.memref_slice %arg14[%mul3A_2, %dma_start3A] : memref<10000x128xf32, #tpu.memory_space<vmem_shared>> -> memref<640x128xf32, #tpu.memory_space<vmem_shared>>
        %dma_start3A_29 = arith.constant 0 : i32
        %dma_start3A_30 = tpu.memref_slice %arg5[%mul3A_2, %dma_start3A_29] : memref<10000x128xf32, #tpu.memory_space<hbm>> -> memref<640x128xf32, #tpu.memory_space<hbm>>
        tpu.enqueue_dma source(%dma_start3A_30 : memref<640x128xf32, #tpu.memory_space<hbm>>) target(%dma_start3A_28 : memref<640x128xf32, #tpu.memory_space<vmem_shared>>) target_semaphore(%run_scoped3A : memref<!tpu.dma_semaphore, #tpu.memory_space<semaphore_mem>>)
        %dma_wait3A = arith.constant 0 : i32
        %dma_wait3A_31 = tpu.memref_slice %arg14[%mul3A_2, %dma_wait3A] : memref<10000x128xf32, #tpu.memory_space<vmem_shared>> -> memref<640x128xf32, #tpu.memory_space<vmem_shared>>
        %dma_wait3A_32 = arith.constant 0 : i32
        %dma_wait3A_33 = tpu.memref_slice %arg5[%mul3A_2, %dma_wait3A_32] : memref<10000x128xf32, #tpu.memory_space<hbm>> -> memref<640x128xf32, #tpu.memory_space<hbm>>
        tpu.wait_dma2 semaphore(%run_scoped3A : memref<!tpu.dma_semaphore, #tpu.memory_space<semaphore_mem>>) src(%dma_wait3A_33 : memref<640x128xf32, #tpu.memory_space<hbm>>) dst(%dma_wait3A_31 : memref<640x128xf32, #tpu.memory_space<vmem_shared>>)
        tpu.yield
      }) : () -> ()
      "tpu.region"() ({
        %run_scoped3A = tpu.sem_alloc : memref<!tpu.dma_semaphore, #tpu.memory_space<semaphore_mem>>
        %dma_start3A = arith.constant 0 : i32
        %dma_start3A_28 = tpu.memref_slice %arg17[%mul3A_2, %dma_start3A] : memref<10000x16xf32, #tpu.memory_space<vmem_shared>> -> memref<640x16xf32, #tpu.memory_space<vmem_shared>>
        %dma_start3A_29 = arith.constant 0 : i32
        %dma_start3A_30 = tpu.memref_slice %arg7[%mul3A_2, %dma_start3A_29] : memref<10000x16xf32, #tpu.memory_space<hbm>> -> memref<640x16xf32, #tpu.memory_space<hbm>>
        tpu.enqueue_dma source(%dma_start3A_30 : memref<640x16xf32, #tpu.memory_space<hbm>>) target(%dma_start3A_28 : memref<640x16xf32, #tpu.memory_space<vmem_shared>>) target_semaphore(%run_scoped3A : memref<!tpu.dma_semaphore, #tpu.memory_space<semaphore_mem>>)
        %dma_wait3A = arith.constant 0 : i32
        %dma_wait3A_31 = tpu.memref_slice %arg17[%mul3A_2, %dma_wait3A] : memref<10000x16xf32, #tpu.memory_space<vmem_shared>> -> memref<640x16xf32, #tpu.memory_space<vmem_shared>>
        %dma_wait3A_32 = arith.constant 0 : i32
        %dma_wait3A_33 = tpu.memref_slice %arg7[%mul3A_2, %dma_wait3A_32] : memref<10000x16xf32, #tpu.memory_space<hbm>> -> memref<640x16xf32, #tpu.memory_space<hbm>>
        tpu.wait_dma2 semaphore(%run_scoped3A : memref<!tpu.dma_semaphore, #tpu.memory_space<semaphore_mem>>) src(%dma_wait3A_33 : memref<640x16xf32, #tpu.memory_space<hbm>>) dst(%dma_wait3A_31 : memref<640x16xf32, #tpu.memory_space<vmem_shared>>)
        tpu.yield
      }) : () -> ()
    } else {
    }
    %eq3A = arith.constant 15 : i32
    %eq3A_5 = arith.cmpi eq, %arg1, %eq3A : i32
    %convert_element_type3A_6 = arith.extui %eq3A_5 : i1 to i32
    %cond3A_7 = arith.constant 0 : i32
    %cond3A_8 = arith.cmpi ne, %convert_element_type3A_6, %cond3A_7 : i32
    scf.if %cond3A_8 {
      "tpu.region"() ({
        %run_scoped3A = tpu.sem_alloc : memref<!tpu.dma_semaphore, #tpu.memory_space<semaphore_mem>>
        %dma_start3A = arith.constant 0 : i32
        %dma_start3A_28 = tpu.memref_slice %arg14[%mul3A_2, %dma_start3A] : memref<10000x128xf32, #tpu.memory_space<vmem_shared>> -> memref<400x128xf32, #tpu.memory_space<vmem_shared>>
        %dma_start3A_29 = arith.constant 0 : i32
        %dma_start3A_30 = tpu.memref_slice %arg5[%mul3A_2, %dma_start3A_29] : memref<10000x128xf32, #tpu.memory_space<hbm>> -> memref<400x128xf32, #tpu.memory_space<hbm>>
        tpu.enqueue_dma source(%dma_start3A_30 : memref<400x128xf32, #tpu.memory_space<hbm>>) target(%dma_start3A_28 : memref<400x128xf32, #tpu.memory_space<vmem_shared>>) target_semaphore(%run_scoped3A : memref<!tpu.dma_semaphore, #tpu.memory_space<semaphore_mem>>)
        %dma_wait3A = arith.constant 0 : i32
        %dma_wait3A_31 = tpu.memref_slice %arg14[%mul3A_2, %dma_wait3A] : memref<10000x128xf32, #tpu.memory_space<vmem_shared>> -> memref<400x128xf32, #tpu.memory_space<vmem_shared>>
        %dma_wait3A_32 = arith.constant 0 : i32
        %dma_wait3A_33 = tpu.memref_slice %arg5[%mul3A_2, %dma_wait3A_32] : memref<10000x128xf32, #tpu.memory_space<hbm>> -> memref<400x128xf32, #tpu.memory_space<hbm>>
        tpu.wait_dma2 semaphore(%run_scoped3A : memref<!tpu.dma_semaphore, #tpu.memory_space<semaphore_mem>>) src(%dma_wait3A_33 : memref<400x128xf32, #tpu.memory_space<hbm>>) dst(%dma_wait3A_31 : memref<400x128xf32, #tpu.memory_space<vmem_shared>>)
        tpu.yield
      }) : () -> ()
      "tpu.region"() ({
        %run_scoped3A = tpu.sem_alloc : memref<!tpu.dma_semaphore, #tpu.memory_space<semaphore_mem>>
        %dma_start3A = arith.constant 0 : i32
        %dma_start3A_28 = tpu.memref_slice %arg17[%mul3A_2, %dma_start3A] : memref<10000x16xf32, #tpu.memory_space<vmem_shared>> -> memref<400x16xf32, #tpu.memory_space<vmem_shared>>
        %dma_start3A_29 = arith.constant 0 : i32
        %dma_start3A_30 = tpu.memref_slice %arg7[%mul3A_2, %dma_start3A_29] : memref<10000x16xf32, #tpu.memory_space<hbm>> -> memref<400x16xf32, #tpu.memory_space<hbm>>
        tpu.enqueue_dma source(%dma_start3A_30 : memref<400x16xf32, #tpu.memory_space<hbm>>) target(%dma_start3A_28 : memref<400x16xf32, #tpu.memory_space<vmem_shared>>) target_semaphore(%run_scoped3A : memref<!tpu.dma_semaphore, #tpu.memory_space<semaphore_mem>>)
        %dma_wait3A = arith.constant 0 : i32
        %dma_wait3A_31 = tpu.memref_slice %arg17[%mul3A_2, %dma_wait3A] : memref<10000x16xf32, #tpu.memory_space<vmem_shared>> -> memref<400x16xf32, #tpu.memory_space<vmem_shared>>
        %dma_wait3A_32 = arith.constant 0 : i32
        %dma_wait3A_33 = tpu.memref_slice %arg7[%mul3A_2, %dma_wait3A_32] : memref<10000x16xf32, #tpu.memory_space<hbm>> -> memref<400x16xf32, #tpu.memory_space<hbm>>
        tpu.wait_dma2 semaphore(%run_scoped3A : memref<!tpu.dma_semaphore, #tpu.memory_space<semaphore_mem>>) src(%dma_wait3A_33 : memref<400x16xf32, #tpu.memory_space<hbm>>) dst(%dma_wait3A_31 : memref<400x16xf32, #tpu.memory_space<vmem_shared>>)
        tpu.yield
      }) : () -> ()
    } else {
    }
    %barrier3A = arith.constant 0 : index
    tpu.barrier barrier_id(%barrier3A)
    %scan3A = arith.constant 0 : i32
    %scan3A_9 = arith.constant 0 : i32
    %scan3A_10 = arith.constant 125 : i32
    %scan3A_11 = arith.addi %scan3A_9, %scan3A_10 : i32
    %scan3A_12 = arith.constant 1 : i32
    scf.for %scan3A_28 = %scan3A_9 to %scan3A_11 step %scan3A_12  : i32 {
      %mul3A_29 = arith.constant 10000 : i32
      %mul3A_30 = arith.muli %add3A, %mul3A_29 : i32
      %mul3A_31 = arith.constant 80 : i32
      %mul3A_32 = arith.muli %scan3A_28, %mul3A_31 : i32
      %add3A_33 = arith.addi %mul3A_30, %mul3A_32 : i32
      "tpu.region"() ({
        %run_scoped3A = tpu.sem_alloc : memref<!tpu.dma_semaphore, #tpu.memory_space<semaphore_mem>>
        %dma_start3A_50 = tpu.memref_slice %arg3[%add3A_33] : memref<320000xi32, #tpu.memory_space<hbm>> -> memref<80xi32, #tpu.memory_space<hbm>>
        %dma_start3A_51 = tpu.memref_slice %arg3[%add3A_33] : memref<320000xi32, #tpu.memory_space<hbm>> -> memref<80xi32, #tpu.memory_space<hbm>>
        tpu.enqueue_dma source(%dma_start3A_51 : memref<80xi32, #tpu.memory_space<hbm>>) target(%arg11 : memref<80xi32, #tpu.memory_space<vmem>>) target_semaphore(%run_scoped3A : memref<!tpu.dma_semaphore, #tpu.memory_space<semaphore_mem>>)
        %dma_wait3A_52 = tpu.memref_slice %arg3[%add3A_33] : memref<320000xi32, #tpu.memory_space<hbm>> -> memref<80xi32, #tpu.memory_space<hbm>>
        %dma_wait3A_53 = tpu.memref_slice %arg3[%add3A_33] : memref<320000xi32, #tpu.memory_space<hbm>> -> memref<80xi32, #tpu.memory_space<hbm>>
        tpu.wait_dma2 semaphore(%run_scoped3A : memref<!tpu.dma_semaphore, #tpu.memory_space<semaphore_mem>>) src(%dma_wait3A_53 : memref<80xi32, #tpu.memory_space<hbm>>) dst(%arg11 : memref<80xi32, #tpu.memory_space<vmem>>)
        tpu.yield
      }) : () -> ()
      "tpu.region"() ({
        %run_scoped3A = tpu.sem_alloc : memref<!tpu.dma_semaphore, #tpu.memory_space<semaphore_mem>>
        %dma_start3A_50 = tpu.memref_slice %arg4[%add3A_33] : memref<320000xi32, #tpu.memory_space<hbm>> -> memref<80xi32, #tpu.memory_space<hbm>>
        %dma_start3A_51 = tpu.memref_slice %arg4[%add3A_33] : memref<320000xi32, #tpu.memory_space<hbm>> -> memref<80xi32, #tpu.memory_space<hbm>>
        tpu.enqueue_dma source(%dma_start3A_51 : memref<80xi32, #tpu.memory_space<hbm>>) target(%arg12 : memref<80xi32, #tpu.memory_space<vmem>>) target_semaphore(%run_scoped3A : memref<!tpu.dma_semaphore, #tpu.memory_space<semaphore_mem>>)
        %dma_wait3A_52 = tpu.memref_slice %arg4[%add3A_33] : memref<320000xi32, #tpu.memory_space<hbm>> -> memref<80xi32, #tpu.memory_space<hbm>>
        %dma_wait3A_53 = tpu.memref_slice %arg4[%add3A_33] : memref<320000xi32, #tpu.memory_space<hbm>> -> memref<80xi32, #tpu.memory_space<hbm>>
        tpu.wait_dma2 semaphore(%run_scoped3A : memref<!tpu.dma_semaphore, #tpu.memory_space<semaphore_mem>>) src(%dma_wait3A_53 : memref<80xi32, #tpu.memory_space<hbm>>) dst(%arg12 : memref<80xi32, #tpu.memory_space<vmem>>)
        tpu.yield
      }) : () -> ()
      %dma_start3A = arith.constant 0 : i32
      %dma_start3A_34 = arith.constant 0 : i32
      %dma_start3A_35 = tpu.memref_slice %arg2[%dma_start3A, %dma_start3A_34] : memref<10000x128xf32, #tpu.memory_space<hbm>> -> memref<10000x128xf32, #tpu.memory_space<hbm>>
      tpu.enqueue_indirect_dma source(%dma_start3A_35 : memref<10000x128xf32, #tpu.memory_space<hbm>>) target(%arg13 : memref<80x128xf32, #tpu.memory_space<vmem>>) offsets(%arg11 : memref<80xi32, #tpu.memory_space<vmem>>) semaphore(%arg15 : memref<!tpu.dma_semaphore, #tpu.memory_space<semaphore_mem>>)
      %dma_start3A_36 = arith.constant 0 : i32
      %dma_start3A_37 = arith.constant 0 : i32
      %dma_start3A_38 = tpu.memref_slice %arg8[%dma_start3A_36, %dma_start3A_37] : memref<10000x16xf32, #tpu.memory_space<hbm>> -> memref<10000x16xf32, #tpu.memory_space<hbm>>
      tpu.enqueue_indirect_dma source(%dma_start3A_38 : memref<10000x16xf32, #tpu.memory_space<hbm>>) target(%arg18 : memref<80x16xf32, #tpu.memory_space<vmem>>) offsets(%arg11 : memref<80xi32, #tpu.memory_space<vmem>>) semaphore(%arg19 : memref<!tpu.dma_semaphore, #tpu.memory_space<semaphore_mem>>)
      "tpu.region"() ({
        %run_scoped3A = tpu.sem_alloc : memref<!tpu.dma_semaphore, #tpu.memory_space<semaphore_mem>>
        %dma_start3A_50 = arith.constant 0 : i32
        %dma_start3A_51 = tpu.memref_slice %arg6[%add3A_33, %dma_start3A_50] : memref<320000x16xf32, #tpu.memory_space<hbm>> -> memref<80x16xf32, #tpu.memory_space<hbm>>
        %dma_start3A_52 = arith.constant 0 : i32
        %dma_start3A_53 = tpu.memref_slice %arg6[%add3A_33, %dma_start3A_52] : memref<320000x16xf32, #tpu.memory_space<hbm>> -> memref<80x16xf32, #tpu.memory_space<hbm>>
        tpu.enqueue_dma source(%dma_start3A_53 : memref<80x16xf32, #tpu.memory_space<hbm>>) target(%arg16 : memref<80x16xf32, #tpu.memory_space<vmem>>) target_semaphore(%run_scoped3A : memref<!tpu.dma_semaphore, #tpu.memory_space<semaphore_mem>>)
        %dma_wait3A_54 = arith.constant 0 : i32
        %dma_wait3A_55 = tpu.memref_slice %arg6[%add3A_33, %dma_wait3A_54] : memref<320000x16xf32, #tpu.memory_space<hbm>> -> memref<80x16xf32, #tpu.memory_space<hbm>>
        %dma_wait3A_56 = arith.constant 0 : i32
        %dma_wait3A_57 = tpu.memref_slice %arg6[%add3A_33, %dma_wait3A_56] : memref<320000x16xf32, #tpu.memory_space<hbm>> -> memref<80x16xf32, #tpu.memory_space<hbm>>
        tpu.wait_dma2 semaphore(%run_scoped3A : memref<!tpu.dma_semaphore, #tpu.memory_space<semaphore_mem>>) src(%dma_wait3A_57 : memref<80x16xf32, #tpu.memory_space<hbm>>) dst(%arg16 : memref<80x16xf32, #tpu.memory_space<vmem>>)
        tpu.yield
      }) : () -> ()
      %dma_wait3A = arith.constant 0 : i32
      %dma_wait3A_39 = arith.constant 0 : i32
      %dma_wait3A_40 = tpu.memref_slice %arg2[%dma_wait3A, %dma_wait3A_39] : memref<10000x128xf32, #tpu.memory_space<hbm>> -> memref<10000x128xf32, #tpu.memory_space<hbm>>
      tpu.wait_indirect_dma semaphore(%arg15 : memref<!tpu.dma_semaphore, #tpu.memory_space<semaphore_mem>>) src(%dma_wait3A_40 : memref<10000x128xf32, #tpu.memory_space<hbm>>) dst(%arg13 : memref<80x128xf32, #tpu.memory_space<vmem>>)
      %dma_wait3A_41 = arith.constant 0 : i32
      %dma_wait3A_42 = arith.constant 0 : i32
      %dma_wait3A_43 = tpu.memref_slice %arg8[%dma_wait3A_41, %dma_wait3A_42] : memref<10000x16xf32, #tpu.memory_space<hbm>> -> memref<10000x16xf32, #tpu.memory_space<hbm>>
      tpu.wait_indirect_dma semaphore(%arg19 : memref<!tpu.dma_semaphore, #tpu.memory_space<semaphore_mem>>) src(%dma_wait3A_43 : memref<10000x16xf32, #tpu.memory_space<hbm>>) dst(%arg18 : memref<80x16xf32, #tpu.memory_space<vmem>>)
      %scan3A_44 = arith.constant 0 : i32
      %scan3A_45 = arith.constant 0 : i32
      %scan3A_46 = arith.constant 10 : i32
      %scan3A_47 = arith.addi %scan3A_45, %scan3A_46 : i32
      %scan3A_48 = arith.constant 1 : i32
      scf.for %scan3A_50 = %scan3A_45 to %scan3A_47 step %scan3A_48  : i32 {
        %mul3A_51 = arith.constant 8 : i32
        %mul3A_52 = arith.muli %scan3A_50, %mul3A_51 : i32
        %add3A_53 = arith.constant 0 : i32
        %add3A_54 = arith.addi %mul3A_52, %add3A_53 : i32
        %get3A = arith.index_cast %add3A_54 : i32 to index
        %get3A_55 = arith.constant 0 : index
        %get3A_56 = tpu.vector_load %arg16[%get3A, %get3A_55] {strides = array<i32>} : memref<80x16xf32, #tpu.memory_space<vmem>>, vector<1x16xf32>,
        %get3A_57 = vector.shape_cast %get3A_56 : vector<1x16xf32> to vector<16xf32>
        %get3A_58 = arith.index_cast %add3A_54 : i32 to index
        %get3A_59 = arith.constant 0 : index
        %get3A_60 = tpu.vector_load %arg18[%get3A_58, %get3A_59] {strides = array<i32>} : memref<80x16xf32, #tpu.memory_space<vmem>>, vector<1x16xf32>,
        %get3A_61 = vector.shape_cast %get3A_60 : vector<1x16xf32> to vector<16xf32>
        %mul3A_62 = arith.mulf %get3A_57, %get3A_61 : vector<16xf32>
        %swap3A = arith.index_cast %add3A_54 : i32 to index
        %swap3A_63 = arith.constant 0 : index
        %swap3A_64 = tpu.vector_load %arg16[%swap3A, %swap3A_63] {strides = array<i32>} : memref<80x16xf32, #tpu.memory_space<vmem>>, vector<1x16xf32>,
        %swap3A_65 = vector.shape_cast %swap3A_64 : vector<1x16xf32> to vector<16xf32>
        %swap3A_66 = vector.shape_cast %mul3A_62 : vector<16xf32> to vector<1x16xf32>
        tpu.vector_store %arg16[%swap3A, %swap3A_63], %swap3A_66 {strides = array<i32>} : memref<80x16xf32, #tpu.memory_space<vmem>>, vector<1x16xf32>,
        %mul3A_67 = arith.constant 8 : i32
        %mul3A_68 = arith.muli %scan3A_50, %mul3A_67 : i32
        %add3A_69 = arith.constant 1 : i32
        %add3A_70 = arith.addi %mul3A_68, %add3A_69 : i32
        %get3A_71 = arith.index_cast %add3A_70 : i32 to index
        %get3A_72 = arith.constant 0 : index
        %get3A_73 = tpu.vector_load %arg16[%get3A_71, %get3A_72] {strides = array<i32>} : memref<80x16xf32, #tpu.memory_space<vmem>>, vector<1x16xf32>,
        %get3A_74 = vector.shape_cast %get3A_73 : vector<1x16xf32> to vector<16xf32>
        %get3A_75 = arith.index_cast %add3A_70 : i32 to index
        %get3A_76 = arith.constant 0 : index
        %get3A_77 = tpu.vector_load %arg18[%get3A_75, %get3A_76] {strides = array<i32>} : memref<80x16xf32, #tpu.memory_space<vmem>>, vector<1x16xf32>,
        %get3A_78 = vector.shape_cast %get3A_77 : vector<1x16xf32> to vector<16xf32>
        %mul3A_79 = arith.mulf %get3A_74, %get3A_78 : vector<16xf32>
        %swap3A_80 = arith.index_cast %add3A_70 : i32 to index
        %swap3A_81 = arith.constant 0 : index
        %swap3A_82 = tpu.vector_load %arg16[%swap3A_80, %swap3A_81] {strides = array<i32>} : memref<80x16xf32, #tpu.memory_space<vmem>>, vector<1x16xf32>,
        %swap3A_83 = vector.shape_cast %swap3A_82 : vector<1x16xf32> to vector<16xf32>
        %swap3A_84 = vector.shape_cast %mul3A_79 : vector<16xf32> to vector<1x16xf32>
        tpu.vector_store %arg16[%swap3A_80, %swap3A_81], %swap3A_84 {strides = array<i32>} : memref<80x16xf32, #tpu.memory_space<vmem>>, vector<1x16xf32>,
        %mul3A_85 = arith.constant 8 : i32
        %mul3A_86 = arith.muli %scan3A_50, %mul3A_85 : i32
        %add3A_87 = arith.constant 2 : i32
        %add3A_88 = arith.addi %mul3A_86, %add3A_87 : i32
        %get3A_89 = arith.index_cast %add3A_88 : i32 to index
        %get3A_90 = arith.constant 0 : index
        %get3A_91 = tpu.vector_load %arg16[%get3A_89, %get3A_90] {strides = array<i32>} : memref<80x16xf32, #tpu.memory_space<vmem>>, vector<1x16xf32>,
        %get3A_92 = vector.shape_cast %get3A_91 : vector<1x16xf32> to vector<16xf32>
        %get3A_93 = arith.index_cast %add3A_88 : i32 to index
        %get3A_94 = arith.constant 0 : index
        %get3A_95 = tpu.vector_load %arg18[%get3A_93, %get3A_94] {strides = array<i32>} : memref<80x16xf32, #tpu.memory_space<vmem>>, vector<1x16xf32>,
        %get3A_96 = vector.shape_cast %get3A_95 : vector<1x16xf32> to vector<16xf32>
        %mul3A_97 = arith.mulf %get3A_92, %get3A_96 : vector<16xf32>
        %swap3A_98 = arith.index_cast %add3A_88 : i32 to index
        %swap3A_99 = arith.constant 0 : index
        %swap3A_100 = tpu.vector_load %arg16[%swap3A_98, %swap3A_99] {strides = array<i32>} : memref<80x16xf32, #tpu.memory_space<vmem>>, vector<1x16xf32>,
        %swap3A_101 = vector.shape_cast %swap3A_100 : vector<1x16xf32> to vector<16xf32>
        %swap3A_102 = vector.shape_cast %mul3A_97 : vector<16xf32> to vector<1x16xf32>
        tpu.vector_store %arg16[%swap3A_98, %swap3A_99], %swap3A_102 {strides = array<i32>} : memref<80x16xf32, #tpu.memory_space<vmem>>, vector<1x16xf32>,
        %mul3A_103 = arith.constant 8 : i32
        %mul3A_104 = arith.muli %scan3A_50, %mul3A_103 : i32
        %add3A_105 = arith.constant 3 : i32
        %add3A_106 = arith.addi %mul3A_104, %add3A_105 : i32
        %get3A_107 = arith.index_cast %add3A_106 : i32 to index
        %get3A_108 = arith.constant 0 : index
        %get3A_109 = tpu.vector_load %arg16[%get3A_107, %get3A_108] {strides = array<i32>} : memref<80x16xf32, #tpu.memory_space<vmem>>, vector<1x16xf32>,
        %get3A_110 = vector.shape_cast %get3A_109 : vector<1x16xf32> to vector<16xf32>
        %get3A_111 = arith.index_cast %add3A_106 : i32 to index
        %get3A_112 = arith.constant 0 : index
        %get3A_113 = tpu.vector_load %arg18[%get3A_111, %get3A_112] {strides = array<i32>} : memref<80x16xf32, #tpu.memory_space<vmem>>, vector<1x16xf32>,
        %get3A_114 = vector.shape_cast %get3A_113 : vector<1x16xf32> to vector<16xf32>
        %mul3A_115 = arith.mulf %get3A_110, %get3A_114 : vector<16xf32>
        %swap3A_116 = arith.index_cast %add3A_106 : i32 to index
        %swap3A_117 = arith.constant 0 : index
        %swap3A_118 = tpu.vector_load %arg16[%swap3A_116, %swap3A_117] {strides = array<i32>} : memref<80x16xf32, #tpu.memory_space<vmem>>, vector<1x16xf32>,
        %swap3A_119 = vector.shape_cast %swap3A_118 : vector<1x16xf32> to vector<16xf32>
        %swap3A_120 = vector.shape_cast %mul3A_115 : vector<16xf32> to vector<1x16xf32>
        tpu.vector_store %arg16[%swap3A_116, %swap3A_117], %swap3A_120 {strides = array<i32>} : memref<80x16xf32, #tpu.memory_space<vmem>>, vector<1x16xf32>,
        %mul3A_121 = arith.constant 8 : i32
        %mul3A_122 = arith.muli %scan3A_50, %mul3A_121 : i32
        %add3A_123 = arith.constant 4 : i32
        %add3A_124 = arith.addi %mul3A_122, %add3A_123 : i32
        %get3A_125 = arith.index_cast %add3A_124 : i32 to index
        %get3A_126 = arith.constant 0 : index
        %get3A_127 = tpu.vector_load %arg16[%get3A_125, %get3A_126] {strides = array<i32>} : memref<80x16xf32, #tpu.memory_space<vmem>>, vector<1x16xf32>,
        %get3A_128 = vector.shape_cast %get3A_127 : vector<1x16xf32> to vector<16xf32>
        %get3A_129 = arith.index_cast %add3A_124 : i32 to index
        %get3A_130 = arith.constant 0 : index
        %get3A_131 = tpu.vector_load %arg18[%get3A_129, %get3A_130] {strides = array<i32>} : memref<80x16xf32, #tpu.memory_space<vmem>>, vector<1x16xf32>,
        %get3A_132 = vector.shape_cast %get3A_131 : vector<1x16xf32> to vector<16xf32>
        %mul3A_133 = arith.mulf %get3A_128, %get3A_132 : vector<16xf32>
        %swap3A_134 = arith.index_cast %add3A_124 : i32 to index
        %swap3A_135 = arith.constant 0 : index
        %swap3A_136 = tpu.vector_load %arg16[%swap3A_134, %swap3A_135] {strides = array<i32>} : memref<80x16xf32, #tpu.memory_space<vmem>>, vector<1x16xf32>,
        %swap3A_137 = vector.shape_cast %swap3A_136 : vector<1x16xf32> to vector<16xf32>
        %swap3A_138 = vector.shape_cast %mul3A_133 : vector<16xf32> to vector<1x16xf32>
        tpu.vector_store %arg16[%swap3A_134, %swap3A_135], %swap3A_138 {strides = array<i32>} : memref<80x16xf32, #tpu.memory_space<vmem>>, vector<1x16xf32>,
        %mul3A_139 = arith.constant 8 : i32
        %mul3A_140 = arith.muli %scan3A_50, %mul3A_139 : i32
        %add3A_141 = arith.constant 5 : i32
        %add3A_142 = arith.addi %mul3A_140, %add3A_141 : i32
        %get3A_143 = arith.index_cast %add3A_142 : i32 to index
        %get3A_144 = arith.constant 0 : index
        %get3A_145 = tpu.vector_load %arg16[%get3A_143, %get3A_144] {strides = array<i32>} : memref<80x16xf32, #tpu.memory_space<vmem>>, vector<1x16xf32>,
        %get3A_146 = vector.shape_cast %get3A_145 : vector<1x16xf32> to vector<16xf32>
        %get3A_147 = arith.index_cast %add3A_142 : i32 to index
        %get3A_148 = arith.constant 0 : index
        %get3A_149 = tpu.vector_load %arg18[%get3A_147, %get3A_148] {strides = array<i32>} : memref<80x16xf32, #tpu.memory_space<vmem>>, vector<1x16xf32>,
        %get3A_150 = vector.shape_cast %get3A_149 : vector<1x16xf32> to vector<16xf32>
        %mul3A_151 = arith.mulf %get3A_146, %get3A_150 : vector<16xf32>
        %swap3A_152 = arith.index_cast %add3A_142 : i32 to index
        %swap3A_153 = arith.constant 0 : index
        %swap3A_154 = tpu.vector_load %arg16[%swap3A_152, %swap3A_153] {strides = array<i32>} : memref<80x16xf32, #tpu.memory_space<vmem>>, vector<1x16xf32>,
        %swap3A_155 = vector.shape_cast %swap3A_154 : vector<1x16xf32> to vector<16xf32>
        %swap3A_156 = vector.shape_cast %mul3A_151 : vector<16xf32> to vector<1x16xf32>
        tpu.vector_store %arg16[%swap3A_152, %swap3A_153], %swap3A_156 {strides = array<i32>} : memref<80x16xf32, #tpu.memory_space<vmem>>, vector<1x16xf32>,
        %mul3A_157 = arith.constant 8 : i32
        %mul3A_158 = arith.muli %scan3A_50, %mul3A_157 : i32
        %add3A_159 = arith.constant 6 : i32
        %add3A_160 = arith.addi %mul3A_158, %add3A_159 : i32
        %get3A_161 = arith.index_cast %add3A_160 : i32 to index
        %get3A_162 = arith.constant 0 : index
        %get3A_163 = tpu.vector_load %arg16[%get3A_161, %get3A_162] {strides = array<i32>} : memref<80x16xf32, #tpu.memory_space<vmem>>, vector<1x16xf32>,
        %get3A_164 = vector.shape_cast %get3A_163 : vector<1x16xf32> to vector<16xf32>
        %get3A_165 = arith.index_cast %add3A_160 : i32 to index
        %get3A_166 = arith.constant 0 : index
        %get3A_167 = tpu.vector_load %arg18[%get3A_165, %get3A_166] {strides = array<i32>} : memref<80x16xf32, #tpu.memory_space<vmem>>, vector<1x16xf32>,
        %get3A_168 = vector.shape_cast %get3A_167 : vector<1x16xf32> to vector<16xf32>
        %mul3A_169 = arith.mulf %get3A_164, %get3A_168 : vector<16xf32>
        %swap3A_170 = arith.index_cast %add3A_160 : i32 to index
        %swap3A_171 = arith.constant 0 : index
        %swap3A_172 = tpu.vector_load %arg16[%swap3A_170, %swap3A_171] {strides = array<i32>} : memref<80x16xf32, #tpu.memory_space<vmem>>, vector<1x16xf32>,
        %swap3A_173 = vector.shape_cast %swap3A_172 : vector<1x16xf32> to vector<16xf32>
        %swap3A_174 = vector.shape_cast %mul3A_169 : vector<16xf32> to vector<1x16xf32>
        tpu.vector_store %arg16[%swap3A_170, %swap3A_171], %swap3A_174 {strides = array<i32>} : memref<80x16xf32, #tpu.memory_space<vmem>>, vector<1x16xf32>,
        %mul3A_175 = arith.constant 8 : i32
        %mul3A_176 = arith.muli %scan3A_50, %mul3A_175 : i32
        %add3A_177 = arith.constant 7 : i32
        %add3A_178 = arith.addi %mul3A_176, %add3A_177 : i32
        %get3A_179 = arith.index_cast %add3A_178 : i32 to index
        %get3A_180 = arith.constant 0 : index
        %get3A_181 = tpu.vector_load %arg16[%get3A_179, %get3A_180] {strides = array<i32>} : memref<80x16xf32, #tpu.memory_space<vmem>>, vector<1x16xf32>,
        %get3A_182 = vector.shape_cast %get3A_181 : vector<1x16xf32> to vector<16xf32>
        %get3A_183 = arith.index_cast %add3A_178 : i32 to index
        %get3A_184 = arith.constant 0 : index
        %get3A_185 = tpu.vector_load %arg18[%get3A_183, %get3A_184] {strides = array<i32>} : memref<80x16xf32, #tpu.memory_space<vmem>>, vector<1x16xf32>,
        %get3A_186 = vector.shape_cast %get3A_185 : vector<1x16xf32> to vector<16xf32>
        %mul3A_187 = arith.mulf %get3A_182, %get3A_186 : vector<16xf32>
        %swap3A_188 = arith.index_cast %add3A_178 : i32 to index
        %swap3A_189 = arith.constant 0 : index
        %swap3A_190 = tpu.vector_load %arg16[%swap3A_188, %swap3A_189] {strides = array<i32>} : memref<80x16xf32, #tpu.memory_space<vmem>>, vector<1x16xf32>,
        %swap3A_191 = vector.shape_cast %swap3A_190 : vector<1x16xf32> to vector<16xf32>
        %swap3A_192 = vector.shape_cast %mul3A_187 : vector<16xf32> to vector<1x16xf32>
        tpu.vector_store %arg16[%swap3A_188, %swap3A_189], %swap3A_192 {strides = array<i32>} : memref<80x16xf32, #tpu.memory_space<vmem>>, vector<1x16xf32>,
      }
      %scan3A_49 = arith.constant 10 : i32
      "tpu.region"() ({
        %run_scoped3A = tpu.sem_alloc : memref<!tpu.dma_semaphore, #tpu.memory_space<semaphore_mem>>
        %dma_start3A_50 = arith.constant 0 : i32
        %dma_start3A_51 = arith.constant 0 : i32
        %dma_start3A_52 = tpu.memref_slice %arg14[%dma_start3A_50, %dma_start3A_51] : memref<10000x128xf32, #tpu.memory_space<vmem_shared>> -> memref<10000x128xf32, #tpu.memory_space<vmem_shared>>
        tpu.enqueue_indirect_dma source(%arg13 : memref<80x128xf32, #tpu.memory_space<vmem>>) target(%dma_start3A_52 : memref<10000x128xf32, #tpu.memory_space<vmem_shared>>) offsets(%arg12 : memref<80xi32, #tpu.memory_space<vmem>>) semaphore(%run_scoped3A : memref<!tpu.dma_semaphore, #tpu.memory_space<semaphore_mem>>) {add = true}
        %dma_wait3A_53 = arith.constant 0 : i32
        %dma_wait3A_54 = arith.constant 0 : i32
        %dma_wait3A_55 = tpu.memref_slice %arg14[%dma_wait3A_53, %dma_wait3A_54] : memref<10000x128xf32, #tpu.memory_space<vmem_shared>> -> memref<10000x128xf32, #tpu.memory_space<vmem_shared>>
        tpu.wait_indirect_dma semaphore(%run_scoped3A : memref<!tpu.dma_semaphore, #tpu.memory_space<semaphore_mem>>) src(%arg13 : memref<80x128xf32, #tpu.memory_space<vmem>>) dst(%dma_wait3A_55 : memref<10000x128xf32, #tpu.memory_space<vmem_shared>>)
        tpu.yield
      }) : () -> ()
      "tpu.region"() ({
        %run_scoped3A = tpu.sem_alloc : memref<!tpu.dma_semaphore, #tpu.memory_space<semaphore_mem>>
        %dma_start3A_50 = arith.constant 0 : i32
        %dma_start3A_51 = arith.constant 0 : i32
        %dma_start3A_52 = tpu.memref_slice %arg17[%dma_start3A_50, %dma_start3A_51] : memref<10000x16xf32, #tpu.memory_space<vmem_shared>> -> memref<10000x16xf32, #tpu.memory_space<vmem_shared>>
        tpu.enqueue_indirect_dma source(%arg16 : memref<80x16xf32, #tpu.memory_space<vmem>>) target(%dma_start3A_52 : memref<10000x16xf32, #tpu.memory_space<vmem_shared>>) offsets(%arg12 : memref<80xi32, #tpu.memory_space<vmem>>) semaphore(%run_scoped3A : memref<!tpu.dma_semaphore, #tpu.memory_space<semaphore_mem>>) {add = true}
        %dma_wait3A_53 = arith.constant 0 : i32
        %dma_wait3A_54 = arith.constant 0 : i32
        %dma_wait3A_55 = tpu.memref_slice %arg17[%dma_wait3A_53, %dma_wait3A_54] : memref<10000x16xf32, #tpu.memory_space<vmem_shared>> -> memref<10000x16xf32, #tpu.memory_space<vmem_shared>>
        tpu.wait_indirect_dma semaphore(%run_scoped3A : memref<!tpu.dma_semaphore, #tpu.memory_space<semaphore_mem>>) src(%arg16 : memref<80x16xf32, #tpu.memory_space<vmem>>) dst(%dma_wait3A_55 : memref<10000x16xf32, #tpu.memory_space<vmem_shared>>)
        tpu.yield
      }) : () -> ()
    }
    %scan3A_13 = arith.constant 125 : i32
    %barrier3A_14 = arith.constant 0 : index
    tpu.barrier barrier_id(%barrier3A_14)
    %mul3A_15 = arith.constant 10000 : i32
    %mul3A_16 = arith.muli %arg0, %mul3A_15 : i32
    %add3A_17 = arith.addi %mul3A_16, %mul3A_2 : i32
    %lt3A_18 = arith.constant 15 : i32
    %lt3A_19 = arith.cmpi slt, %arg1, %lt3A_18 : i32
    %convert_element_type3A_20 = arith.extui %lt3A_19 : i1 to i32
    %cond3A_21 = arith.constant 0 : i32
    %cond3A_22 = arith.cmpi ne, %convert_element_type3A_20, %cond3A_21 : i32
    scf.if %cond3A_22 {
      "tpu.region"() ({
        %run_scoped3A = tpu.sem_alloc : memref<!tpu.dma_semaphore, #tpu.memory_space<semaphore_mem>>
        %dma_start3A = arith.constant 0 : i32
        %dma_start3A_28 = tpu.memref_slice %arg9[%add3A_17, %dma_start3A] : memref<20000x128xf32, #tpu.memory_space<hbm>> -> memref<640x128xf32, #tpu.memory_space<hbm>>
        %dma_start3A_29 = arith.constant 0 : i32
        %dma_start3A_30 = tpu.memref_slice %arg14[%mul3A_2, %dma_start3A_29] : memref<10000x128xf32, #tpu.memory_space<vmem_shared>> -> memref<640x128xf32, #tpu.memory_space<vmem_shared>>
        tpu.enqueue_dma source(%dma_start3A_30 : memref<640x128xf32, #tpu.memory_space<vmem_shared>>) target(%dma_start3A_28 : memref<640x128xf32, #tpu.memory_space<hbm>>) target_semaphore(%run_scoped3A : memref<!tpu.dma_semaphore, #tpu.memory_space<semaphore_mem>>)
        %dma_wait3A = arith.constant 0 : i32
        %dma_wait3A_31 = tpu.memref_slice %arg9[%add3A_17, %dma_wait3A] : memref<20000x128xf32, #tpu.memory_space<hbm>> -> memref<640x128xf32, #tpu.memory_space<hbm>>
        %dma_wait3A_32 = arith.constant 0 : i32
        %dma_wait3A_33 = tpu.memref_slice %arg14[%mul3A_2, %dma_wait3A_32] : memref<10000x128xf32, #tpu.memory_space<vmem_shared>> -> memref<640x128xf32, #tpu.memory_space<vmem_shared>>
        tpu.wait_dma2 semaphore(%run_scoped3A : memref<!tpu.dma_semaphore, #tpu.memory_space<semaphore_mem>>) src(%dma_wait3A_33 : memref<640x128xf32, #tpu.memory_space<vmem_shared>>) dst(%dma_wait3A_31 : memref<640x128xf32, #tpu.memory_space<hbm>>)
        tpu.yield
      }) : () -> ()
      "tpu.region"() ({
        %run_scoped3A = tpu.sem_alloc : memref<!tpu.dma_semaphore, #tpu.memory_space<semaphore_mem>>
        %dma_start3A = arith.constant 0 : i32
        %dma_start3A_28 = tpu.memref_slice %arg10[%add3A_17, %dma_start3A] : memref<20000x16xf32, #tpu.memory_space<hbm>> -> memref<640x16xf32, #tpu.memory_space<hbm>>
        %dma_start3A_29 = arith.constant 0 : i32
        %dma_start3A_30 = tpu.memref_slice %arg17[%mul3A_2, %dma_start3A_29] : memref<10000x16xf32, #tpu.memory_space<vmem_shared>> -> memref<640x16xf32, #tpu.memory_space<vmem_shared>>
        tpu.enqueue_dma source(%dma_start3A_30 : memref<640x16xf32, #tpu.memory_space<vmem_shared>>) target(%dma_start3A_28 : memref<640x16xf32, #tpu.memory_space<hbm>>) target_semaphore(%run_scoped3A : memref<!tpu.dma_semaphore, #tpu.memory_space<semaphore_mem>>)
        %dma_wait3A = arith.constant 0 : i32
        %dma_wait3A_31 = tpu.memref_slice %arg10[%add3A_17, %dma_wait3A] : memref<20000x16xf32, #tpu.memory_space<hbm>> -> memref<640x16xf32, #tpu.memory_space<hbm>>
        %dma_wait3A_32 = arith.constant 0 : i32
        %dma_wait3A_33 = tpu.memref_slice %arg17[%mul3A_2, %dma_wait3A_32] : memref<10000x16xf32, #tpu.memory_space<vmem_shared>> -> memref<640x16xf32, #tpu.memory_space<vmem_shared>>
        tpu.wait_dma2 semaphore(%run_scoped3A : memref<!tpu.dma_semaphore, #tpu.memory_space<semaphore_mem>>) src(%dma_wait3A_33 : memref<640x16xf32, #tpu.memory_space<vmem_shared>>) dst(%dma_wait3A_31 : memref<640x16xf32, #tpu.memory_space<hbm>>)
        tpu.yield
      }) : () -> ()
    } else {
    }
    %eq3A_23 = arith.constant 15 : i32
    %eq3A_24 = arith.cmpi eq, %arg1, %eq3A_23 : i32
    %convert_element_type3A_25 = arith.extui %eq3A_24 : i1 to i32
    %cond3A_26 = arith.constant 0 : i32
    %cond3A_27 = arith.cmpi ne, %convert_element_type3A_25, %cond3A_26 : i32
    scf.if %cond3A_27 {
      "tpu.region"() ({
        %run_scoped3A = tpu.sem_alloc : memref<!tpu.dma_semaphore, #tpu.memory_space<semaphore_mem>>
        %dma_start3A = arith.constant 0 : i32
        %dma_start3A_28 = tpu.memref_slice %arg9[%add3A_17, %dma_start3A] : memref<20000x128xf32, #tpu.memory_space<hbm>> -> memref<400x128xf32, #tpu.memory_space<hbm>>
        %dma_start3A_29 = arith.constant 0 : i32
        %dma_start3A_30 = tpu.memref_slice %arg14[%mul3A_2, %dma_start3A_29] : memref<10000x128xf32, #tpu.memory_space<vmem_shared>> -> memref<400x128xf32, #tpu.memory_space<vmem_shared>>
        tpu.enqueue_dma source(%dma_start3A_30 : memref<400x128xf32, #tpu.memory_space<vmem_shared>>) target(%dma_start3A_28 : memref<400x128xf32, #tpu.memory_space<hbm>>) target_semaphore(%run_scoped3A : memref<!tpu.dma_semaphore, #tpu.memory_space<semaphore_mem>>)
        %dma_wait3A = arith.constant 0 : i32
        %dma_wait3A_31 = tpu.memref_slice %arg9[%add3A_17, %dma_wait3A] : memref<20000x128xf32, #tpu.memory_space<hbm>> -> memref<400x128xf32, #tpu.memory_space<hbm>>
        %dma_wait3A_32 = arith.constant 0 : i32
        %dma_wait3A_33 = tpu.memref_slice %arg14[%mul3A_2, %dma_wait3A_32] : memref<10000x128xf32, #tpu.memory_space<vmem_shared>> -> memref<400x128xf32, #tpu.memory_space<vmem_shared>>
        tpu.wait_dma2 semaphore(%run_scoped3A : memref<!tpu.dma_semaphore, #tpu.memory_space<semaphore_mem>>) src(%dma_wait3A_33 : memref<400x128xf32, #tpu.memory_space<vmem_shared>>) dst(%dma_wait3A_31 : memref<400x128xf32, #tpu.memory_space<hbm>>)
        tpu.yield
      }) : () -> ()
      "tpu.region"() ({
        %run_scoped3A = tpu.sem_alloc : memref<!tpu.dma_semaphore, #tpu.memory_space<semaphore_mem>>
        %dma_start3A = arith.constant 0 : i32
        %dma_start3A_28 = tpu.memref_slice %arg10[%add3A_17, %dma_start3A] : memref<20000x16xf32, #tpu.memory_space<hbm>> -> memref<400x16xf32, #tpu.memory_space<hbm>>
        %dma_start3A_29 = arith.constant 0 : i32
        %dma_start3A_30 = tpu.memref_slice %arg17[%mul3A_2, %dma_start3A_29] : memref<10000x16xf32, #tpu.memory_space<vmem_shared>> -> memref<400x16xf32, #tpu.memory_space<vmem_shared>>
        tpu.enqueue_dma source(%dma_start3A_30 : memref<400x16xf32, #tpu.memory_space<vmem_shared>>) target(%dma_start3A_28 : memref<400x16xf32, #tpu.memory_space<hbm>>) target_semaphore(%run_scoped3A : memref<!tpu.dma_semaphore, #tpu.memory_space<semaphore_mem>>)
        %dma_wait3A = arith.constant 0 : i32
        %dma_wait3A_31 = tpu.memref_slice %arg10[%add3A_17, %dma_wait3A] : memref<20000x16xf32, #tpu.memory_space<hbm>> -> memref<400x16xf32, #tpu.memory_space<hbm>>
        %dma_wait3A_32 = arith.constant 0 : i32
        %dma_wait3A_33 = tpu.memref_slice %arg17[%mul3A_2, %dma_wait3A_32] : memref<10000x16xf32, #tpu.memory_space<vmem_shared>> -> memref<400x16xf32, #tpu.memory_space<vmem_shared>>
        tpu.wait_dma2 semaphore(%run_scoped3A : memref<!tpu.dma_semaphore, #tpu.memory_space<semaphore_mem>>) src(%dma_wait3A_33 : memref<400x16xf32, #tpu.memory_space<vmem_shared>>) dst(%dma_wait3A_31 : memref<400x16xf32, #tpu.memory_space<hbm>>)
        tpu.yield
      }) : () -> ()
    } else {
    }
    return
  }
}

#map = affine_map<(d0, d1) -> (0, 0)>
#map1 = affine_map<(d0, d1) -> (0)>
module attributes {stable_mosaic.version = 14 : i64} {
  func.func @body(%arg0: i32, %arg1: i32, %arg2: memref<10000x128xf32, #tpu.memory_space<hbm>>, %arg3: memref<320000xi32, #tpu.memory_space<hbm>>, %arg4: memref<320000xi32, #tpu.memory_space<hbm>>, %arg5: memref<10000x128xf32, #tpu.memory_space<hbm>>, %arg6: memref<20000x128xf32, #tpu.memory_space<hbm>>, %arg7: memref<80xi32, #tpu.memory_space<vmem>>, %arg8: memref<80xi32, #tpu.memory_space<vmem>>, %arg9: memref<80x128xf32, #tpu.memory_space<vmem>>, %arg10: memref<10000x128xf32, #tpu.memory_space<vmem_shared>>, %arg11: memref<!tpu.dma_semaphore, #tpu.memory_space<semaphore_mem>>) attributes {dimension_semantics = [#tpu.dimension_semantics<core_parallel>, #tpu.dimension_semantics<subcore_parallel>], iteration_bounds = array<i64: 2, 16>, scalar_prefetch = 0 : i64, scratch_operands = 5 : i64, tpu.core_type = #tpu.core_type<sc_vector_subcore>, window_params = [{transform_indices = #map}, {transform_indices = #map1}, {transform_indices = #map1}, {transform_indices = #map}, {transform_indices = #map}]} {
    %mul3A = arith.constant 2 : i32
    %mul3A_0 = arith.muli %arg1, %mul3A : i32
    %add3A = arith.addi %mul3A_0, %arg0 : i32
    %mul3A_1 = arith.constant 640 : i32
    %mul3A_2 = arith.muli %arg1, %mul3A_1 : i32
    %lt3A = arith.constant 15 : i32
    %lt3A_3 = arith.cmpi slt, %arg1, %lt3A : i32
    %convert_element_type3A = arith.extui %lt3A_3 : i1 to i32
    %cond3A = arith.constant 0 : i32
    %cond3A_4 = arith.cmpi ne, %convert_element_type3A, %cond3A : i32
    scf.if %cond3A_4 {
      "tpu.region"() ({
        %run_scoped3A = tpu.sem_alloc : memref<!tpu.dma_semaphore, #tpu.memory_space<semaphore_mem>>
        %dma_start3A = arith.constant 0 : i32
        %dma_start3A_28 = tpu.memref_slice %arg10[%mul3A_2, %dma_start3A] : memref<10000x128xf32, #tpu.memory_space<vmem_shared>> -> memref<640x128xf32, #tpu.memory_space<vmem_shared>>
        %dma_start3A_29 = arith.constant 0 : i32
        %dma_start3A_30 = tpu.memref_slice %arg5[%mul3A_2, %dma_start3A_29] : memref<10000x128xf32, #tpu.memory_space<hbm>> -> memref<640x128xf32, #tpu.memory_space<hbm>>
        tpu.enqueue_dma source(%dma_start3A_30 : memref<640x128xf32, #tpu.memory_space<hbm>>) target(%dma_start3A_28 : memref<640x128xf32, #tpu.memory_space<vmem_shared>>) target_semaphore(%run_scoped3A : memref<!tpu.dma_semaphore, #tpu.memory_space<semaphore_mem>>)
        %dma_wait3A = arith.constant 0 : i32
        %dma_wait3A_31 = tpu.memref_slice %arg10[%mul3A_2, %dma_wait3A] : memref<10000x128xf32, #tpu.memory_space<vmem_shared>> -> memref<640x128xf32, #tpu.memory_space<vmem_shared>>
        %dma_wait3A_32 = arith.constant 0 : i32
        %dma_wait3A_33 = tpu.memref_slice %arg5[%mul3A_2, %dma_wait3A_32] : memref<10000x128xf32, #tpu.memory_space<hbm>> -> memref<640x128xf32, #tpu.memory_space<hbm>>
        tpu.wait_dma2 semaphore(%run_scoped3A : memref<!tpu.dma_semaphore, #tpu.memory_space<semaphore_mem>>) src(%dma_wait3A_33 : memref<640x128xf32, #tpu.memory_space<hbm>>) dst(%dma_wait3A_31 : memref<640x128xf32, #tpu.memory_space<vmem_shared>>)
        tpu.yield
      }) : () -> ()
    } else {
    }
    %eq3A = arith.constant 15 : i32
    %eq3A_5 = arith.cmpi eq, %arg1, %eq3A : i32
    %convert_element_type3A_6 = arith.extui %eq3A_5 : i1 to i32
    %cond3A_7 = arith.constant 0 : i32
    %cond3A_8 = arith.cmpi ne, %convert_element_type3A_6, %cond3A_7 : i32
    scf.if %cond3A_8 {
      "tpu.region"() ({
        %run_scoped3A = tpu.sem_alloc : memref<!tpu.dma_semaphore, #tpu.memory_space<semaphore_mem>>
        %dma_start3A = arith.constant 0 : i32
        %dma_start3A_28 = tpu.memref_slice %arg10[%mul3A_2, %dma_start3A] : memref<10000x128xf32, #tpu.memory_space<vmem_shared>> -> memref<400x128xf32, #tpu.memory_space<vmem_shared>>
        %dma_start3A_29 = arith.constant 0 : i32
        %dma_start3A_30 = tpu.memref_slice %arg5[%mul3A_2, %dma_start3A_29] : memref<10000x128xf32, #tpu.memory_space<hbm>> -> memref<400x128xf32, #tpu.memory_space<hbm>>
        tpu.enqueue_dma source(%dma_start3A_30 : memref<400x128xf32, #tpu.memory_space<hbm>>) target(%dma_start3A_28 : memref<400x128xf32, #tpu.memory_space<vmem_shared>>) target_semaphore(%run_scoped3A : memref<!tpu.dma_semaphore, #tpu.memory_space<semaphore_mem>>)
        %dma_wait3A = arith.constant 0 : i32
        %dma_wait3A_31 = tpu.memref_slice %arg10[%mul3A_2, %dma_wait3A] : memref<10000x128xf32, #tpu.memory_space<vmem_shared>> -> memref<400x128xf32, #tpu.memory_space<vmem_shared>>
        %dma_wait3A_32 = arith.constant 0 : i32
        %dma_wait3A_33 = tpu.memref_slice %arg5[%mul3A_2, %dma_wait3A_32] : memref<10000x128xf32, #tpu.memory_space<hbm>> -> memref<400x128xf32, #tpu.memory_space<hbm>>
        tpu.wait_dma2 semaphore(%run_scoped3A : memref<!tpu.dma_semaphore, #tpu.memory_space<semaphore_mem>>) src(%dma_wait3A_33 : memref<400x128xf32, #tpu.memory_space<hbm>>) dst(%dma_wait3A_31 : memref<400x128xf32, #tpu.memory_space<vmem_shared>>)
        tpu.yield
      }) : () -> ()
    } else {
    }
    %barrier3A = arith.constant 0 : index
    tpu.barrier barrier_id(%barrier3A)
    %scan3A = arith.constant 0 : i32
    %scan3A_9 = arith.constant 0 : i32
    %scan3A_10 = arith.constant 125 : i32
    %scan3A_11 = arith.addi %scan3A_9, %scan3A_10 : i32
    %scan3A_12 = arith.constant 1 : i32
    scf.for %scan3A_28 = %scan3A_9 to %scan3A_11 step %scan3A_12  : i32 {
      %mul3A_29 = arith.constant 10000 : i32
      %mul3A_30 = arith.muli %add3A, %mul3A_29 : i32
      %mul3A_31 = arith.constant 80 : i32
      %mul3A_32 = arith.muli %scan3A_28, %mul3A_31 : i32
      %add3A_33 = arith.addi %mul3A_30, %mul3A_32 : i32
      "tpu.region"() ({
        %run_scoped3A = tpu.sem_alloc : memref<!tpu.dma_semaphore, #tpu.memory_space<semaphore_mem>>
        %dma_start3A_38 = tpu.memref_slice %arg3[%add3A_33] : memref<320000xi32, #tpu.memory_space<hbm>> -> memref<80xi32, #tpu.memory_space<hbm>>
        %dma_start3A_39 = tpu.memref_slice %arg3[%add3A_33] : memref<320000xi32, #tpu.memory_space<hbm>> -> memref<80xi32, #tpu.memory_space<hbm>>
        tpu.enqueue_dma source(%dma_start3A_39 : memref<80xi32, #tpu.memory_space<hbm>>) target(%arg7 : memref<80xi32, #tpu.memory_space<vmem>>) target_semaphore(%run_scoped3A : memref<!tpu.dma_semaphore, #tpu.memory_space<semaphore_mem>>)
        %dma_wait3A_40 = tpu.memref_slice %arg3[%add3A_33] : memref<320000xi32, #tpu.memory_space<hbm>> -> memref<80xi32, #tpu.memory_space<hbm>>
        %dma_wait3A_41 = tpu.memref_slice %arg3[%add3A_33] : memref<320000xi32, #tpu.memory_space<hbm>> -> memref<80xi32, #tpu.memory_space<hbm>>
        tpu.wait_dma2 semaphore(%run_scoped3A : memref<!tpu.dma_semaphore, #tpu.memory_space<semaphore_mem>>) src(%dma_wait3A_41 : memref<80xi32, #tpu.memory_space<hbm>>) dst(%arg7 : memref<80xi32, #tpu.memory_space<vmem>>)
        tpu.yield
      }) : () -> ()
      "tpu.region"() ({
        %run_scoped3A = tpu.sem_alloc : memref<!tpu.dma_semaphore, #tpu.memory_space<semaphore_mem>>
        %dma_start3A_38 = tpu.memref_slice %arg4[%add3A_33] : memref<320000xi32, #tpu.memory_space<hbm>> -> memref<80xi32, #tpu.memory_space<hbm>>
        %dma_start3A_39 = tpu.memref_slice %arg4[%add3A_33] : memref<320000xi32, #tpu.memory_space<hbm>> -> memref<80xi32, #tpu.memory_space<hbm>>
        tpu.enqueue_dma source(%dma_start3A_39 : memref<80xi32, #tpu.memory_space<hbm>>) target(%arg8 : memref<80xi32, #tpu.memory_space<vmem>>) target_semaphore(%run_scoped3A : memref<!tpu.dma_semaphore, #tpu.memory_space<semaphore_mem>>)
        %dma_wait3A_40 = tpu.memref_slice %arg4[%add3A_33] : memref<320000xi32, #tpu.memory_space<hbm>> -> memref<80xi32, #tpu.memory_space<hbm>>
        %dma_wait3A_41 = tpu.memref_slice %arg4[%add3A_33] : memref<320000xi32, #tpu.memory_space<hbm>> -> memref<80xi32, #tpu.memory_space<hbm>>
        tpu.wait_dma2 semaphore(%run_scoped3A : memref<!tpu.dma_semaphore, #tpu.memory_space<semaphore_mem>>) src(%dma_wait3A_41 : memref<80xi32, #tpu.memory_space<hbm>>) dst(%arg8 : memref<80xi32, #tpu.memory_space<vmem>>)
        tpu.yield
      }) : () -> ()
      %dma_start3A = arith.constant 0 : i32
      %dma_start3A_34 = arith.constant 0 : i32
      %dma_start3A_35 = tpu.memref_slice %arg2[%dma_start3A, %dma_start3A_34] : memref<10000x128xf32, #tpu.memory_space<hbm>> -> memref<10000x128xf32, #tpu.memory_space<hbm>>
      tpu.enqueue_indirect_dma source(%dma_start3A_35 : memref<10000x128xf32, #tpu.memory_space<hbm>>) target(%arg9 : memref<80x128xf32, #tpu.memory_space<vmem>>) offsets(%arg7 : memref<80xi32, #tpu.memory_space<vmem>>) semaphore(%arg11 : memref<!tpu.dma_semaphore, #tpu.memory_space<semaphore_mem>>)
      %dma_wait3A = arith.constant 0 : i32
      %dma_wait3A_36 = arith.constant 0 : i32
      %dma_wait3A_37 = tpu.memref_slice %arg2[%dma_wait3A, %dma_wait3A_36] : memref<10000x128xf32, #tpu.memory_space<hbm>> -> memref<10000x128xf32, #tpu.memory_space<hbm>>
      tpu.wait_indirect_dma semaphore(%arg11 : memref<!tpu.dma_semaphore, #tpu.memory_space<semaphore_mem>>) src(%dma_wait3A_37 : memref<10000x128xf32, #tpu.memory_space<hbm>>) dst(%arg9 : memref<80x128xf32, #tpu.memory_space<vmem>>)
      "tpu.region"() ({
        %run_scoped3A = tpu.sem_alloc : memref<!tpu.dma_semaphore, #tpu.memory_space<semaphore_mem>>
        %dma_start3A_38 = arith.constant 0 : i32
        %dma_start3A_39 = arith.constant 0 : i32
        %dma_start3A_40 = tpu.memref_slice %arg10[%dma_start3A_38, %dma_start3A_39] : memref<10000x128xf32, #tpu.memory_space<vmem_shared>> -> memref<10000x128xf32, #tpu.memory_space<vmem_shared>>
        tpu.enqueue_indirect_dma source(%arg9 : memref<80x128xf32, #tpu.memory_space<vmem>>) target(%dma_start3A_40 : memref<10000x128xf32, #tpu.memory_space<vmem_shared>>) offsets(%arg8 : memref<80xi32, #tpu.memory_space<vmem>>) semaphore(%run_scoped3A : memref<!tpu.dma_semaphore, #tpu.memory_space<semaphore_mem>>) {add = true}
        %dma_wait3A_41 = arith.constant 0 : i32
        %dma_wait3A_42 = arith.constant 0 : i32
        %dma_wait3A_43 = tpu.memref_slice %arg10[%dma_wait3A_41, %dma_wait3A_42] : memref<10000x128xf32, #tpu.memory_space<vmem_shared>> -> memref<10000x128xf32, #tpu.memory_space<vmem_shared>>
        tpu.wait_indirect_dma semaphore(%run_scoped3A : memref<!tpu.dma_semaphore, #tpu.memory_space<semaphore_mem>>) src(%arg9 : memref<80x128xf32, #tpu.memory_space<vmem>>) dst(%dma_wait3A_43 : memref<10000x128xf32, #tpu.memory_space<vmem_shared>>)
        tpu.yield
      }) : () -> ()
    }
    %scan3A_13 = arith.constant 125 : i32
    %barrier3A_14 = arith.constant 0 : index
    tpu.barrier barrier_id(%barrier3A_14)
    %mul3A_15 = arith.constant 10000 : i32
    %mul3A_16 = arith.muli %arg0, %mul3A_15 : i32
    %add3A_17 = arith.addi %mul3A_16, %mul3A_2 : i32
    %lt3A_18 = arith.constant 15 : i32
    %lt3A_19 = arith.cmpi slt, %arg1, %lt3A_18 : i32
    %convert_element_type3A_20 = arith.extui %lt3A_19 : i1 to i32
    %cond3A_21 = arith.constant 0 : i32
    %cond3A_22 = arith.cmpi ne, %convert_element_type3A_20, %cond3A_21 : i32
    scf.if %cond3A_22 {
      "tpu.region"() ({
        %run_scoped3A = tpu.sem_alloc : memref<!tpu.dma_semaphore, #tpu.memory_space<semaphore_mem>>
        %dma_start3A = arith.constant 0 : i32
        %dma_start3A_28 = tpu.memref_slice %arg6[%add3A_17, %dma_start3A] : memref<20000x128xf32, #tpu.memory_space<hbm>> -> memref<640x128xf32, #tpu.memory_space<hbm>>
        %dma_start3A_29 = arith.constant 0 : i32
        %dma_start3A_30 = tpu.memref_slice %arg10[%mul3A_2, %dma_start3A_29] : memref<10000x128xf32, #tpu.memory_space<vmem_shared>> -> memref<640x128xf32, #tpu.memory_space<vmem_shared>>
        tpu.enqueue_dma source(%dma_start3A_30 : memref<640x128xf32, #tpu.memory_space<vmem_shared>>) target(%dma_start3A_28 : memref<640x128xf32, #tpu.memory_space<hbm>>) target_semaphore(%run_scoped3A : memref<!tpu.dma_semaphore, #tpu.memory_space<semaphore_mem>>)
        %dma_wait3A = arith.constant 0 : i32
        %dma_wait3A_31 = tpu.memref_slice %arg6[%add3A_17, %dma_wait3A] : memref<20000x128xf32, #tpu.memory_space<hbm>> -> memref<640x128xf32, #tpu.memory_space<hbm>>
        %dma_wait3A_32 = arith.constant 0 : i32
        %dma_wait3A_33 = tpu.memref_slice %arg10[%mul3A_2, %dma_wait3A_32] : memref<10000x128xf32, #tpu.memory_space<vmem_shared>> -> memref<640x128xf32, #tpu.memory_space<vmem_shared>>
        tpu.wait_dma2 semaphore(%run_scoped3A : memref<!tpu.dma_semaphore, #tpu.memory_space<semaphore_mem>>) src(%dma_wait3A_33 : memref<640x128xf32, #tpu.memory_space<vmem_shared>>) dst(%dma_wait3A_31 : memref<640x128xf32, #tpu.memory_space<hbm>>)
        tpu.yield
      }) : () -> ()
    } else {
    }
    %eq3A_23 = arith.constant 15 : i32
    %eq3A_24 = arith.cmpi eq, %arg1, %eq3A_23 : i32
    %convert_element_type3A_25 = arith.extui %eq3A_24 : i1 to i32
    %cond3A_26 = arith.constant 0 : i32
    %cond3A_27 = arith.cmpi ne, %convert_element_type3A_25, %cond3A_26 : i32
    scf.if %cond3A_27 {
      "tpu.region"() ({
        %run_scoped3A = tpu.sem_alloc : memref<!tpu.dma_semaphore, #tpu.memory_space<semaphore_mem>>
        %dma_start3A = arith.constant 0 : i32
        %dma_start3A_28 = tpu.memref_slice %arg6[%add3A_17, %dma_start3A] : memref<20000x128xf32, #tpu.memory_space<hbm>> -> memref<400x128xf32, #tpu.memory_space<hbm>>
        %dma_start3A_29 = arith.constant 0 : i32
        %dma_start3A_30 = tpu.memref_slice %arg10[%mul3A_2, %dma_start3A_29] : memref<10000x128xf32, #tpu.memory_space<vmem_shared>> -> memref<400x128xf32, #tpu.memory_space<vmem_shared>>
        tpu.enqueue_dma source(%dma_start3A_30 : memref<400x128xf32, #tpu.memory_space<vmem_shared>>) target(%dma_start3A_28 : memref<400x128xf32, #tpu.memory_space<hbm>>) target_semaphore(%run_scoped3A : memref<!tpu.dma_semaphore, #tpu.memory_space<semaphore_mem>>)
        %dma_wait3A = arith.constant 0 : i32
        %dma_wait3A_31 = tpu.memref_slice %arg6[%add3A_17, %dma_wait3A] : memref<20000x128xf32, #tpu.memory_space<hbm>> -> memref<400x128xf32, #tpu.memory_space<hbm>>
        %dma_wait3A_32 = arith.constant 0 : i32
        %dma_wait3A_33 = tpu.memref_slice %arg10[%mul3A_2, %dma_wait3A_32] : memref<10000x128xf32, #tpu.memory_space<vmem_shared>> -> memref<400x128xf32, #tpu.memory_space<vmem_shared>>
        tpu.wait_dma2 semaphore(%run_scoped3A : memref<!tpu.dma_semaphore, #tpu.memory_space<semaphore_mem>>) src(%dma_wait3A_33 : memref<400x128xf32, #tpu.memory_space<vmem_shared>>) dst(%dma_wait3A_31 : memref<400x128xf32, #tpu.memory_space<hbm>>)
        tpu.yield
      }) : () -> ()
    } else {
    }
    return
  }
}

module attributes {stable_mosaic.version = 14 : i64} {
  func.func @_layer1_body(%arg0: i32, %arg1: memref<1x2000x128xf32, #tpu.memory_space<vmem>>, %arg2: memref<1x2000x128xf32, #tpu.memory_space<vmem>>, %arg3: memref<1x2000x16xf32, #tpu.memory_space<vmem>>, %arg4: memref<1x2000x16xf32, #tpu.memory_space<vmem>>, %arg5: memref<2000x128xf32, #tpu.memory_space<vmem>>, %arg6: memref<4x128xf32, #tpu.memory_space<vmem>>, %arg7: memref<128x128xf32, #tpu.memory_space<vmem>>, %arg8: memref<128x128xf32, #tpu.memory_space<vmem>>, %arg9: memref<1x128xf32, #tpu.memory_space<vmem>>, %arg10: memref<2000x128xf32, #tpu.memory_space<vmem>>) attributes {dimension_semantics = [#tpu.dimension_semantics<arbitrary>], iteration_bounds = array<i64: 5>, scalar_prefetch = 0 : i64, scratch_operands = 0 : i64, tpu.core_type = #tpu.core_type<tc>, window_params = [{transform_indices = @transform_0, window_bounds = array<i64: 1, 2000, 128>}, {transform_indices = @transform_1, window_bounds = array<i64: 1, 2000, 128>}, {transform_indices = @transform_2, window_bounds = array<i64: 1, 2000, 16>}, {transform_indices = @transform_3, window_bounds = array<i64: 1, 2000, 16>}, {transform_indices = @transform_4, window_bounds = array<i64: 2000, 128>}, {pipeline_mode = #tpu.pipeline_mode<synchronous>, transform_indices = @transform_5, window_bounds = array<i64: 4, 128>}, {pipeline_mode = #tpu.pipeline_mode<synchronous>, transform_indices = @transform_6, window_bounds = array<i64: 128, 128>}, {pipeline_mode = #tpu.pipeline_mode<synchronous>, transform_indices = @transform_7, window_bounds = array<i64: 128, 128>}, {pipeline_mode = #tpu.pipeline_mode<synchronous>, transform_indices = @transform_8, window_bounds = array<i64: 1, 128>}, {transform_indices = @transform_9, window_bounds = array<i64: 2000, 128>}]} {
    %get3A = arith.constant 0 : index
    %get3A_0 = arith.constant 0 : index
    %get3A_1 = arith.constant 0 : index
    %get3A_2 = vector.load %arg1[%get3A, %get3A_0, %get3A_1] : memref<1x2000x128xf32, #tpu.memory_space<vmem>>, vector<1x2000x128xf32>
    %get3A_3 = vector.shape_cast %get3A_2 : vector<1x2000x128xf32> to vector<2000x128xf32>
    %get3A_4 = arith.constant 0 : index
    %get3A_5 = arith.constant 0 : index
    %get3A_6 = arith.constant 0 : index
    %get3A_7 = vector.load %arg2[%get3A_4, %get3A_5, %get3A_6] : memref<1x2000x128xf32, #tpu.memory_space<vmem>>, vector<1x2000x128xf32>
    %get3A_8 = vector.shape_cast %get3A_7 : vector<1x2000x128xf32> to vector<2000x128xf32>
    %add3A = arith.addf %get3A_3, %get3A_8 : vector<2000x128xf32>
    %get3A_9 = arith.constant 0 : index
    %get3A_10 = arith.constant 0 : index
    %get3A_11 = arith.constant 0 : index
    %get3A_12 = vector.load %arg3[%get3A_9, %get3A_10, %get3A_11] : memref<1x2000x16xf32, #tpu.memory_space<vmem>>, vector<1x2000x16xf32>
    %get3A_13 = vector.shape_cast %get3A_12 : vector<1x2000x16xf32> to vector<2000x16xf32>
    %get3A_14 = arith.constant 0 : index
    %get3A_15 = arith.constant 0 : index
    %get3A_16 = arith.constant 0 : index
    %get3A_17 = vector.load %arg4[%get3A_14, %get3A_15, %get3A_16] : memref<1x2000x16xf32, #tpu.memory_space<vmem>>, vector<1x2000x16xf32>
    %get3A_18 = vector.shape_cast %get3A_17 : vector<1x2000x16xf32> to vector<2000x16xf32>
    %add3A_19 = arith.addf %get3A_13, %get3A_18 : vector<2000x16xf32>
    %slice3A = vector.extract_strided_slice %add3A_19 {offsets = [0, 0], sizes = [2000, 4], strides = [1, 1]} : vector<2000x16xf32> to vector<2000x4xf32>
    %get3A_20 = arith.constant 0 : index
    %get3A_21 = arith.constant 0 : index
    %get3A_22 = vector.load %arg6[%get3A_20, %get3A_21] : memref<4x128xf32, #tpu.memory_space<vmem>>, vector<4x128xf32>
    %dot_general3A = arith.constant dense<0.000000e+00> : vector<2000x128xf32>
    %dot_general3A_23 = tpu.matmul %slice3A, %get3A_22, %dot_general3A {dimension_numbers = #tpu.dot_dimension_numbers<[1], [0], [0], [1], [0, 0, 1, 1], [], []>, transpose_lhs_hint = false} : vector<2000x4xf32>, vector<4x128xf32>, vector<2000x128xf32> -> vector<2000x128xf32>
    %add3A_24 = arith.addf %add3A, %dot_general3A_23 : vector<2000x128xf32>
    %get3A_25 = arith.constant 0 : index
    %get3A_26 = arith.constant 0 : index
    %get3A_27 = vector.load %arg7[%get3A_25, %get3A_26] : memref<128x128xf32, #tpu.memory_space<vmem>>, vector<128x128xf32>
    %dot_general3A_28 = arith.constant dense<0.000000e+00> : vector<2000x128xf32>
    %dot_general3A_29 = tpu.matmul %add3A_24, %get3A_27, %dot_general3A_28 {dimension_numbers = #tpu.dot_dimension_numbers<[1], [0], [0], [1], [0, 0, 1, 1], [], []>, transpose_lhs_hint = false} : vector<2000x128xf32>, vector<128x128xf32>, vector<2000x128xf32> -> vector<2000x128xf32>
    %get3A_30 = arith.constant 0 : index
    %get3A_31 = arith.constant 0 : index
    %get3A_32 = vector.load %arg5[%get3A_30, %get3A_31] : memref<2000x128xf32, #tpu.memory_space<vmem>>, vector<2000x128xf32>
    %get3A_33 = arith.constant 0 : index
    %get3A_34 = arith.constant 0 : index
    %get3A_35 = vector.load %arg8[%get3A_33, %get3A_34] : memref<128x128xf32, #tpu.memory_space<vmem>>, vector<128x128xf32>
    %dot_general3A_36 = arith.constant dense<0.000000e+00> : vector<2000x128xf32>
    %dot_general3A_37 = tpu.matmul %get3A_32, %get3A_35, %dot_general3A_36 {dimension_numbers = #tpu.dot_dimension_numbers<[1], [0], [0], [1], [0, 0, 1, 1], [], []>, transpose_lhs_hint = false} : vector<2000x128xf32>, vector<128x128xf32>, vector<2000x128xf32> -> vector<2000x128xf32>
    %add3A_38 = arith.addf %dot_general3A_29, %dot_general3A_37 : vector<2000x128xf32>
    %get3A_39 = arith.constant 0 : index
    %get3A_40 = arith.constant 0 : index
    %get3A_41 = vector.load %arg9[%get3A_39, %get3A_40] : memref<1x128xf32, #tpu.memory_space<vmem>>, vector<1x128xf32>
    %add3A_42 = vector.broadcast %get3A_41 : vector<1x128xf32> to vector<2000x128xf32>
    %add3A_43 = arith.addf %add3A_38, %add3A_42 : vector<2000x128xf32>
    %max3A = arith.constant 0.000000e+00 : f32
    %max3A_44 = vector.broadcast %max3A : f32 to vector<2000x128xf32>
    %max3A_45 = arith.maximumf %add3A_43, %max3A_44 : vector<2000x128xf32>
    %swap3A = arith.constant 0 : index
    %swap3A_46 = arith.constant 0 : index
    %swap3A_47 = vector.load %arg10[%swap3A, %swap3A_46] : memref<2000x128xf32, #tpu.memory_space<vmem>>, vector<2000x128xf32>
    tpu.vector_store %arg10[%swap3A, %swap3A_46], %max3A_45 {strides = array<i32>} : memref<2000x128xf32, #tpu.memory_space<vmem>>, vector<2000x128xf32>,
    return
  }
  func.func @transform_0(%arg0: i32) -> (i32, i32, i32) {
    %c0_i32 = arith.constant 0 : i32
    %c0_i32_0 = arith.constant 0 : i32
    %c0_i32_1 = arith.constant 0 : i32
    return %c0_i32, %arg0, %c0_i32_0 : i32, i32, i32
  }
  func.func @transform_1(%arg0: i32) -> (i32, i32, i32) {
    %c1_i32 = arith.constant 1 : i32
    %c0_i32 = arith.constant 0 : i32
    %c0_i32_0 = arith.constant 0 : i32
    return %c1_i32, %arg0, %c0_i32 : i32, i32, i32
  }
  func.func @transform_2(%arg0: i32) -> (i32, i32, i32) {
    %c0_i32 = arith.constant 0 : i32
    %c0_i32_0 = arith.constant 0 : i32
    %c0_i32_1 = arith.constant 0 : i32
    return %c0_i32, %arg0, %c0_i32_0 : i32, i32, i32
  }
  func.func @transform_3(%arg0: i32) -> (i32, i32, i32) {
    %c1_i32 = arith.constant 1 : i32
    %c0_i32 = arith.constant 0 : i32
    %c0_i32_0 = arith.constant 0 : i32
    return %c1_i32, %arg0, %c0_i32 : i32, i32, i32
  }
  func.func @transform_4(%arg0: i32) -> (i32, i32) {
    %c0_i32 = arith.constant 0 : i32
    %c0_i32_0 = arith.constant 0 : i32
    return %arg0, %c0_i32 : i32, i32
  }
  func.func @transform_5(%arg0: i32) -> (i32, i32) {
    %c0_i32 = arith.constant 0 : i32
    %c0_i32_0 = arith.constant 0 : i32
    %c0_i32_1 = arith.constant 0 : i32
    return %c0_i32, %c0_i32_0 : i32, i32
  }
  func.func @transform_6(%arg0: i32) -> (i32, i32) {
    %c0_i32 = arith.constant 0 : i32
    %c0_i32_0 = arith.constant 0 : i32
    %c0_i32_1 = arith.constant 0 : i32
    return %c0_i32, %c0_i32_0 : i32, i32
  }
  func.func @transform_7(%arg0: i32) -> (i32, i32) {
    %c0_i32 = arith.constant 0 : i32
    %c0_i32_0 = arith.constant 0 : i32
    %c0_i32_1 = arith.constant 0 : i32
    return %c0_i32, %c0_i32_0 : i32, i32
  }
  func.func @transform_8(%arg0: i32) -> (i32, i32) {
    %c0_i32 = arith.constant 0 : i32
    %c0_i32_0 = arith.constant 0 : i32
    %c0_i32_1 = arith.constant 0 : i32
    return %c0_i32, %c0_i32_0 : i32, i32
  }
  func.func @transform_9(%arg0: i32) -> (i32, i32) {
    %c0_i32 = arith.constant 0 : i32
    %c0_i32_0 = arith.constant 0 : i32
    return %arg0, %c0_i32 : i32, i32
  }
}

module attributes {stable_mosaic.version = 14 : i64} {
  func.func @_layer2_body(%arg0: i32, %arg1: memref<1x2000x128xf32, #tpu.memory_space<vmem>>, %arg2: memref<1x2000x128xf32, #tpu.memory_space<vmem>>, %arg3: memref<1x2000x16xf32, #tpu.memory_space<vmem>>, %arg4: memref<1x2000x16xf32, #tpu.memory_space<vmem>>, %arg5: memref<2000x128xf32, #tpu.memory_space<vmem>>, %arg6: memref<2000x128xf32, #tpu.memory_space<vmem>>, %arg7: memref<4x128xf32, #tpu.memory_space<vmem>>, %arg8: memref<128x128xf32, #tpu.memory_space<vmem>>, %arg9: memref<128x128xf32, #tpu.memory_space<vmem>>, %arg10: memref<1x128xf32, #tpu.memory_space<vmem>>, %arg11: memref<128x64xf32, #tpu.memory_space<vmem>>, %arg12: memref<1x64xf32, #tpu.memory_space<vmem>>, %arg13: memref<64x1xf32, #tpu.memory_space<vmem>>, %arg14: memref<1x1xf32, #tpu.memory_space<vmem>>, %arg15: memref<2000x16xf32, #tpu.memory_space<vmem>>, %arg16: memref<2000x128xf32, #tpu.memory_space<vmem>>) attributes {dimension_semantics = [#tpu.dimension_semantics<arbitrary>], iteration_bounds = array<i64: 5>, scalar_prefetch = 0 : i64, scratch_operands = 0 : i64, tpu.core_type = #tpu.core_type<tc>, window_params = [{transform_indices = @transform_0, window_bounds = array<i64: 1, 2000, 128>}, {transform_indices = @transform_1, window_bounds = array<i64: 1, 2000, 128>}, {transform_indices = @transform_2, window_bounds = array<i64: 1, 2000, 16>}, {transform_indices = @transform_3, window_bounds = array<i64: 1, 2000, 16>}, {transform_indices = @transform_4, window_bounds = array<i64: 2000, 128>}, {transform_indices = @transform_5, window_bounds = array<i64: 2000, 128>}, {pipeline_mode = #tpu.pipeline_mode<synchronous>, transform_indices = @transform_6, window_bounds = array<i64: 4, 128>}, {pipeline_mode = #tpu.pipeline_mode<synchronous>, transform_indices = @transform_7, window_bounds = array<i64: 128, 128>}, {pipeline_mode = #tpu.pipeline_mode<synchronous>, transform_indices = @transform_8, window_bounds = array<i64: 128, 128>}, {pipeline_mode = #tpu.pipeline_mode<synchronous>, transform_indices = @transform_9, window_bounds = array<i64: 1, 128>}, {pipeline_mode = #tpu.pipeline_mode<synchronous>, transform_indices = @transform_10, window_bounds = array<i64: 128, 64>}, {pipeline_mode = #tpu.pipeline_mode<synchronous>, transform_indices = @transform_11, window_bounds = array<i64: 1, 64>}, {pipeline_mode = #tpu.pipeline_mode<synchronous>, transform_indices = @transform_12, window_bounds = array<i64: 64, 1>}, {pipeline_mode = #tpu.pipeline_mode<synchronous>, transform_indices = @transform_13, window_bounds = array<i64: 1, 1>}, {transform_indices = @transform_14, window_bounds = array<i64: 2000, 16>}, {transform_indices = @transform_15, window_bounds = array<i64: 2000, 128>}]} {
    %get3A = arith.constant 0 : index
    %get3A_0 = arith.constant 0 : index
    %get3A_1 = arith.constant 0 : index
    %get3A_2 = vector.load %arg1[%get3A, %get3A_0, %get3A_1] : memref<1x2000x128xf32, #tpu.memory_space<vmem>>, vector<1x2000x128xf32>
    %get3A_3 = vector.shape_cast %get3A_2 : vector<1x2000x128xf32> to vector<2000x128xf32>
    %get3A_4 = arith.constant 0 : index
    %get3A_5 = arith.constant 0 : index
    %get3A_6 = arith.constant 0 : index
    %get3A_7 = vector.load %arg2[%get3A_4, %get3A_5, %get3A_6] : memref<1x2000x128xf32, #tpu.memory_space<vmem>>, vector<1x2000x128xf32>
    %get3A_8 = vector.shape_cast %get3A_7 : vector<1x2000x128xf32> to vector<2000x128xf32>
    %add3A = arith.addf %get3A_3, %get3A_8 : vector<2000x128xf32>
    %get3A_9 = arith.constant 0 : index
    %get3A_10 = arith.constant 0 : index
    %get3A_11 = arith.constant 0 : index
    %get3A_12 = vector.load %arg3[%get3A_9, %get3A_10, %get3A_11] : memref<1x2000x16xf32, #tpu.memory_space<vmem>>, vector<1x2000x16xf32>
    %get3A_13 = vector.shape_cast %get3A_12 : vector<1x2000x16xf32> to vector<2000x16xf32>
    %get3A_14 = arith.constant 0 : index
    %get3A_15 = arith.constant 0 : index
    %get3A_16 = arith.constant 0 : index
    %get3A_17 = vector.load %arg4[%get3A_14, %get3A_15, %get3A_16] : memref<1x2000x16xf32, #tpu.memory_space<vmem>>, vector<1x2000x16xf32>
    %get3A_18 = vector.shape_cast %get3A_17 : vector<1x2000x16xf32> to vector<2000x16xf32>
    %add3A_19 = arith.addf %get3A_13, %get3A_18 : vector<2000x16xf32>
    %slice3A = vector.extract_strided_slice %add3A_19 {offsets = [0, 0], sizes = [2000, 4], strides = [1, 1]} : vector<2000x16xf32> to vector<2000x4xf32>
    %get3A_20 = arith.constant 0 : index
    %get3A_21 = arith.constant 0 : index
    %get3A_22 = vector.load %arg7[%get3A_20, %get3A_21] : memref<4x128xf32, #tpu.memory_space<vmem>>, vector<4x128xf32>
    %dot_general3A = arith.constant dense<0.000000e+00> : vector<2000x128xf32>
    %dot_general3A_23 = tpu.matmul %slice3A, %get3A_22, %dot_general3A {dimension_numbers = #tpu.dot_dimension_numbers<[1], [0], [0], [1], [0, 0, 1, 1], [], []>, transpose_lhs_hint = false} : vector<2000x4xf32>, vector<4x128xf32>, vector<2000x128xf32> -> vector<2000x128xf32>
    %add3A_24 = arith.addf %add3A, %dot_general3A_23 : vector<2000x128xf32>
    %get3A_25 = arith.constant 0 : index
    %get3A_26 = arith.constant 0 : index
    %get3A_27 = vector.load %arg8[%get3A_25, %get3A_26] : memref<128x128xf32, #tpu.memory_space<vmem>>, vector<128x128xf32>
    %dot_general3A_28 = arith.constant dense<0.000000e+00> : vector<2000x128xf32>
    %dot_general3A_29 = tpu.matmul %add3A_24, %get3A_27, %dot_general3A_28 {dimension_numbers = #tpu.dot_dimension_numbers<[1], [0], [0], [1], [0, 0, 1, 1], [], []>, transpose_lhs_hint = false} : vector<2000x128xf32>, vector<128x128xf32>, vector<2000x128xf32> -> vector<2000x128xf32>
    %get3A_30 = arith.constant 0 : index
    %get3A_31 = arith.constant 0 : index
    %get3A_32 = vector.load %arg5[%get3A_30, %get3A_31] : memref<2000x128xf32, #tpu.memory_space<vmem>>, vector<2000x128xf32>
    %get3A_33 = arith.constant 0 : index
    %get3A_34 = arith.constant 0 : index
    %get3A_35 = vector.load %arg9[%get3A_33, %get3A_34] : memref<128x128xf32, #tpu.memory_space<vmem>>, vector<128x128xf32>
    %dot_general3A_36 = arith.constant dense<0.000000e+00> : vector<2000x128xf32>
    %dot_general3A_37 = tpu.matmul %get3A_32, %get3A_35, %dot_general3A_36 {dimension_numbers = #tpu.dot_dimension_numbers<[1], [0], [0], [1], [0, 0, 1, 1], [], []>, transpose_lhs_hint = false} : vector<2000x128xf32>, vector<128x128xf32>, vector<2000x128xf32> -> vector<2000x128xf32>
    %add3A_38 = arith.addf %dot_general3A_29, %dot_general3A_37 : vector<2000x128xf32>
    %get3A_39 = arith.constant 0 : index
    %get3A_40 = arith.constant 0 : index
    %get3A_41 = vector.load %arg10[%get3A_39, %get3A_40] : memref<1x128xf32, #tpu.memory_space<vmem>>, vector<1x128xf32>
    %add3A_42 = vector.broadcast %get3A_41 : vector<1x128xf32> to vector<2000x128xf32>
    %add3A_43 = arith.addf %add3A_38, %add3A_42 : vector<2000x128xf32>
    %max3A = arith.constant 0.000000e+00 : f32
    %max3A_44 = vector.broadcast %max3A : f32 to vector<2000x128xf32>
    %max3A_45 = arith.maximumf %add3A_43, %max3A_44 : vector<2000x128xf32>
    %get3A_46 = arith.constant 0 : index
    %get3A_47 = arith.constant 0 : index
    %get3A_48 = vector.load %arg11[%get3A_46, %get3A_47] : memref<128x64xf32, #tpu.memory_space<vmem>>, vector<128x64xf32>
    %dot_general3A_49 = arith.constant dense<0.000000e+00> : vector<2000x64xf32>
    %dot_general3A_50 = tpu.matmul %max3A_45, %get3A_48, %dot_general3A_49 {dimension_numbers = #tpu.dot_dimension_numbers<[1], [0], [0], [1], [0, 0, 1, 1], [], []>, transpose_lhs_hint = false} : vector<2000x128xf32>, vector<128x64xf32>, vector<2000x64xf32> -> vector<2000x64xf32>
    %get3A_51 = arith.constant 0 : index
    %get3A_52 = arith.constant 0 : index
    %get3A_53 = vector.load %arg12[%get3A_51, %get3A_52] : memref<1x64xf32, #tpu.memory_space<vmem>>, vector<1x64xf32>
    %add3A_54 = vector.broadcast %get3A_53 : vector<1x64xf32> to vector<2000x64xf32>
    %add3A_55 = arith.addf %dot_general3A_50, %add3A_54 : vector<2000x64xf32>
    %max3A_56 = arith.constant 0.000000e+00 : f32
    %max3A_57 = vector.broadcast %max3A_56 : f32 to vector<2000x64xf32>
    %max3A_58 = arith.maximumf %add3A_55, %max3A_57 : vector<2000x64xf32>
    %get3A_59 = arith.constant 0 : index
    %get3A_60 = arith.constant 0 : index
    %get3A_61 = vector.load %arg13[%get3A_59, %get3A_60] : memref<64x1xf32, #tpu.memory_space<vmem>>, vector<64x1xf32>
    %dot_general3A_62 = arith.constant dense<0.000000e+00> : vector<2000x1xf32>
    %dot_general3A_63 = tpu.matmul %max3A_58, %get3A_61, %dot_general3A_62 {dimension_numbers = #tpu.dot_dimension_numbers<[1], [0], [0], [1], [0, 0, 1, 1], [], []>, transpose_lhs_hint = false} : vector<2000x64xf32>, vector<64x1xf32>, vector<2000x1xf32> -> vector<2000x1xf32>
    %get3A_64 = arith.constant 0 : index
    %get3A_65 = arith.constant 0 : index
    %get3A_66 = vector.load %arg14[%get3A_64, %get3A_65] : memref<1x1xf32, #tpu.memory_space<vmem>>, vector<1x1xf32>
    %add3A_67 = vector.broadcast %get3A_66 : vector<1x1xf32> to vector<2000x1xf32>
    %add3A_68 = arith.addf %dot_general3A_63, %add3A_67 : vector<2000x1xf32>
    %logistic3A = arith.negf %add3A_68 : vector<2000x1xf32>
    %logistic3A_69 = math.exp %logistic3A : vector<2000x1xf32>
    %logistic3A_70 = arith.constant 1.000000e+00 : f32
    %logistic3A_71 = vector.broadcast %logistic3A_70 : f32 to vector<2000x1xf32>
    %logistic3A_72 = arith.addf %logistic3A_71, %logistic3A_69 : vector<2000x1xf32>
    %logistic3A_73 = arith.divf %logistic3A_71, %logistic3A_72 : vector<2000x1xf32>
    %broadcast_in_dim3A = vector.shape_cast %logistic3A_73 : vector<2000x1xf32> to vector<2000x1xf32>
    %broadcast_in_dim3A_74 = vector.broadcast %broadcast_in_dim3A : vector<2000x1xf32> to vector<2000x16xf32>
    %swap3A = arith.constant 0 : index
    %swap3A_75 = arith.constant 0 : index
    %swap3A_76 = vector.load %arg15[%swap3A, %swap3A_75] : memref<2000x16xf32, #tpu.memory_space<vmem>>, vector<2000x16xf32>
    tpu.vector_store %arg15[%swap3A, %swap3A_75], %broadcast_in_dim3A_74 {strides = array<i32>} : memref<2000x16xf32, #tpu.memory_space<vmem>>, vector<2000x16xf32>,
    %get3A_77 = arith.constant 0 : index
    %get3A_78 = arith.constant 0 : index
    %get3A_79 = vector.load %arg6[%get3A_77, %get3A_78] : memref<2000x128xf32, #tpu.memory_space<vmem>>, vector<2000x128xf32>
    %mul3A = vector.broadcast %logistic3A_73 : vector<2000x1xf32> to vector<2000x128xf32>
    %mul3A_80 = arith.mulf %get3A_79, %mul3A : vector<2000x128xf32>
    %swap3A_81 = arith.constant 0 : index
    %swap3A_82 = arith.constant 0 : index
    %swap3A_83 = vector.load %arg16[%swap3A_81, %swap3A_82] : memref<2000x128xf32, #tpu.memory_space<vmem>>, vector<2000x128xf32>
    tpu.vector_store %arg16[%swap3A_81, %swap3A_82], %mul3A_80 {strides = array<i32>} : memref<2000x128xf32, #tpu.memory_space<vmem>>, vector<2000x128xf32>,
    return
  }
  func.func @transform_0(%arg0: i32) -> (i32, i32, i32) {
    %c0_i32 = arith.constant 0 : i32
    %c0_i32_0 = arith.constant 0 : i32
    %c0_i32_1 = arith.constant 0 : i32
    return %c0_i32, %arg0, %c0_i32_0 : i32, i32, i32
  }
  func.func @transform_1(%arg0: i32) -> (i32, i32, i32) {
    %c1_i32 = arith.constant 1 : i32
    %c0_i32 = arith.constant 0 : i32
    %c0_i32_0 = arith.constant 0 : i32
    return %c1_i32, %arg0, %c0_i32 : i32, i32, i32
  }
  func.func @transform_2(%arg0: i32) -> (i32, i32, i32) {
    %c0_i32 = arith.constant 0 : i32
    %c0_i32_0 = arith.constant 0 : i32
    %c0_i32_1 = arith.constant 0 : i32
    return %c0_i32, %arg0, %c0_i32_0 : i32, i32, i32
  }
  func.func @transform_3(%arg0: i32) -> (i32, i32, i32) {
    %c1_i32 = arith.constant 1 : i32
    %c0_i32 = arith.constant 0 : i32
    %c0_i32_0 = arith.constant 0 : i32
    return %c1_i32, %arg0, %c0_i32 : i32, i32, i32
  }
  func.func @transform_4(%arg0: i32) -> (i32, i32) {
    %c0_i32 = arith.constant 0 : i32
    %c0_i32_0 = arith.constant 0 : i32
    return %arg0, %c0_i32 : i32, i32
  }
  func.func @transform_5(%arg0: i32) -> (i32, i32) {
    %c0_i32 = arith.constant 0 : i32
    %c0_i32_0 = arith.constant 0 : i32
    return %arg0, %c0_i32 : i32, i32
  }
  func.func @transform_6(%arg0: i32) -> (i32, i32) {
    %c0_i32 = arith.constant 0 : i32
    %c0_i32_0 = arith.constant 0 : i32
    %c0_i32_1 = arith.constant 0 : i32
    return %c0_i32, %c0_i32_0 : i32, i32
  }
  func.func @transform_7(%arg0: i32) -> (i32, i32) {
    %c0_i32 = arith.constant 0 : i32
    %c0_i32_0 = arith.constant 0 : i32
    %c0_i32_1 = arith.constant 0 : i32
    return %c0_i32, %c0_i32_0 : i32, i32
  }
  func.func @transform_8(%arg0: i32) -> (i32, i32) {
    %c0_i32 = arith.constant 0 : i32
    %c0_i32_0 = arith.constant 0 : i32
    %c0_i32_1 = arith.constant 0 : i32
    return %c0_i32, %c0_i32_0 : i32, i32
  }
  func.func @transform_9(%arg0: i32) -> (i32, i32) {
    %c0_i32 = arith.constant 0 : i32
    %c0_i32_0 = arith.constant 0 : i32
    %c0_i32_1 = arith.constant 0 : i32
    return %c0_i32, %c0_i32_0 : i32, i32
  }
  func.func @transform_10(%arg0: i32) -> (i32, i32) {
    %c0_i32 = arith.constant 0 : i32
    %c0_i32_0 = arith.constant 0 : i32
    %c0_i32_1 = arith.constant 0 : i32
    return %c0_i32, %c0_i32_0 : i32, i32
  }
  func.func @transform_11(%arg0: i32) -> (i32, i32) {
    %c0_i32 = arith.constant 0 : i32
    %c0_i32_0 = arith.constant 0 : i32
    %c0_i32_1 = arith.constant 0 : i32
    return %c0_i32, %c0_i32_0 : i32, i32
  }
  func.func @transform_12(%arg0: i32) -> (i32, i32) {
    %c0_i32 = arith.constant 0 : i32
    %c0_i32_0 = arith.constant 0 : i32
    %c0_i32_1 = arith.constant 0 : i32
    return %c0_i32, %c0_i32_0 : i32, i32
  }
  func.func @transform_13(%arg0: i32) -> (i32, i32) {
    %c0_i32 = arith.constant 0 : i32
    %c0_i32_0 = arith.constant 0 : i32
    %c0_i32_1 = arith.constant 0 : i32
    return %c0_i32, %c0_i32_0 : i32, i32
  }
  func.func @transform_14(%arg0: i32) -> (i32, i32) {
    %c0_i32 = arith.constant 0 : i32
    %c0_i32_0 = arith.constant 0 : i32
    return %arg0, %c0_i32 : i32, i32
  }
  func.func @transform_15(%arg0: i32) -> (i32, i32) {
    %c0_i32 = arith.constant 0 : i32
    %c0_i32_0 = arith.constant 0 : i32
    return %arg0, %c0_i32 : i32, i32
  }
}

module attributes {stable_mosaic.version = 14 : i64} {
  func.func @_layer3_body(%arg0: i32, %arg1: memref<1x2000x128xf32, #tpu.memory_space<vmem>>, %arg2: memref<1x2000x128xf32, #tpu.memory_space<vmem>>, %arg3: memref<1x2000x16xf32, #tpu.memory_space<vmem>>, %arg4: memref<1x2000x16xf32, #tpu.memory_space<vmem>>, %arg5: memref<2000x16xf32, #tpu.memory_space<vmem>>, %arg6: memref<2000x128xf32, #tpu.memory_space<vmem>>, %arg7: memref<4x128xf32, #tpu.memory_space<vmem>>, %arg8: memref<128x128xf32, #tpu.memory_space<vmem>>, %arg9: memref<128x128xf32, #tpu.memory_space<vmem>>, %arg10: memref<1x128xf32, #tpu.memory_space<vmem>>, %arg11: memref<2000x128xf32, #tpu.memory_space<vmem>>, %arg12: memref<2000x128xf32, #tpu.memory_space<vmem>>) attributes {dimension_semantics = [#tpu.dimension_semantics<arbitrary>], iteration_bounds = array<i64: 5>, scalar_prefetch = 0 : i64, scratch_operands = 0 : i64, tpu.core_type = #tpu.core_type<tc>, window_params = [{transform_indices = @transform_0, window_bounds = array<i64: 1, 2000, 128>}, {transform_indices = @transform_1, window_bounds = array<i64: 1, 2000, 128>}, {transform_indices = @transform_2, window_bounds = array<i64: 1, 2000, 16>}, {transform_indices = @transform_3, window_bounds = array<i64: 1, 2000, 16>}, {transform_indices = @transform_4, window_bounds = array<i64: 2000, 16>}, {transform_indices = @transform_5, window_bounds = array<i64: 2000, 128>}, {pipeline_mode = #tpu.pipeline_mode<synchronous>, transform_indices = @transform_6, window_bounds = array<i64: 4, 128>}, {pipeline_mode = #tpu.pipeline_mode<synchronous>, transform_indices = @transform_7, window_bounds = array<i64: 128, 128>}, {pipeline_mode = #tpu.pipeline_mode<synchronous>, transform_indices = @transform_8, window_bounds = array<i64: 128, 128>}, {pipeline_mode = #tpu.pipeline_mode<synchronous>, transform_indices = @transform_9, window_bounds = array<i64: 1, 128>}, {transform_indices = @transform_10, window_bounds = array<i64: 2000, 128>}, {transform_indices = @transform_11, window_bounds = array<i64: 2000, 128>}]} {
    %get3A = arith.constant 0 : index
    %get3A_0 = arith.constant 0 : index
    %get3A_1 = vector.load %arg5[%get3A, %get3A_0] : memref<2000x16xf32, #tpu.memory_space<vmem>>, vector<2000x1xf32>
    %get3A_2 = arith.constant 0 : index
    %get3A_3 = arith.constant 0 : index
    %get3A_4 = arith.constant 0 : index
    %get3A_5 = vector.load %arg1[%get3A_2, %get3A_3, %get3A_4] : memref<1x2000x128xf32, #tpu.memory_space<vmem>>, vector<1x2000x128xf32>
    %get3A_6 = vector.shape_cast %get3A_5 : vector<1x2000x128xf32> to vector<2000x128xf32>
    %get3A_7 = arith.constant 0 : index
    %get3A_8 = arith.constant 0 : index
    %get3A_9 = arith.constant 0 : index
    %get3A_10 = vector.load %arg2[%get3A_7, %get3A_8, %get3A_9] : memref<1x2000x128xf32, #tpu.memory_space<vmem>>, vector<1x2000x128xf32>
    %get3A_11 = vector.shape_cast %get3A_10 : vector<1x2000x128xf32> to vector<2000x128xf32>
    %add3A = arith.addf %get3A_6, %get3A_11 : vector<2000x128xf32>
    %get3A_12 = arith.constant 0 : index
    %get3A_13 = arith.constant 0 : index
    %get3A_14 = arith.constant 0 : index
    %get3A_15 = vector.load %arg3[%get3A_12, %get3A_13, %get3A_14] : memref<1x2000x16xf32, #tpu.memory_space<vmem>>, vector<1x2000x16xf32>
    %get3A_16 = vector.shape_cast %get3A_15 : vector<1x2000x16xf32> to vector<2000x16xf32>
    %get3A_17 = arith.constant 0 : index
    %get3A_18 = arith.constant 0 : index
    %get3A_19 = arith.constant 0 : index
    %get3A_20 = vector.load %arg4[%get3A_17, %get3A_18, %get3A_19] : memref<1x2000x16xf32, #tpu.memory_space<vmem>>, vector<1x2000x16xf32>
    %get3A_21 = vector.shape_cast %get3A_20 : vector<1x2000x16xf32> to vector<2000x16xf32>
    %add3A_22 = arith.addf %get3A_16, %get3A_21 : vector<2000x16xf32>
    %slice3A = vector.extract_strided_slice %add3A_22 {offsets = [0, 0], sizes = [2000, 4], strides = [1, 1]} : vector<2000x16xf32> to vector<2000x4xf32>
    %get3A_23 = arith.constant 0 : index
    %get3A_24 = arith.constant 0 : index
    %get3A_25 = vector.load %arg7[%get3A_23, %get3A_24] : memref<4x128xf32, #tpu.memory_space<vmem>>, vector<4x128xf32>
    %dot_general3A = arith.constant dense<0.000000e+00> : vector<2000x128xf32>
    %dot_general3A_26 = tpu.matmul %slice3A, %get3A_25, %dot_general3A {dimension_numbers = #tpu.dot_dimension_numbers<[1], [0], [0], [1], [0, 0, 1, 1], [], []>, transpose_lhs_hint = false} : vector<2000x4xf32>, vector<4x128xf32>, vector<2000x128xf32> -> vector<2000x128xf32>
    %add3A_27 = arith.addf %add3A, %dot_general3A_26 : vector<2000x128xf32>
    %mul3A = vector.broadcast %get3A_1 : vector<2000x1xf32> to vector<2000x128xf32>
    %mul3A_28 = arith.mulf %add3A_27, %mul3A : vector<2000x128xf32>
    %get3A_29 = arith.constant 0 : index
    %get3A_30 = arith.constant 0 : index
    %get3A_31 = vector.load %arg8[%get3A_29, %get3A_30] : memref<128x128xf32, #tpu.memory_space<vmem>>, vector<128x128xf32>
    %dot_general3A_32 = arith.constant dense<0.000000e+00> : vector<2000x128xf32>
    %dot_general3A_33 = tpu.matmul %mul3A_28, %get3A_31, %dot_general3A_32 {dimension_numbers = #tpu.dot_dimension_numbers<[1], [0], [0], [1], [0, 0, 1, 1], [], []>, transpose_lhs_hint = false} : vector<2000x128xf32>, vector<128x128xf32>, vector<2000x128xf32> -> vector<2000x128xf32>
    %get3A_34 = arith.constant 0 : index
    %get3A_35 = arith.constant 0 : index
    %get3A_36 = vector.load %arg6[%get3A_34, %get3A_35] : memref<2000x128xf32, #tpu.memory_space<vmem>>, vector<2000x128xf32>
    %get3A_37 = arith.constant 0 : index
    %get3A_38 = arith.constant 0 : index
    %get3A_39 = vector.load %arg9[%get3A_37, %get3A_38] : memref<128x128xf32, #tpu.memory_space<vmem>>, vector<128x128xf32>
    %dot_general3A_40 = arith.constant dense<0.000000e+00> : vector<2000x128xf32>
    %dot_general3A_41 = tpu.matmul %get3A_36, %get3A_39, %dot_general3A_40 {dimension_numbers = #tpu.dot_dimension_numbers<[1], [0], [0], [1], [0, 0, 1, 1], [], []>, transpose_lhs_hint = false} : vector<2000x128xf32>, vector<128x128xf32>, vector<2000x128xf32> -> vector<2000x128xf32>
    %add3A_42 = arith.addf %dot_general3A_33, %dot_general3A_41 : vector<2000x128xf32>
    %get3A_43 = arith.constant 0 : index
    %get3A_44 = arith.constant 0 : index
    %get3A_45 = vector.load %arg10[%get3A_43, %get3A_44] : memref<1x128xf32, #tpu.memory_space<vmem>>, vector<1x128xf32>
    %add3A_46 = vector.broadcast %get3A_45 : vector<1x128xf32> to vector<2000x128xf32>
    %add3A_47 = arith.addf %add3A_42, %add3A_46 : vector<2000x128xf32>
    %max3A = arith.constant 0.000000e+00 : f32
    %max3A_48 = vector.broadcast %max3A : f32 to vector<2000x128xf32>
    %max3A_49 = arith.maximumf %add3A_47, %max3A_48 : vector<2000x128xf32>
    %swap3A = arith.constant 0 : index
    %swap3A_50 = arith.constant 0 : index
    %swap3A_51 = vector.load %arg11[%swap3A, %swap3A_50] : memref<2000x128xf32, #tpu.memory_space<vmem>>, vector<2000x128xf32>
    tpu.vector_store %arg11[%swap3A, %swap3A_50], %max3A_49 {strides = array<i32>} : memref<2000x128xf32, #tpu.memory_space<vmem>>, vector<2000x128xf32>,
    %mul3A_52 = vector.broadcast %get3A_1 : vector<2000x1xf32> to vector<2000x128xf32>
    %mul3A_53 = arith.mulf %max3A_49, %mul3A_52 : vector<2000x128xf32>
    %swap3A_54 = arith.constant 0 : index
    %swap3A_55 = arith.constant 0 : index
    %swap3A_56 = vector.load %arg12[%swap3A_54, %swap3A_55] : memref<2000x128xf32, #tpu.memory_space<vmem>>, vector<2000x128xf32>
    tpu.vector_store %arg12[%swap3A_54, %swap3A_55], %mul3A_53 {strides = array<i32>} : memref<2000x128xf32, #tpu.memory_space<vmem>>, vector<2000x128xf32>,
    return
  }
  func.func @transform_0(%arg0: i32) -> (i32, i32, i32) {
    %c0_i32 = arith.constant 0 : i32
    %c0_i32_0 = arith.constant 0 : i32
    %c0_i32_1 = arith.constant 0 : i32
    return %c0_i32, %arg0, %c0_i32_0 : i32, i32, i32
  }
  func.func @transform_1(%arg0: i32) -> (i32, i32, i32) {
    %c1_i32 = arith.constant 1 : i32
    %c0_i32 = arith.constant 0 : i32
    %c0_i32_0 = arith.constant 0 : i32
    return %c1_i32, %arg0, %c0_i32 : i32, i32, i32
  }
  func.func @transform_2(%arg0: i32) -> (i32, i32, i32) {
    %c0_i32 = arith.constant 0 : i32
    %c0_i32_0 = arith.constant 0 : i32
    %c0_i32_1 = arith.constant 0 : i32
    return %c0_i32, %arg0, %c0_i32_0 : i32, i32, i32
  }
  func.func @transform_3(%arg0: i32) -> (i32, i32, i32) {
    %c1_i32 = arith.constant 1 : i32
    %c0_i32 = arith.constant 0 : i32
    %c0_i32_0 = arith.constant 0 : i32
    return %c1_i32, %arg0, %c0_i32 : i32, i32, i32
  }
  func.func @transform_4(%arg0: i32) -> (i32, i32) {
    %c0_i32 = arith.constant 0 : i32
    %c0_i32_0 = arith.constant 0 : i32
    return %arg0, %c0_i32 : i32, i32
  }
  func.func @transform_5(%arg0: i32) -> (i32, i32) {
    %c0_i32 = arith.constant 0 : i32
    %c0_i32_0 = arith.constant 0 : i32
    return %arg0, %c0_i32 : i32, i32
  }
  func.func @transform_6(%arg0: i32) -> (i32, i32) {
    %c0_i32 = arith.constant 0 : i32
    %c0_i32_0 = arith.constant 0 : i32
    %c0_i32_1 = arith.constant 0 : i32
    return %c0_i32, %c0_i32_0 : i32, i32
  }
  func.func @transform_7(%arg0: i32) -> (i32, i32) {
    %c0_i32 = arith.constant 0 : i32
    %c0_i32_0 = arith.constant 0 : i32
    %c0_i32_1 = arith.constant 0 : i32
    return %c0_i32, %c0_i32_0 : i32, i32
  }
  func.func @transform_8(%arg0: i32) -> (i32, i32) {
    %c0_i32 = arith.constant 0 : i32
    %c0_i32_0 = arith.constant 0 : i32
    %c0_i32_1 = arith.constant 0 : i32
    return %c0_i32, %c0_i32_0 : i32, i32
  }
  func.func @transform_9(%arg0: i32) -> (i32, i32) {
    %c0_i32 = arith.constant 0 : i32
    %c0_i32_0 = arith.constant 0 : i32
    %c0_i32_1 = arith.constant 0 : i32
    return %c0_i32, %c0_i32_0 : i32, i32
  }
  func.func @transform_10(%arg0: i32) -> (i32, i32) {
    %c0_i32 = arith.constant 0 : i32
    %c0_i32_0 = arith.constant 0 : i32
    return %arg0, %c0_i32 : i32, i32
  }
  func.func @transform_11(%arg0: i32) -> (i32, i32) {
    %c0_i32 = arith.constant 0 : i32
    %c0_i32_0 = arith.constant 0 : i32
    return %arg0, %c0_i32 : i32, i32
  }
}

module attributes {stable_mosaic.version = 14 : i64} {
  func.func @_layer4_body(%arg0: i32, %arg1: memref<1x2000x128xf32, #tpu.memory_space<vmem>>, %arg2: memref<1x2000x128xf32, #tpu.memory_space<vmem>>, %arg3: memref<1x2000x16xf32, #tpu.memory_space<vmem>>, %arg4: memref<1x2000x16xf32, #tpu.memory_space<vmem>>, %arg5: memref<2000x16xf32, #tpu.memory_space<vmem>>, %arg6: memref<2000x128xf32, #tpu.memory_space<vmem>>, %arg7: memref<4x128xf32, #tpu.memory_space<vmem>>, %arg8: memref<128x128xf32, #tpu.memory_space<vmem>>, %arg9: memref<128x128xf32, #tpu.memory_space<vmem>>, %arg10: memref<1x128xf32, #tpu.memory_space<vmem>>, %arg11: memref<2000x128xf32, #tpu.memory_space<vmem>>) attributes {dimension_semantics = [#tpu.dimension_semantics<arbitrary>], iteration_bounds = array<i64: 5>, scalar_prefetch = 0 : i64, scratch_operands = 0 : i64, tpu.core_type = #tpu.core_type<tc>, window_params = [{transform_indices = @transform_0, window_bounds = array<i64: 1, 2000, 128>}, {transform_indices = @transform_1, window_bounds = array<i64: 1, 2000, 128>}, {transform_indices = @transform_2, window_bounds = array<i64: 1, 2000, 16>}, {transform_indices = @transform_3, window_bounds = array<i64: 1, 2000, 16>}, {transform_indices = @transform_4, window_bounds = array<i64: 2000, 16>}, {transform_indices = @transform_5, window_bounds = array<i64: 2000, 128>}, {pipeline_mode = #tpu.pipeline_mode<synchronous>, transform_indices = @transform_6, window_bounds = array<i64: 4, 128>}, {pipeline_mode = #tpu.pipeline_mode<synchronous>, transform_indices = @transform_7, window_bounds = array<i64: 128, 128>}, {pipeline_mode = #tpu.pipeline_mode<synchronous>, transform_indices = @transform_8, window_bounds = array<i64: 128, 128>}, {pipeline_mode = #tpu.pipeline_mode<synchronous>, transform_indices = @transform_9, window_bounds = array<i64: 1, 128>}, {transform_indices = @transform_10, window_bounds = array<i64: 2000, 128>}]} {
    %get3A = arith.constant 0 : index
    %get3A_0 = arith.constant 0 : index
    %get3A_1 = vector.load %arg5[%get3A, %get3A_0] : memref<2000x16xf32, #tpu.memory_space<vmem>>, vector<2000x1xf32>
    %get3A_2 = arith.constant 0 : index
    %get3A_3 = arith.constant 0 : index
    %get3A_4 = arith.constant 0 : index
    %get3A_5 = vector.load %arg1[%get3A_2, %get3A_3, %get3A_4] : memref<1x2000x128xf32, #tpu.memory_space<vmem>>, vector<1x2000x128xf32>
    %get3A_6 = vector.shape_cast %get3A_5 : vector<1x2000x128xf32> to vector<2000x128xf32>
    %get3A_7 = arith.constant 0 : index
    %get3A_8 = arith.constant 0 : index
    %get3A_9 = arith.constant 0 : index
    %get3A_10 = vector.load %arg2[%get3A_7, %get3A_8, %get3A_9] : memref<1x2000x128xf32, #tpu.memory_space<vmem>>, vector<1x2000x128xf32>
    %get3A_11 = vector.shape_cast %get3A_10 : vector<1x2000x128xf32> to vector<2000x128xf32>
    %add3A = arith.addf %get3A_6, %get3A_11 : vector<2000x128xf32>
    %get3A_12 = arith.constant 0 : index
    %get3A_13 = arith.constant 0 : index
    %get3A_14 = arith.constant 0 : index
    %get3A_15 = vector.load %arg3[%get3A_12, %get3A_13, %get3A_14] : memref<1x2000x16xf32, #tpu.memory_space<vmem>>, vector<1x2000x16xf32>
    %get3A_16 = vector.shape_cast %get3A_15 : vector<1x2000x16xf32> to vector<2000x16xf32>
    %get3A_17 = arith.constant 0 : index
    %get3A_18 = arith.constant 0 : index
    %get3A_19 = arith.constant 0 : index
    %get3A_20 = vector.load %arg4[%get3A_17, %get3A_18, %get3A_19] : memref<1x2000x16xf32, #tpu.memory_space<vmem>>, vector<1x2000x16xf32>
    %get3A_21 = vector.shape_cast %get3A_20 : vector<1x2000x16xf32> to vector<2000x16xf32>
    %add3A_22 = arith.addf %get3A_16, %get3A_21 : vector<2000x16xf32>
    %slice3A = vector.extract_strided_slice %add3A_22 {offsets = [0, 0], sizes = [2000, 4], strides = [1, 1]} : vector<2000x16xf32> to vector<2000x4xf32>
    %get3A_23 = arith.constant 0 : index
    %get3A_24 = arith.constant 0 : index
    %get3A_25 = vector.load %arg7[%get3A_23, %get3A_24] : memref<4x128xf32, #tpu.memory_space<vmem>>, vector<4x128xf32>
    %dot_general3A = arith.constant dense<0.000000e+00> : vector<2000x128xf32>
    %dot_general3A_26 = tpu.matmul %slice3A, %get3A_25, %dot_general3A {dimension_numbers = #tpu.dot_dimension_numbers<[1], [0], [0], [1], [0, 0, 1, 1], [], []>, transpose_lhs_hint = false} : vector<2000x4xf32>, vector<4x128xf32>, vector<2000x128xf32> -> vector<2000x128xf32>
    %add3A_27 = arith.addf %add3A, %dot_general3A_26 : vector<2000x128xf32>
    %mul3A = vector.broadcast %get3A_1 : vector<2000x1xf32> to vector<2000x128xf32>
    %mul3A_28 = arith.mulf %add3A_27, %mul3A : vector<2000x128xf32>
    %get3A_29 = arith.constant 0 : index
    %get3A_30 = arith.constant 0 : index
    %get3A_31 = vector.load %arg8[%get3A_29, %get3A_30] : memref<128x128xf32, #tpu.memory_space<vmem>>, vector<128x128xf32>
    %dot_general3A_32 = arith.constant dense<0.000000e+00> : vector<2000x128xf32>
    %dot_general3A_33 = tpu.matmul %mul3A_28, %get3A_31, %dot_general3A_32 {dimension_numbers = #tpu.dot_dimension_numbers<[1], [0], [0], [1], [0, 0, 1, 1], [], []>, transpose_lhs_hint = false} : vector<2000x128xf32>, vector<128x128xf32>, vector<2000x128xf32> -> vector<2000x128xf32>
    %get3A_34 = arith.constant 0 : index
    %get3A_35 = arith.constant 0 : index
    %get3A_36 = vector.load %arg6[%get3A_34, %get3A_35] : memref<2000x128xf32, #tpu.memory_space<vmem>>, vector<2000x128xf32>
    %get3A_37 = arith.constant 0 : index
    %get3A_38 = arith.constant 0 : index
    %get3A_39 = vector.load %arg9[%get3A_37, %get3A_38] : memref<128x128xf32, #tpu.memory_space<vmem>>, vector<128x128xf32>
    %dot_general3A_40 = arith.constant dense<0.000000e+00> : vector<2000x128xf32>
    %dot_general3A_41 = tpu.matmul %get3A_36, %get3A_39, %dot_general3A_40 {dimension_numbers = #tpu.dot_dimension_numbers<[1], [0], [0], [1], [0, 0, 1, 1], [], []>, transpose_lhs_hint = false} : vector<2000x128xf32>, vector<128x128xf32>, vector<2000x128xf32> -> vector<2000x128xf32>
    %add3A_42 = arith.addf %dot_general3A_33, %dot_general3A_41 : vector<2000x128xf32>
    %get3A_43 = arith.constant 0 : index
    %get3A_44 = arith.constant 0 : index
    %get3A_45 = vector.load %arg10[%get3A_43, %get3A_44] : memref<1x128xf32, #tpu.memory_space<vmem>>, vector<1x128xf32>
    %add3A_46 = vector.broadcast %get3A_45 : vector<1x128xf32> to vector<2000x128xf32>
    %add3A_47 = arith.addf %add3A_42, %add3A_46 : vector<2000x128xf32>
    %max3A = arith.constant 0.000000e+00 : f32
    %max3A_48 = vector.broadcast %max3A : f32 to vector<2000x128xf32>
    %max3A_49 = arith.maximumf %add3A_47, %max3A_48 : vector<2000x128xf32>
    %swap3A = arith.constant 0 : index
    %swap3A_50 = arith.constant 0 : index
    %swap3A_51 = vector.load %arg11[%swap3A, %swap3A_50] : memref<2000x128xf32, #tpu.memory_space<vmem>>, vector<2000x128xf32>
    tpu.vector_store %arg11[%swap3A, %swap3A_50], %max3A_49 {strides = array<i32>} : memref<2000x128xf32, #tpu.memory_space<vmem>>, vector<2000x128xf32>,
    return
  }
  func.func @transform_0(%arg0: i32) -> (i32, i32, i32) {
    %c0_i32 = arith.constant 0 : i32
    %c0_i32_0 = arith.constant 0 : i32
    %c0_i32_1 = arith.constant 0 : i32
    return %c0_i32, %arg0, %c0_i32_0 : i32, i32, i32
  }
  func.func @transform_1(%arg0: i32) -> (i32, i32, i32) {
    %c1_i32 = arith.constant 1 : i32
    %c0_i32 = arith.constant 0 : i32
    %c0_i32_0 = arith.constant 0 : i32
    return %c1_i32, %arg0, %c0_i32 : i32, i32, i32
  }
  func.func @transform_2(%arg0: i32) -> (i32, i32, i32) {
    %c0_i32 = arith.constant 0 : i32
    %c0_i32_0 = arith.constant 0 : i32
    %c0_i32_1 = arith.constant 0 : i32
    return %c0_i32, %arg0, %c0_i32_0 : i32, i32, i32
  }
  func.func @transform_3(%arg0: i32) -> (i32, i32, i32) {
    %c1_i32 = arith.constant 1 : i32
    %c0_i32 = arith.constant 0 : i32
    %c0_i32_0 = arith.constant 0 : i32
    return %c1_i32, %arg0, %c0_i32 : i32, i32, i32
  }
  func.func @transform_4(%arg0: i32) -> (i32, i32) {
    %c0_i32 = arith.constant 0 : i32
    %c0_i32_0 = arith.constant 0 : i32
    return %arg0, %c0_i32 : i32, i32
  }
  func.func @transform_5(%arg0: i32) -> (i32, i32) {
    %c0_i32 = arith.constant 0 : i32
    %c0_i32_0 = arith.constant 0 : i32
    return %arg0, %c0_i32 : i32, i32
  }
  func.func @transform_6(%arg0: i32) -> (i32, i32) {
    %c0_i32 = arith.constant 0 : i32
    %c0_i32_0 = arith.constant 0 : i32
    %c0_i32_1 = arith.constant 0 : i32
    return %c0_i32, %c0_i32_0 : i32, i32
  }
  func.func @transform_7(%arg0: i32) -> (i32, i32) {
    %c0_i32 = arith.constant 0 : i32
    %c0_i32_0 = arith.constant 0 : i32
    %c0_i32_1 = arith.constant 0 : i32
    return %c0_i32, %c0_i32_0 : i32, i32
  }
  func.func @transform_8(%arg0: i32) -> (i32, i32) {
    %c0_i32 = arith.constant 0 : i32
    %c0_i32_0 = arith.constant 0 : i32
    %c0_i32_1 = arith.constant 0 : i32
    return %c0_i32, %c0_i32_0 : i32, i32
  }
  func.func @transform_9(%arg0: i32) -> (i32, i32) {
    %c0_i32 = arith.constant 0 : i32
    %c0_i32_0 = arith.constant 0 : i32
    %c0_i32_1 = arith.constant 0 : i32
    return %c0_i32, %c0_i32_0 : i32, i32
  }
  func.func @transform_10(%arg0: i32) -> (i32, i32) {
    %c0_i32 = arith.constant 0 : i32
    %c0_i32_0 = arith.constant 0 : i32
    return %arg0, %c0_i32 : i32, i32
  }
}

module attributes {stable_mosaic.version = 14 : i64} {
  func.func @_pool_body(%arg0: i32, %arg1: memref<2000x128xf32, #tpu.memory_space<vmem>>, %arg2: memref<1x1x2000xi32, #tpu.memory_space<vmem>>, %arg3: memref<128x1xf32, #tpu.memory_space<vmem>>, %arg4: memref<1x1xf32, #tpu.memory_space<vmem>>, %arg5: memref<1x2xf32, #tpu.memory_space<vmem>>, %arg6: memref<1x2xf32, #tpu.memory_space<vmem>>, %arg7: memref<64x2xf32, #tpu.memory_space<vmem>>, %arg8: memref<64x128xf32, #tpu.memory_space<vmem>>, %arg9: memref<64x128xf32, #tpu.memory_space<vmem>>) attributes {dimension_semantics = [#tpu.dimension_semantics<arbitrary>], iteration_bounds = array<i64: 5>, scalar_prefetch = 0 : i64, scratch_operands = 2 : i64, tpu.core_type = #tpu.core_type<tc>, window_params = [{transform_indices = @transform_0, window_bounds = array<i64: 2000, 128>}, {transform_indices = @transform_1, window_bounds = array<i64: 1, 1, 2000>}, {pipeline_mode = #tpu.pipeline_mode<synchronous>, transform_indices = @transform_2, window_bounds = array<i64: 128, 1>}, {pipeline_mode = #tpu.pipeline_mode<synchronous>, transform_indices = @transform_3, window_bounds = array<i64: 1, 1>}, {pipeline_mode = #tpu.pipeline_mode<synchronous>, transform_indices = @transform_4, window_bounds = array<i64: 1, 2>}, {pipeline_mode = #tpu.pipeline_mode<synchronous>, transform_indices = @transform_5, window_bounds = array<i64: 1, 2>}, {pipeline_mode = #tpu.pipeline_mode<synchronous>, transform_indices = @transform_6, window_bounds = array<i64: 64, 2>}]} {
    %eq3A = arith.constant 0 : i32
    %eq3A_0 = arith.cmpi eq, %arg0, %eq3A : i32
    %convert_element_type3A = arith.extui %eq3A_0 : i1 to i32
    %cond3A = arith.constant 0 : i32
    %cond3A_1 = arith.cmpi ne, %convert_element_type3A, %cond3A : i32
    scf.if %cond3A_1 {
      %broadcast_in_dim3A_35 = arith.constant 0.000000e+00 : f32
      %broadcast_in_dim3A_36 = vector.broadcast %broadcast_in_dim3A_35 : f32 to vector<64x128xf32>
      %swap3A_37 = arith.constant 0 : index
      %swap3A_38 = arith.constant 0 : index
      %swap3A_39 = vector.load %arg8[%swap3A_37, %swap3A_38] : memref<64x128xf32, #tpu.memory_space<vmem>>, vector<64x128xf32>
      tpu.vector_store %arg8[%swap3A_37, %swap3A_38], %broadcast_in_dim3A_36 {strides = array<i32>} : memref<64x128xf32, #tpu.memory_space<vmem>>, vector<64x128xf32>,
      %broadcast_in_dim3A_40 = arith.constant 0.000000e+00 : f32
      %broadcast_in_dim3A_41 = vector.broadcast %broadcast_in_dim3A_40 : f32 to vector<64x128xf32>
      %swap3A_42 = arith.constant 0 : index
      %swap3A_43 = arith.constant 0 : index
      %swap3A_44 = vector.load %arg9[%swap3A_42, %swap3A_43] : memref<64x128xf32, #tpu.memory_space<vmem>>, vector<64x128xf32>
      tpu.vector_store %arg9[%swap3A_42, %swap3A_43], %broadcast_in_dim3A_41 {strides = array<i32>} : memref<64x128xf32, #tpu.memory_space<vmem>>, vector<64x128xf32>,
    } else {
    }
    %iota3A = tpu.iota {dimensions = array<i32: 0>} : vector<64x2000xi32>
    %get3A = arith.constant 0 : index
    %get3A_2 = arith.constant 0 : index
    %get3A_3 = arith.constant 0 : index
    %get3A_4 = vector.load %arg2[%get3A, %get3A_2, %get3A_3] : memref<1x1x2000xi32, #tpu.memory_space<vmem>>, vector<1x1x2000xi32>
    %get3A_5 = vector.shape_cast %get3A_4 : vector<1x1x2000xi32> to vector<2000xi32>
    %broadcast_in_dim3A = vector.shape_cast %get3A_5 : vector<2000xi32> to vector<1x2000xi32>
    %eq3A_6 = vector.broadcast %broadcast_in_dim3A : vector<1x2000xi32> to vector<64x2000xi32>
    %eq3A_7 = arith.cmpi eq, %eq3A_6, %iota3A : vector<64x2000xi32>
    %convert_element_type3A_8 = arith.extui %eq3A_7 : vector<64x2000xi1> to vector<64x2000xi32>
    %convert_element_type3A_9 = arith.sitofp %convert_element_type3A_8 : vector<64x2000xi32> to vector<64x2000xf32>
    %get3A_10 = arith.constant 0 : index
    %get3A_11 = arith.constant 0 : index
    %get3A_12 = vector.load %arg8[%get3A_10, %get3A_11] : memref<64x128xf32, #tpu.memory_space<vmem>>, vector<64x128xf32>
    %get3A_13 = arith.constant 0 : index
    %get3A_14 = arith.constant 0 : index
    %get3A_15 = vector.load %arg1[%get3A_13, %get3A_14] : memref<2000x128xf32, #tpu.memory_space<vmem>>, vector<2000x128xf32>
    %dot_general3A = arith.constant dense<0.000000e+00> : vector<64x128xf32>
    %dot_general3A_16 = tpu.matmul %convert_element_type3A_9, %get3A_15, %dot_general3A {dimension_numbers = #tpu.dot_dimension_numbers<[1], [0], [0], [1], [0, 0, 1, 1], [], []>, transpose_lhs_hint = false} : vector<64x2000xf32>, vector<2000x128xf32>, vector<64x128xf32> -> vector<64x128xf32>
    %add3A = arith.addf %get3A_12, %dot_general3A_16 : vector<64x128xf32>
    %swap3A = arith.constant 0 : index
    %swap3A_17 = arith.constant 0 : index
    %swap3A_18 = vector.load %arg8[%swap3A, %swap3A_17] : memref<64x128xf32, #tpu.memory_space<vmem>>, vector<64x128xf32>
    tpu.vector_store %arg8[%swap3A, %swap3A_17], %add3A {strides = array<i32>} : memref<64x128xf32, #tpu.memory_space<vmem>>, vector<64x128xf32>,
    %get3A_19 = arith.constant 0 : index
    %get3A_20 = arith.constant 0 : index
    %get3A_21 = vector.load %arg9[%get3A_19, %get3A_20] : memref<64x128xf32, #tpu.memory_space<vmem>>, vector<64x128xf32>
    %reduce_sum3A = arith.constant dense<0.000000e+00> : vector<64xf32>
    %reduce_sum3A_22 = vector.multi_reduction <add>, %convert_element_type3A_9, %reduce_sum3A [1] : vector<64x2000xf32> to vector<64xf32>
    %broadcast_in_dim3A_23 = vector.shape_cast %reduce_sum3A_22 : vector<64xf32> to vector<64x1xf32>
    %broadcast_in_dim3A_24 = vector.shape_cast %broadcast_in_dim3A_23 : vector<64x1xf32> to vector<64x1xf32>
    %broadcast_in_dim3A_25 = vector.broadcast %broadcast_in_dim3A_24 : vector<64x1xf32> to vector<64x128xf32>
    %add3A_26 = arith.addf %get3A_21, %broadcast_in_dim3A_25 : vector<64x128xf32>
    %swap3A_27 = arith.constant 0 : index
    %swap3A_28 = arith.constant 0 : index
    %swap3A_29 = vector.load %arg9[%swap3A_27, %swap3A_28] : memref<64x128xf32, #tpu.memory_space<vmem>>, vector<64x128xf32>
    tpu.vector_store %arg9[%swap3A_27, %swap3A_28], %add3A_26 {strides = array<i32>} : memref<64x128xf32, #tpu.memory_space<vmem>>, vector<64x128xf32>,
    %eq3A_30 = arith.constant 4 : i32
    %eq3A_31 = arith.cmpi eq, %arg0, %eq3A_30 : i32
    %convert_element_type3A_32 = arith.extui %eq3A_31 : i1 to i32
    %cond3A_33 = arith.constant 0 : i32
    %cond3A_34 = arith.cmpi ne, %convert_element_type3A_32, %cond3A_33 : i32
    scf.if %cond3A_34 {
      %get3A_35 = arith.constant 0 : index
      %get3A_36 = arith.constant 0 : index
      %get3A_37 = vector.load %arg8[%get3A_35, %get3A_36] : memref<64x128xf32, #tpu.memory_space<vmem>>, vector<64x128xf32>
      %get3A_38 = arith.constant 0 : index
      %get3A_39 = arith.constant 0 : index
      %get3A_40 = vector.load %arg9[%get3A_38, %get3A_39] : memref<64x128xf32, #tpu.memory_space<vmem>>, vector<64x128xf32>
      %max3A = arith.constant 1.000000e+00 : f32
      %max3A_41 = vector.broadcast %max3A : f32 to vector<64x128xf32>
      %max3A_42 = arith.maximumf %get3A_40, %max3A_41 : vector<64x128xf32>
      %div3A = arith.divf %get3A_37, %max3A_42 : vector<64x128xf32>
      %get3A_43 = arith.constant 0 : index
      %get3A_44 = arith.constant 0 : index
      %get3A_45 = vector.load %arg3[%get3A_43, %get3A_44] : memref<128x1xf32, #tpu.memory_space<vmem>>, vector<128x1xf32>
      %dot_general3A_46 = arith.constant dense<0.000000e+00> : vector<64x1xf32>
      %dot_general3A_47 = tpu.matmul %div3A, %get3A_45, %dot_general3A_46 {dimension_numbers = #tpu.dot_dimension_numbers<[1], [0], [0], [1], [0, 0, 1, 1], [], []>, transpose_lhs_hint = false} : vector<64x128xf32>, vector<128x1xf32>, vector<64x1xf32> -> vector<64x1xf32>
      %get3A_48 = arith.constant 0 : index
      %get3A_49 = arith.constant 0 : index
      %get3A_50 = vector.load %arg4[%get3A_48, %get3A_49] : memref<1x1xf32, #tpu.memory_space<vmem>>, vector<1x1xf32>
      %add3A_51 = vector.broadcast %get3A_50 : vector<1x1xf32> to vector<64x1xf32>
      %add3A_52 = arith.addf %dot_general3A_47, %add3A_51 : vector<64x1xf32>
      %get3A_53 = arith.constant 0 : index
      %get3A_54 = arith.constant 0 : index
      %get3A_55 = vector.load %arg5[%get3A_53, %get3A_54] : memref<1x2xf32, #tpu.memory_space<vmem>>, vector<1x2xf32>
      %dot_general3A_56 = arith.constant dense<0.000000e+00> : vector<64x2xf32>
      %dot_general3A_57 = tpu.matmul %add3A_52, %get3A_55, %dot_general3A_56 {dimension_numbers = #tpu.dot_dimension_numbers<[1], [0], [0], [1], [0, 0, 1, 1], [], []>, transpose_lhs_hint = false} : vector<64x1xf32>, vector<1x2xf32>, vector<64x2xf32> -> vector<64x2xf32>
      %get3A_58 = arith.constant 0 : index
      %get3A_59 = arith.constant 0 : index
      %get3A_60 = vector.load %arg6[%get3A_58, %get3A_59] : memref<1x2xf32, #tpu.memory_space<vmem>>, vector<1x2xf32>
      %add3A_61 = vector.broadcast %get3A_60 : vector<1x2xf32> to vector<64x2xf32>
      %add3A_62 = arith.addf %dot_general3A_57, %add3A_61 : vector<64x2xf32>
      %swap3A_63 = arith.constant 0 : index
      %swap3A_64 = arith.constant 0 : index
      %swap3A_65 = vector.load %arg7[%swap3A_63, %swap3A_64] : memref<64x2xf32, #tpu.memory_space<vmem>>, vector<64x2xf32>
      tpu.vector_store %arg7[%swap3A_63, %swap3A_64], %add3A_62 {strides = array<i32>} : memref<64x2xf32, #tpu.memory_space<vmem>>, vector<64x2xf32>,
    } else {
    }
    return
  }
  func.func @transform_0(%arg0: i32) -> (i32, i32) {
    %c0_i32 = arith.constant 0 : i32
    %c0_i32_0 = arith.constant 0 : i32
    return %arg0, %c0_i32 : i32, i32
  }
  func.func @transform_1(%arg0: i32) -> (i32, i32, i32) {
    %c0_i32 = arith.constant 0 : i32
    %c0_i32_0 = arith.constant 0 : i32
    %c0_i32_1 = arith.constant 0 : i32
    return %arg0, %c0_i32, %c0_i32_0 : i32, i32, i32
  }
  func.func @transform_2(%arg0: i32) -> (i32, i32) {
    %c0_i32 = arith.constant 0 : i32
    %c0_i32_0 = arith.constant 0 : i32
    %c0_i32_1 = arith.constant 0 : i32
    return %c0_i32, %c0_i32_0 : i32, i32
  }
  func.func @transform_3(%arg0: i32) -> (i32, i32) {
    %c0_i32 = arith.constant 0 : i32
    %c0_i32_0 = arith.constant 0 : i32
    %c0_i32_1 = arith.constant 0 : i32
    return %c0_i32, %c0_i32_0 : i32, i32
  }
  func.func @transform_4(%arg0: i32) -> (i32, i32) {
    %c0_i32 = arith.constant 0 : i32
    %c0_i32_0 = arith.constant 0 : i32
    %c0_i32_1 = arith.constant 0 : i32
    return %c0_i32, %c0_i32_0 : i32, i32
  }
  func.func @transform_5(%arg0: i32) -> (i32, i32) {
    %c0_i32 = arith.constant 0 : i32
    %c0_i32_0 = arith.constant 0 : i32
    %c0_i32_1 = arith.constant 0 : i32
    return %c0_i32, %c0_i32_0 : i32, i32
  }
  func.func @transform_6(%arg0: i32) -> (i32, i32) {
    %c0_i32 = arith.constant 0 : i32
    %c0_i32_0 = arith.constant 0 : i32
    %c0_i32_1 = arith.constant 0 : i32
    return %c0_i32, %c0_i32_0 : i32, i32
  }
}

</mosaic_0001>

<sc_bundles>
// kernel: kernel.11.cloned.1.call-start
scs
__scs_entry_jumppad:
0x0: {  	(pc) =	sbr.rel $0x88, $3  }
0x1: {  	(tag) =	ssettag $0x0;
	lr =	simm.s32 $0x1  }
0x2: {  	[smem:$0x3F8D] =	sst lr;
	_ =	strace $0xD0000000  }
0x3: {  	_ = 	snop  }
0x4: {  	_ = 	snop  }
0x5: {  	_ = 	snop  }
0x6: {  	_ = 	snop  }
0x7: {  	_ = 	snop  }
__scs_overlays_trampoline_lowered:
0x8: {  	[smem:$0x3F9C] =	sst s0  }
0x9: {  	[smem:$0x3F9D] =	sst s1  }
0xa: {  	[smem:$0x3F9E] =	sst s2  }
0xb: {  	[smem:$0x3F9F] =	sst s3  }
0xc: {  	[smem:$0x3FA0] =	sst s4  }
0xd: {  	[smem:$0x3FA1] =	sst s5  }
0xe: {  	[smem:$0x3FA2] =	sst s6  }
0xf: {  	[smem:$0x3FA3] =	sst s7  }
0x10: {  	[smem:$0x3FA4] =	sst s8  }
0x11: {  	[smem:$0x3FA5] =	sst s9;
	s0 =	simm.s32 @!p0 $0x0  }
0x12: {  	s1 =	sld [smem:$0x3F8B];
	s0 =	simm.s32 @p0 $0x1  }
0x13: {  	[smem:$0x3FA6] =	sst s0;
	s0 =	simm.s32 @!p1 $0x0  }
0x14: {  	s2 =	sld [smem:$0x3F8A];
	s0 =	simm.s32 @p1 $0x1  }
0x15: {  	[smem:$0x3FA7] =	sst s0;
	s0 =	simm.s32 @!p2 $0x0  }
0x16: {  	s3 =	sld [smem:$0x3FDB];
	s0 =	simm.s32 @p2 $0x1  }
0x17: {  	s4 =	simm.s32 $0x1BF5;
	[smem:$0x3FA9] =	sst s0  }
0x18: {  	s0 =	sld [smem:$0x3F8C];
	_ =	swait.ge [sflag:s4], $0x0  }
0x19: {  	s7 =	sld [smem:$0x3F8D]  }
0x1a: {  	s8 =	sadd.s32 $0xFFFFE003, lr  }
0x1b: {  	s9 =	sadd.s32 $0xFFFFFEF7, lr;
	s5 =	simm.s32 $0xFFFFFFFF;
	p2 =	slt.u32 s8, $0xFFFFF086  }
0x1c: {  	p1 =	slt.u32 s9, $0xF7A;
	s5 =	simm.s32 @!p2 $0x0  }
0x1d: {  	s5 =	simm.s32 @p1 $0x1;
	p0 =	seq.s32 s7, s2  }
0x1e: {  	s7 =	smul.u32 @!p0 $0xF7A, s2;
	p2 =	seq.s32 @!p0 s5, $0x0  }
0x1f: {  	s9 =	smul.u32 $0xF7A, s1;
	s8 =	simm.s32 @!p0 $0x1BF5;
	p2 =	por !p2, p0  }
0x20: {  	[sflag:s8] =	ssyncset.s32 @!p0 $0xFFFFF086;
	s6 =	sadd.s32 @!p0 s3, s7;
	s7 =	simm.s32 @!p0 $0x108  }
0x21: {  	s3 =	sadd.s32 s3, s9;
	s6 =	sadd.s32 @!p0 $0x88, s6;
	s7 =	simm.s32 @p2 $0x1082  }
0x22: {  	[simem:s7], [sflag:s8] =	dma.local @!p0 [hbm:s6], $0xF7A  }
0x23: {  	s9 =	sor.u32 $0xD0000000, s2;
	s6 =	simm.s32 $0x108;
	_ =	swait.ge @!p0 [sflag:s8], $0x0  }
0x24: {  	s3 =	sadd.s32 $0x88, s3;
	s6 =	simm.s32 @!p1 $0x1082;
	[sflag:s4] =	ssyncset.s32 $0xFFFFF086  }
0x25: {  	[simem:s6], [sflag:s4] =	dma.local [hbm:s3], $0xF7A  }
0x26: {  	[smem:$0x3F8D] =	sst s1;
	(tag) =	ssettag s2;
	_ =	strace s9  }
0x27: {  	s1 =	sld [smem:$0x3F9D]  }
0x28: {  	s2 =	sld [smem:$0x3F9E]  }
0x29: {  	s4 =	sld [smem:$0x3FA0]  }
0x2a: {  	p0 =	seq.s32 s5, $0x0;
	s5 =	sld [smem:$0x3FA1]  }
0x2b: {  	s6 =	sld [smem:$0x3FA2]  }
0x2c: {  	s7 =	sld [smem:$0x3FA3]  }
0x2d: {  	s3 =	simm.s32 $0x108;
	s8 =	sld [smem:$0x3FA4]  }
0x2e: {  	s3 =	simm.s32 @!p0 $0x1082;
	s9 =	sld [smem:$0x3FA5]  }
0x2f: {  	lr =	sadd.s32 s0, s3;
	s0 =	sld [smem:$0x3F9C]  }
0x30: {  	s3 =	sld [smem:$0x3F9F]  }
0x31: {  	[smem:$0x3FA8] =	sst s10  }
0x32: {  	s10 =	sld [smem:$0x3FA6];
	_ =	sdelay $0x3  }
0x33: {  	p0 =	seq.s32 s10, $0x1;
	s10 =	sld [smem:$0x3FA8];
	_ =	sdelay $0x3  }
0x34: {  	[smem:$0x3FA8] =	sst s10  }
0x35: {  	s10 =	sld [smem:$0x3FA7];
	_ =	sdelay $0x3  }
0x36: {  	p1 =	seq.s32 s10, $0x1;
	s10 =	sld [smem:$0x3FA8];
	_ =	sdelay $0x3  }
0x37: {  	[smem:$0x3FA8] =	sst s10  }
0x38: {  	s10 =	sld [smem:$0x3FA9]  }
0x39: {  	_ = 	snop;
	(pc) =	sbr.ind lr, $3  }
0x3a: {  	_ = 	snop  }
0x3b: {  	_ = 	snop  }
0x3c: {  	p2 =	seq.s32 s10, $0x1;
	s10 =	sld [smem:$0x3FA8]  }
0x3d: {  	_ =	shalt  }
0x3e: {  	_ =	shalt  }
0x3f: {  	_ =	shalt  }
0x40: {  	_ =	shalt  }
0x41: {  	_ =	shalt  }
0x42: {  	_ =	shalt  }
0x43: {  	_ =	shalt  }
0x44: {  	_ =	shalt  }
0x45: {  	_ =	shalt  }
0x46: {  	_ =	shalt  }
0x47: {  	_ =	shalt  }
0x48: {  	_ =	shalt  }
0x49: {  	_ =	shalt  }
0x4a: {  	_ =	shalt  }
0x4b: {  	_ =	shalt  }
0x4c: {  	_ =	shalt  }
0x4d: {  	_ =	shalt  }
0x4e: {  	_ =	shalt  }
0x4f: {  	_ =	shalt  }
0x50: {  	_ =	shalt  }
0x51: {  	_ =	shalt  }
0x52: {  	_ =	shalt  }
0x53: {  	_ =	shalt  }
0x54: {  	_ =	shalt  }
0x55: {  	_ =	shalt  }
0x56: {  	_ =	shalt  }
0x57: {  	_ =	shalt  }
0x58: {  	_ =	shalt  }
0x59: {  	_ =	shalt  }
0x5a: {  	_ =	shalt  }
0x5b: {  	_ =	shalt  }
0x5c: {  	_ =	shalt  }
0x5d: {  	_ =	shalt  }
0x5e: {  	_ =	shalt  }
0x5f: {  	_ =	shalt  }
0x60: {  	_ =	shalt  }
0x61: {  	_ =	shalt  }
0x62: {  	_ =	shalt  }
0x63: {  	_ =	shalt  }
0x64: {  	_ =	shalt  }
0x65: {  	_ =	shalt  }
0x66: {  	_ =	shalt  }
0x67: {  	_ =	shalt  }
0x68: {  	_ =	shalt  }
0x69: {  	_ =	shalt  }
0x6a: {  	_ =	shalt  }
0x6b: {  	_ =	shalt  }
0x6c: {  	_ =	shalt  }
0x6d: {  	_ =	shalt  }
0x6e: {  	_ =	shalt  }
0x6f: {  	_ =	shalt  }
0x70: {  	_ =	shalt  }
0x71: {  	_ =	shalt  }
0x72: {  	_ =	shalt  }
0x73: {  	_ =	shalt  }
0x74: {  	_ =	shalt  }
0x75: {  	_ =	shalt  }
0x76: {  	_ =	shalt  }
0x77: {  	_ =	shalt  }
0x78: {  	_ =	shalt  }
0x79: {  	_ =	shalt  }
0x7a: {  	_ =	shalt  }
0x7b: {  	_ =	shalt  }
0x7c: {  	_ =	shalt  }
0x7d: {  	_ =	shalt  }
0x7e: {  	_ =	shalt  }
0x7f: {  	_ =	shalt  }
0x80: {  	_ =	shalt  }
0x81: {  	_ =	shalt  }
0x82: {  	_ =	shalt  }
0x83: {  	_ =	shalt  }
0x84: {  	_ =	shalt  }
0x85: {  	_ =	shalt  }
0x86: {  	_ =	shalt  }
0x87: {  	_ =	shalt  }
.Lfunc_end0:
.L_simem_size_0:
called_computation_lowered:
.L_overlay_start_0:
0x88: {  	s2 =	sld [smem:$0x3FD9]  }
0x89: {  	s3 =	sld [smem:$0x3FFE];
	_ =	sdelay $0x1  }
0x8a: {  	s1 =	srdreg.scid  }
0x8b: {  	s0 =	sand.u32 $0x1, s1  }
0x8c: {  	s17 =	sshll.u32 s0, $0xA;
	s2 =	sadd.s32 s3, s2  }
0x8d: {  	s2 =	sadd.s32 s2, s17  }
0x8e: {  	[smem:$0x3FB4] =	sst s2  }
0x8f: {  	_ = 	snop  }
0x90: {  	s2 =	sld [smem:$0x3FC9];
	(tm) =	ssettm $0x1  }
0x91: {  	s18 =	sld [smem:$0x3FFB];
	_ =	sdelay $0x3  }
0x92: {  	_ =	strace s18  }
0x93: {  	s3 =	sld [smem:$0x3FFC];
	_ =	sdelay $0x3  }
0x94: {  	_ =	strace s3  }
0x95: {  	s3 =	sld [smem:$0x3FFD];
	_ =	sdelay $0x3  }
0x96: {  	_ =	strace s3  }
0x97: {  	_ =	strace $0x8FFFFFFF  }
0x98: {  	s19 =	sld [smem:$0x3FDB];
	_ =	sdelay $0x1  }
0x99: {  	s4 =	simm.s32 $_scs_section_size  }
0x9a: {  	s5 =	simm.s32 $_size__tile_overlayer_lowered;
	s6 =	simm.s32 $_tile_overlayer_lowered  }
0x9b: {  	s22 =	simm.s32 $0x1BFF;
	s21 =	sshll.u32 s6, $0x1;
	s3 =	sadd.s32 s4, s19  }
0x9c: {  	s7 =	simm.s32 $0x0;
	s20 =	sshll.u32 s5, $0x1;
	s5 =	sadd.s32 s21, s3  }
0x9d: {  	[timem:s7], [sflag:s22] =	dma.local [hbm:s5], s20  }
0x9e: {  	_ =	swait.ge [sflag:s22], s20  }
0x9f: {  	s4 =	ssub.s32 $0x0, s20;
	[sflag:s22] =	ssyncset.done $0x0  }
0xa0: {  	[sflag:s22] =	ssyncadd.s32 s4;
	_ =	sdelay $0x1  }
0xa1: {  	s23 =	simm.s32 $0x1B8B  }
0xa2: {  	_ =	swait.ge [sflag:s23], $0x1  }
0xa3: {  	[sflag:s23] =	ssyncset.done $0x0  }
0xa4: {  	s25 =	simm.s32 $0x1B8E;
	s24 =	sld [smem:$0x3FFE];
	[sflag:s23] =	ssyncadd.s32 $0xFFFFFFFF  }
0xa5: {  	s26 =	simm.s32 $execute0_lowered;
	[smem:$0x3FD2] =	sst s25  }
0xa6: {  	s5 =	sshll.u32 s26, $0x1;
	_ =	strace $0x80000046;
	[dreg:$0x1] =	wrdreg $0xFFFFFFFF  }
0xa7: {  	s28 =	simm.s32 $_size_execute0_lowered;
	s3 =	sadd.s32 s3, s5;
	[dreg:$0x0] =	wrdreg $0x0  }
0xa8: {  	s5 =	sshll.u32 s28, $0x1;
	[dreg:$0x2] =	wrdreg s3  }
0xa9: {  	[dreg:$0x3] =	wrdreg s5  }
0xaa: {  	[dreg:$0x4] =	wrdreg $0xC0  }
0xab: {  	_ =	task [dreg:s7], $0x5FFFF  }
0xac: {  	[dreg:$0x1] =	wrdreg $0xFFFFFFFF  }
0xad: {  	[dreg:$0x0] =	wrdreg $0x60  }
0xae: {  	[dreg:$0x2] =	wrdreg s2  }
0xaf: {  	[dreg:$0x3] =	wrdreg s24  }
0xb0: {  	[dreg:$0x4] =	wrdreg $0x28A00  }
0xb1: {  	[dreg:$0x5] =	wrdreg $0x166200  }
0xb2: {  	[dreg:$0x6] =	wrdreg $0x9  }
0xb3: {  	_ =	task.clear_ibuf [dreg:s7], $0x7FFFF;
	_ =	strace $0x90000046  }
0xb4: {  	s29 =	simm.s32 $0x9;
	_ =	strace $0x80000048  }
0xb5: {  	_ =	swait.ge [sflag:s29], $0x1  }
0xb6: {  	[sflag:s29] =	ssyncadd.s32 $0xFFFFFFFF  }
0xb7: {  	_ =	strace $0x90000048  }
0xb8: {  	_ =	sfence  }
0xb9: {  	s30 =	sld [smem:$0x0];
	_ =	sdelay $0x2  }
0xba: {  	s31 =	sshll.u32 s1, $0xD;
	s1 =	sshrl.u32 s1, $0x2  }
0xbb: {  	s3 =	sand.u32 $0x4000, s31;
	s1 =	sadd.s32 s1, s30  }
0xbc: {  	s0 =	sor.u32 s3, s0;
	s1 =	sshll.u32 s1, $0x11  }
0xbd: {  	s0 =	sor.u32 s1, s0  }
0xbe: {  	s0 =	sadd.s32 $0x8F2B, s0  }
0xbf: {  	[sflag:s0] =	ssyncadd.remote.s32 $0x1  }
0xc0: {  	_ =	sfence.sel $0xFFFF  }
0xc1: {  	[dreg:$0x0] =	wrdreg $0xFFFFFFFF;
	(pc) =	sbr.abs _section_cstart, $3  }
0xc2: {  	[dreg:$0x1] =	wrdreg $0xFFFFFFFF  }
0xc3: {  	_ =	task.clear_ibuf [dreg:s7], $0x2FFFF;
	_ =	strace $0x9FFFFFFF  }
0xc4: {  	(tm) =	ssettm $0x7FFFFFFF  }
0xc5: {  	_ =	shalt  }
tec
execute0_lowered:
.L_overlay_start_1:
0x0: {  	(tag) =	ssettag $0x1  }
0x1: {  	s1 =	rddreg [dreg:$0x0]  }
0x2: {  	s0 =	srdreg.scid;
	s20 =	stileid.u32  }
0x3: {  	s2 =	rddreg [dreg:$0x1];
	s7 =	smul.u32 $0x4E20, s20  }
0x4: {  	s3 =	rddreg [dreg:$0x2];
	s8 =	smul.u32 $0x14000, s20  }
0x5: {  	s4 =	rddreg [dreg:$0x3];
	s9 =	smul.u32 $0x9C40, s20  }
0x6: {  	s5 =	simm.s32 $0x0;
	s28 =	simm.s32 $0x0;
	s10 =	smul.u32 $0x2800, s20  }
0x7: {  	s0 =	sand.u32 $0x1, s0;
	[smem:$0x7FF] =	sst s5;
	s12 =	smul.u32 $0x280, s20  }
0x8: {  	s17 =	sadd.s32 $0x12C000, s3;
	s29 =	sadd.s32 $0xD9800, s2;
	s30 =	smul.u32 $0x50000, s20  }
0x9: {  	s31 =	smul.u32 $0xA000, s20;
	p0 =	seq.s32 s20, $0xF;
	s20 =	simm.s32 $0x2  }
0xa: {  	s6 =	smul.u32 $0x2710, s0;
	_ =	strace $0x80000047;
	s24 =	ssub.s32 $0x2, s0  }
0xb: {  	[dreg:$0x7] =	wrdreg s29;
	s0 =	smul.u32 $0x4E20, s0;
	s17 =	sshrl.u32 @p0 s17, $0x3  }
0xc: {  	s11 =	sshrl.u32 s8, $0x3;
	s14 =	sadd.s32 s9, s2;
	s22 =	sshrl.u32 s10, $0x3  }
0xd: {  	s13 =	sshrl.u32 s24, $0x1;
	s18 =	sadd.s32 s8, s3;
	s19 =	sadd.s32 s10, s4  }
0xe: {  	s10 =	sadd.s32 $0xDFD00, s2;
	s7 =	sadd.s32 s6, s7;
	s21 =	sadd.s32 s11, s2  }
0xf: {  	s6 =	sadd.s32 s12, s6;
	s9 =	sadd.s32 s22, s2;
	s13 =	ssub.s32 s24, s13  }
0x10: {  	s12 =	sshrl.u32 s30, $0x2;
	s0 =	sadd.s32 s0, s14;
	s18 =	sshrl.u32 @!p0 s18, $0x3  }
0x11: {  	s19 =	sshrl.u32 @!p0 s19, $0x3;
	s22 =	simm.s32 $0xA0;
	s7 =	sshrl.u32 s7, $0x3  }
0x12: {  	s23 =	sshll.u32 s6, $0x4;
	s6 =	sshll.u32 s6, $0x1;
	s25 =	sadd.s32 $0xB4000, s21  }
0x13: {  	s26 =	sadd.s32 $0xDB200, s9;
	s9 =	sadd.s32 $0x25800, s4;
	s24 =	sadd.s32 s12, s3  }
0x14: {  	s13 =	smax.u32 s13, $0x1;
	s14 =	sadd.s32 $0x17C00, s0;
	s21 =	simm.s32 $0x50  }
0x15: {  	s16 =	sadd.s32 s7, s2;
	s11 =	sadd.s32 s23, s2;
	[dreg:$0x5] =	wrdreg s25  }
0x16: {  	s15 =	sadd.s32 s6, s2;
	[dreg:$0x6] =	wrdreg s26;
	s2 =	sshrl.u32 s31, $0x2  }
0x17: {  	s23 =	simm.s32 $0x16120;
	s24 =	sshrl.u32 @!p0 s24, $0x3;
	s26 =	simm.s32 $0x1  }
0x18: {  	s11 =	sadd.s32 $0xEA000, s11;
	s12 =	sadd.s32 $0xE0200, s15;
	s2 =	sadd.s32 s2, s4  }
0x19: {  	s15 =	sadd.s32 $0x4000, s16;
	s16 =	sadd.s32 $0xDE00, s16;
	s25 =	sshrl.u32 @!p0 s2, $0x3  }
.LBB2_1:
0x1a: {  	s0 =	simm.s32 @p0 $0x1FC2;
	s2 =	rddreg [dreg:$0x7]  }
0x1b: {  	[spmem:s17], [sflag:s0] =	dma.local @p0 [hbm:s2], $0x1900  }
0x1c: {  	s2 =	simm.s32 @p0 $0x2  }
0x1d: {  	_ =	swait.ge @p0 [sflag:s2], $0x1900  }
0x1e: {  	[sflag:s2] =	ssyncset.done @p0 $0x0  }
0x1f: {  	s30 =	sshrl.u32 @p0 s9, $0x3;
	[sflag:s2] =	ssyncadd.s32 @p0 $0xFFFFE700  }
0x20: {  	[spmem:s30], [sflag:s0] =	dma.local @p0 [hbm:s10], $0x320  }
0x21: {  	s0 =	stileid.u32;
	_ =	swait.ge @p0 [sflag:s2], $0x320  }
0x22: {  	s0 =	sshll.u32 @!p0 s0, $0x6;
	[sflag:s2] =	ssyncset.done @p0 $0x0  }
0x23: {  	s29 =	sor.u32 @!p0 $0x1C02, s0;
	s0 =	rddreg [dreg:$0x5];
	[sflag:s2] =	ssyncadd.s32 @p0 $0xFFFFFCE0  }
0x24: {  	[spmem:s18], [sflag:s29] =	dma.local @!p0 [hbm:s0], $0x2800  }
0x25: {  	s0 =	simm.s32 @!p0 $0x2  }
0x26: {  	_ =	swait.ge @!p0 [sflag:s0], $0x2800  }
0x27: {  	[sflag:s0] =	ssyncset.done @!p0 $0x0  }
0x28: {  	s2 =	rddreg [dreg:$0x6];
	[sflag:s0] =	ssyncadd.s32 @!p0 $0xFFFFD800  }
0x29: {  	[spmem:s19], [sflag:s29] =	dma.local @!p0 [hbm:s2], $0x500  }
0x2a: {  	_ =	swait.ge @!p0 [sflag:s0], $0x500  }
0x2b: {  	[sflag:s0] =	ssyncset.done @!p0 $0x0  }
0x2c: {  	[sflag:s0] =	ssyncadd.s32 @!p0 $0xFFFFFB00  }
0x2d: {  	s7 =	sadd.s32 $0x0, s16;
	[bflag:$0x0] =	sbarrier.arrive $0xFFFF  }
0x2e: {  	[tilespmem:s5], [sflag:$0x2] =	stream.linear.gather [hbm4b:s7+s5], $0x50, $0x38;
	[tilespmem:$0x18D30] =	vst v63  }
0x2f: {  	_ =	swait.ge [sflag:s20], $0x50  }
0x30: {  	[sflag:s20] =	ssyncset.done $0x0  }
0x31: {  	s8 =	sadd.s32 $0x0, s15;
	[sflag:s20] =	ssyncadd.s32 $0xFFFFFFB0  }
0x32: {  	[tilespmem:s21], [sflag:$0x2] =	stream.linear.gather [hbm4b:s8+s5], $0x50, $0x38;
	[tilespmem:$0x18D30] =	vst v63  }
0x33: {  	_ =	swait.ge [sflag:s20], $0x50  }
0x34: {  	[sflag:s20] =	ssyncset.done $0x0  }
0x35: {  	[sflag:s20] =	ssyncadd.s32 $0xFFFFFFB0  }
0x36: {  	[tilespmem:s22], [sflag:$0x1] =	stream.indirect.gather [hbm4b:s1+s21], $0x80, s5, s21, $0xb8;
	[tilespmem:$0x18D30] =	vst v63  }
0x37: {  	_ = 	snop  }
0x38: {  	[tilespmem:s23], [sflag:$0x2] =	stream.linear.gather [hbm4b:s14+s5], $0x500, $0x38;
	[tilespmem:$0x18D30] =	vst v63  }
0x39: {  	_ =	swait.ge [sflag:s20], $0x500  }
0x3a: {  	[sflag:s20] =	ssyncset.done $0x0  }
0x3b: {  	[sflag:s20] =	ssyncadd.s32 $0xFFFFFB00  }
0x3c: {  	_ =	swait.ge [sflag:s26], $0x2800  }
0x3d: {  	[sflag:s26] =	ssyncset.done $0x0  }
0x3e: {  	[sflag:s26] =	ssyncadd.s32 $0xFFFFD800  }
0x3f: {  	[spmem:s3] =	stream.indirect.scatter.add.f32 [tilespmem:s22], [sflag:$0x2], $0x80, s21, s21, $0xb8;
	[tilespmem:$0x18D30] =	vst v63  }
0x40: {  	_ =	swait.ge [sflag:s20], $0x2800  }
0x41: {  	[sflag:s20] =	ssyncset.done $0x0  }
0x42: {  	[sflag:s20] =	ssyncadd.s32 $0xFFFFD800  }
0x43: {  	[spmem:s4] =	stream.indirect.scatter.add.f32 [tilespmem:s23], [sflag:$0x2], $0x10, s21, s21, $0xb8;
	[tilespmem:$0x18D30] =	vst v63  }
0x44: {  	s31 =	sadd.s32 $0xA0, s14;
	_ =	swait.ge [sflag:s20], $0x500  }
0x45: {  	s2 =	simm.s32 $0xA;
	s0 =	simm.s32 $0x14;
	[sflag:s20] =	ssyncset.done $0x0  }
.LBB2_2:
0x46: {  	s6 =	sadd.s32 s2, s16  }
0x47: {  	[sflag:s20] =	ssyncadd.s32 $0xFFFFFB00;
	s7 =	smov.u32 s0;
	s8 =	sadd.s32 $0xA, s0  }
0x48: {  	[tilespmem:s5], [sflag:$0x2] =	stream.linear.gather [hbm4b:s6+s5], $0x50, $0x38;
	[tilespmem:$0x18D30] =	vst v63  }
0x49: {  	p1 =	sne.s32 s0, $0x4D8;
	_ =	swait.ge [sflag:s20], $0x50  }
0x4a: {  	[sflag:s20] =	ssyncset.done $0x0  }
0x4b: {  	s0 =	sadd.s32 s2, s15;
	s2 =	smov.u32 s7;
	[sflag:s20] =	ssyncadd.s32 $0xFFFFFFB0  }
0x4c: {  	[tilespmem:s21], [sflag:$0x2] =	stream.linear.gather [hbm4b:s0+s5], $0x50, $0x38;
	[tilespmem:$0x18D30] =	vst v63  }
0x4d: {  	_ =	swait.ge [sflag:s20], $0x50  }
0x4e: {  	[sflag:s20] =	ssyncset.done $0x0  }
0x4f: {  	[sflag:s20] =	ssyncadd.s32 $0xFFFFFFB0  }
0x50: {  	[tilespmem:s22], [sflag:$0x1] =	stream.indirect.gather [hbm4b:s1+s21], $0x80, s5, s21, $0xb8;
	[tilespmem:$0x18D30] =	vst v63  }
0x51: {  	_ = 	snop  }
0x52: {  	[tilespmem:s23], [sflag:$0x2] =	stream.linear.gather [hbm4b:s31+s5], $0x500, $0x38;
	[tilespmem:$0x18D30] =	vst v63  }
0x53: {  	_ =	swait.ge [sflag:s20], $0x500  }
0x54: {  	[sflag:s20] =	ssyncset.done $0x0  }
0x55: {  	[sflag:s20] =	ssyncadd.s32 $0xFFFFFB00  }
0x56: {  	_ =	swait.ge [sflag:s26], $0x2800  }
0x57: {  	[sflag:s26] =	ssyncset.done $0x0  }
0x58: {  	[sflag:s26] =	ssyncadd.s32 $0xFFFFD800  }
0x59: {  	[spmem:s3] =	stream.indirect.scatter.add.f32 [tilespmem:s22], [sflag:$0x2], $0x80, s21, s21, $0xb8;
	[tilespmem:$0x18D30] =	vst v63  }
0x5a: {  	_ =	swait.ge [sflag:s20], $0x2800  }
.Ltmp0:
0x5b: {  	[sflag:s20] =	ssyncset.done $0x0;
	(pc) =	sbr.rel @p1 .LBB2_2-.Ltmp0, $4  }
0x5c: {  	[sflag:s20] =	ssyncadd.s32 $0xFFFFD800  }
0x5d: {  	[spmem:s4] =	stream.indirect.scatter.add.f32 [tilespmem:s23], [sflag:$0x2], $0x10, s21, s21, $0xb8;
	[tilespmem:$0x18D30] =	vst v63  }
0x5e: {  	_ =	swait.ge [sflag:s20], $0x500  }
0x5f: {  	s0 =	smov.u32 s8;
	s31 =	sadd.s32 $0xA0, s31;
	[sflag:s20] =	ssyncset.done $0x0  }
0x60: {  	s0 =	sadd.s32 s2, s16;
	[sflag:s20] =	ssyncadd.s32 $0xFFFFFB00  }
0x61: {  	[tilespmem:s5], [sflag:$0x2] =	stream.linear.gather [hbm4b:s0+s5], $0x50, $0x38;
	[tilespmem:$0x18D30] =	vst v63  }
0x62: {  	_ =	swait.ge [sflag:s20], $0x50  }
0x63: {  	[sflag:s20] =	ssyncset.done $0x0  }
0x64: {  	s8 =	sadd.s32 s2, s15;
	[sflag:s20] =	ssyncadd.s32 $0xFFFFFFB0  }
0x65: {  	[tilespmem:s21], [sflag:$0x2] =	stream.linear.gather [hbm4b:s8+s5], $0x50, $0x38;
	[tilespmem:$0x18D30] =	vst v63  }
0x66: {  	_ =	swait.ge [sflag:s20], $0x50  }
0x67: {  	[sflag:s20] =	ssyncset.done $0x0  }
0x68: {  	[sflag:s20] =	ssyncadd.s32 $0xFFFFFFB0  }
0x69: {  	[tilespmem:s22], [sflag:$0x1] =	stream.indirect.gather [hbm4b:s1+s21], $0x80, s5, s21, $0xb8;
	[tilespmem:$0x18D30] =	vst v63  }
0x6a: {  	_ = 	snop  }
0x6b: {  	[tilespmem:s23], [sflag:$0x2] =	stream.linear.gather [hbm4b:s31+s5], $0x500, $0x38;
	[tilespmem:$0x18D30] =	vst v63  }
0x6c: {  	_ =	swait.ge [sflag:s20], $0x500  }
0x6d: {  	[sflag:s20] =	ssyncset.done $0x0  }
0x6e: {  	[sflag:s20] =	ssyncadd.s32 $0xFFFFFB00  }
0x6f: {  	_ =	swait.ge [sflag:s26], $0x2800  }
0x70: {  	[sflag:s26] =	ssyncset.done $0x0  }
0x71: {  	[sflag:s26] =	ssyncadd.s32 $0xFFFFD800  }
0x72: {  	[spmem:s3] =	stream.indirect.scatter.add.f32 [tilespmem:s22], [sflag:$0x2], $0x80, s21, s21, $0xb8;
	[tilespmem:$0x18D30] =	vst v63  }
0x73: {  	_ =	swait.ge [sflag:s20], $0x2800  }
0x74: {  	[sflag:s20] =	ssyncset.done $0x0  }
0x75: {  	[sflag:s20] =	ssyncadd.s32 $0xFFFFD800  }
0x76: {  	[spmem:s4] =	stream.indirect.scatter.add.f32 [tilespmem:s23], [sflag:$0x2], $0x10, s21, s21, $0xb8;
	[tilespmem:$0x18D30] =	vst v63  }
0x77: {  	_ =	swait.ge [sflag:s20], $0x500  }
0x78: {  	[sflag:s20] =	ssyncset.done $0x0  }
0x79: {  	[sflag:s20] =	ssyncadd.s32 $0xFFFFFB00  }
0x7a: {  	s2 =	simm.s32 @p0 $0x2;
	s0 =	simm.s32 @p0 $0x1FC2;
	[bflag:$0x0] =	sbarrier.arrive $0xFFFF  }
0x7b: {  	[hbm:s11], [sflag:s0] =	dma.local @p0 [spmem:s17], $0x1900  }
0x7c: {  	_ =	swait.ge @p0 [sflag:s2], $0x1900  }
0x7d: {  	[sflag:s2] =	ssyncset.done @p0 $0x0  }
0x7e: {  	[sflag:s2] =	ssyncadd.s32 @p0 $0xFFFFE700  }
0x7f: {  	[hbm:s12], [sflag:s0] =	dma.local @p0 [spmem:s30], $0x320  }
0x80: {  	_ =	swait.ge @p0 [sflag:s2], $0x320  }
0x81: {  	[sflag:s2] =	ssyncset.done @p0 $0x0  }
0x82: {  	s0 =	simm.s32 @!p0 $0x2;
	[sflag:s2] =	ssyncadd.s32 @p0 $0xFFFFFCE0  }
0x83: {  	[hbm:s11], [sflag:s29] =	dma.local @!p0 [spmem:s24], $0x2800  }
0x84: {  	s28 =	sadd.s32 $0x1, s28;
	_ =	swait.ge @!p0 [sflag:s0], $0x2800  }
0x85: {  	p1 =	sne.s32 s28, s13;
	[sflag:s0] =	ssyncset.done @!p0 $0x0  }
.Ltmp1:
0x86: {  	[sflag:s0] =	ssyncadd.s32 @!p0 $0xFFFFD800;
	(pc) =	sbr.rel @p1 .LBB2_1-.Ltmp1, $4  }
0x87: {  	[hbm:s12], [sflag:s29] =	dma.local @!p0 [spmem:s25], $0x500  }
0x88: {  	_ =	swait.ge @!p0 [sflag:s0], $0x500  }
0x89: {  	[sflag:s0] =	ssyncset.done @!p0 $0x0  }
0x8a: {  	[sflag:s0] =	ssyncadd.s32 @!p0 $0xFFFFFB00  }
0x8b: {  	_ =	sfence.sel $0x180000  }
0x8c: {  	[bflag:$0x0] =	sbarrier.arrive $0xFFFF  }
0x8d: {  	_ =	strace $0x90000047  }
0x8e: {  	s0 =	stileid.u32;
	[bflag:$0x2] =	sbarrier.arrive $0xFFFF  }
0x8f: {  	p0 =	sne.s32 s0, $0x0;
	s0 =	rddreg [dreg:$0x4]  }
0x90: {  	s0 =	sadd.s32 @!p0 $0x100000, s0  }
0x91: {  	[sflag:s0] =	ssyncadd.tile.s32 @!p0 $0x1;
	_ =	shalt  }
.Lfunc_end2:
_tile_overlayer_lowered:
.L_overlay_start_2:
0x92: {  	(tag) =	ssettag $0x2  }
0x93: {  	s0 =	rddreg [dreg:$0x0];
	s2 =	stileid.u32  }
0x94: {  	s1 =	rddreg [dreg:$0x1];
	p0 =	sne.s32 s2, $0x0  }
0x95: {  	s3 =	rddreg [dreg:$0x2];
	[bflag:$0x3] =	sbarrier.arrive $0xFFFF;
	s2 =	simm.s32 @!p0 $0x1C02  }
0x96: {  	[timem:s3], [sflag:s2] =	dma.local @!p0 [hbm:s0], s1  }
0x97: {  	s0 =	simm.s32 @!p0 $0x2  }
0x98: {  	_ =	swait.ge @!p0 [sflag:s0], s1  }
0x99: {  	s1 =	ssub.s32 @!p0 $0x0, s1;
	[sflag:s0] =	ssyncset.done @!p0 $0x0  }
0x9a: {  	[sflag:s0] =	ssyncadd.s32 @!p0 s1  }
0x9b: {  	[bflag:$0x3] =	sbarrier.arrive $0xFFFF  }
0x9c: {  	_ =	shalt  }

// kernel: kernel.14.cloned.1.call-start
scs
__scs_entry_jumppad:
0x0: {  	(pc) =	sbr.rel $0x88, $3  }
0x1: {  	(tag) =	ssettag $0x0;
	lr =	simm.s32 $0x1  }
0x2: {  	[smem:$0x3F8D] =	sst lr;
	_ =	strace $0xD0000000  }
0x3: {  	_ = 	snop  }
0x4: {  	_ = 	snop  }
0x5: {  	_ = 	snop  }
0x6: {  	_ = 	snop  }
0x7: {  	_ = 	snop  }
__scs_overlays_trampoline_lowered:
0x8: {  	[smem:$0x3F9C] =	sst s0  }
0x9: {  	[smem:$0x3F9D] =	sst s1  }
0xa: {  	[smem:$0x3F9E] =	sst s2  }
0xb: {  	[smem:$0x3F9F] =	sst s3  }
0xc: {  	[smem:$0x3FA0] =	sst s4  }
0xd: {  	[smem:$0x3FA1] =	sst s5  }
0xe: {  	[smem:$0x3FA2] =	sst s6  }
0xf: {  	[smem:$0x3FA3] =	sst s7  }
0x10: {  	[smem:$0x3FA4] =	sst s8  }
0x11: {  	[smem:$0x3FA5] =	sst s9;
	s0 =	simm.s32 @!p0 $0x0  }
0x12: {  	s1 =	sld [smem:$0x3F8B];
	s0 =	simm.s32 @p0 $0x1  }
0x13: {  	[smem:$0x3FA6] =	sst s0;
	s0 =	simm.s32 @!p1 $0x0  }
0x14: {  	s2 =	sld [smem:$0x3F8A];
	s0 =	simm.s32 @p1 $0x1  }
0x15: {  	[smem:$0x3FA7] =	sst s0;
	s0 =	simm.s32 @!p2 $0x0  }
0x16: {  	s3 =	sld [smem:$0x3FDB];
	s0 =	simm.s32 @p2 $0x1  }
0x17: {  	s4 =	simm.s32 $0x1BF5;
	[smem:$0x3FA9] =	sst s0  }
0x18: {  	s0 =	sld [smem:$0x3F8C];
	_ =	swait.ge [sflag:s4], $0x0  }
0x19: {  	s7 =	sld [smem:$0x3F8D]  }
0x1a: {  	s8 =	sadd.s32 $0xFFFFE003, lr  }
0x1b: {  	s9 =	sadd.s32 $0xFFFFFEF7, lr;
	s5 =	simm.s32 $0xFFFFFFFF;
	p2 =	slt.u32 s8, $0xFFFFF086  }
0x1c: {  	p1 =	slt.u32 s9, $0xF7A;
	s5 =	simm.s32 @!p2 $0x0  }
0x1d: {  	s5 =	simm.s32 @p1 $0x1;
	p0 =	seq.s32 s7, s2  }
0x1e: {  	s7 =	smul.u32 @!p0 $0xF7A, s2;
	p2 =	seq.s32 @!p0 s5, $0x0  }
0x1f: {  	s9 =	smul.u32 $0xF7A, s1;
	s8 =	simm.s32 @!p0 $0x1BF5;
	p2 =	por !p2, p0  }
0x20: {  	[sflag:s8] =	ssyncset.s32 @!p0 $0xFFFFF086;
	s6 =	sadd.s32 @!p0 s3, s7;
	s7 =	simm.s32 @!p0 $0x108  }
0x21: {  	s3 =	sadd.s32 s3, s9;
	s6 =	sadd.s32 @!p0 $0x88, s6;
	s7 =	simm.s32 @p2 $0x1082  }
0x22: {  	[simem:s7], [sflag:s8] =	dma.local @!p0 [hbm:s6], $0xF7A  }
0x23: {  	s9 =	sor.u32 $0xD0000000, s2;
	s6 =	simm.s32 $0x108;
	_ =	swait.ge @!p0 [sflag:s8], $0x0  }
0x24: {  	s3 =	sadd.s32 $0x88, s3;
	s6 =	simm.s32 @!p1 $0x1082;
	[sflag:s4] =	ssyncset.s32 $0xFFFFF086  }
0x25: {  	[simem:s6], [sflag:s4] =	dma.local [hbm:s3], $0xF7A  }
0x26: {  	[smem:$0x3F8D] =	sst s1;
	(tag) =	ssettag s2;
	_ =	strace s9  }
0x27: {  	s1 =	sld [smem:$0x3F9D]  }
0x28: {  	s2 =	sld [smem:$0x3F9E]  }
0x29: {  	s4 =	sld [smem:$0x3FA0]  }
0x2a: {  	p0 =	seq.s32 s5, $0x0;
	s5 =	sld [smem:$0x3FA1]  }
0x2b: {  	s6 =	sld [smem:$0x3FA2]  }
0x2c: {  	s7 =	sld [smem:$0x3FA3]  }
0x2d: {  	s3 =	simm.s32 $0x108;
	s8 =	sld [smem:$0x3FA4]  }
0x2e: {  	s3 =	simm.s32 @!p0 $0x1082;
	s9 =	sld [smem:$0x3FA5]  }
0x2f: {  	lr =	sadd.s32 s0, s3;
	s0 =	sld [smem:$0x3F9C]  }
0x30: {  	s3 =	sld [smem:$0x3F9F]  }
0x31: {  	[smem:$0x3FA8] =	sst s10  }
0x32: {  	s10 =	sld [smem:$0x3FA6];
	_ =	sdelay $0x3  }
0x33: {  	p0 =	seq.s32 s10, $0x1;
	s10 =	sld [smem:$0x3FA8];
	_ =	sdelay $0x3  }
0x34: {  	[smem:$0x3FA8] =	sst s10  }
0x35: {  	s10 =	sld [smem:$0x3FA7];
	_ =	sdelay $0x3  }
0x36: {  	p1 =	seq.s32 s10, $0x1;
	s10 =	sld [smem:$0x3FA8];
	_ =	sdelay $0x3  }
0x37: {  	[smem:$0x3FA8] =	sst s10  }
0x38: {  	s10 =	sld [smem:$0x3FA9]  }
0x39: {  	_ = 	snop;
	(pc) =	sbr.ind lr, $3  }
0x3a: {  	_ = 	snop  }
0x3b: {  	_ = 	snop  }
0x3c: {  	p2 =	seq.s32 s10, $0x1;
	s10 =	sld [smem:$0x3FA8]  }
0x3d: {  	_ =	shalt  }
0x3e: {  	_ =	shalt  }
0x3f: {  	_ =	shalt  }
0x40: {  	_ =	shalt  }
0x41: {  	_ =	shalt  }
0x42: {  	_ =	shalt  }
0x43: {  	_ =	shalt  }
0x44: {  	_ =	shalt  }
0x45: {  	_ =	shalt  }
0x46: {  	_ =	shalt  }
0x47: {  	_ =	shalt  }
0x48: {  	_ =	shalt  }
0x49: {  	_ =	shalt  }
0x4a: {  	_ =	shalt  }
0x4b: {  	_ =	shalt  }
0x4c: {  	_ =	shalt  }
0x4d: {  	_ =	shalt  }
0x4e: {  	_ =	shalt  }
0x4f: {  	_ =	shalt  }
0x50: {  	_ =	shalt  }
0x51: {  	_ =	shalt  }
0x52: {  	_ =	shalt  }
0x53: {  	_ =	shalt  }
0x54: {  	_ =	shalt  }
0x55: {  	_ =	shalt  }
0x56: {  	_ =	shalt  }
0x57: {  	_ =	shalt  }
0x58: {  	_ =	shalt  }
0x59: {  	_ =	shalt  }
0x5a: {  	_ =	shalt  }
0x5b: {  	_ =	shalt  }
0x5c: {  	_ =	shalt  }
0x5d: {  	_ =	shalt  }
0x5e: {  	_ =	shalt  }
0x5f: {  	_ =	shalt  }
0x60: {  	_ =	shalt  }
0x61: {  	_ =	shalt  }
0x62: {  	_ =	shalt  }
0x63: {  	_ =	shalt  }
0x64: {  	_ =	shalt  }
0x65: {  	_ =	shalt  }
0x66: {  	_ =	shalt  }
0x67: {  	_ =	shalt  }
0x68: {  	_ =	shalt  }
0x69: {  	_ =	shalt  }
0x6a: {  	_ =	shalt  }
0x6b: {  	_ =	shalt  }
0x6c: {  	_ =	shalt  }
0x6d: {  	_ =	shalt  }
0x6e: {  	_ =	shalt  }
0x6f: {  	_ =	shalt  }
0x70: {  	_ =	shalt  }
0x71: {  	_ =	shalt  }
0x72: {  	_ =	shalt  }
0x73: {  	_ =	shalt  }
0x74: {  	_ =	shalt  }
0x75: {  	_ =	shalt  }
0x76: {  	_ =	shalt  }
0x77: {  	_ =	shalt  }
0x78: {  	_ =	shalt  }
0x79: {  	_ =	shalt  }
0x7a: {  	_ =	shalt  }
0x7b: {  	_ =	shalt  }
0x7c: {  	_ =	shalt  }
0x7d: {  	_ =	shalt  }
0x7e: {  	_ =	shalt  }
0x7f: {  	_ =	shalt  }
0x80: {  	_ =	shalt  }
0x81: {  	_ =	shalt  }
0x82: {  	_ =	shalt  }
0x83: {  	_ =	shalt  }
0x84: {  	_ =	shalt  }
0x85: {  	_ =	shalt  }
0x86: {  	_ =	shalt  }
0x87: {  	_ =	shalt  }
.Lfunc_end0:
.L_simem_size_0:
called_computation.1_lowered:
.L_overlay_start_0:
0x88: {  	s2 =	sld [smem:$0x3FD9]  }
0x89: {  	s3 =	sld [smem:$0x3FFE];
	_ =	sdelay $0x1  }
0x8a: {  	s1 =	srdreg.scid  }
0x8b: {  	s0 =	sand.u32 $0x1, s1  }
0x8c: {  	s16 =	sshll.u32 s0, $0xA;
	s2 =	sadd.s32 s3, s2  }
0x8d: {  	s2 =	sadd.s32 s2, s16  }
0x8e: {  	[smem:$0x3FB4] =	sst s2  }
0x8f: {  	_ = 	snop  }
0x90: {  	(tm) =	ssettm $0x1  }
0x91: {  	s17 =	sld [smem:$0x3FFB];
	_ =	sdelay $0x3  }
0x92: {  	_ =	strace s17  }
0x93: {  	s2 =	sld [smem:$0x3FFC];
	_ =	sdelay $0x3  }
0x94: {  	_ =	strace s2  }
0x95: {  	s2 =	sld [smem:$0x3FFD];
	_ =	sdelay $0x3  }
0x96: {  	_ =	strace s2  }
0x97: {  	_ =	strace $0x8FFFFFFF  }
0x98: {  	s18 =	sld [smem:$0x3FDB];
	_ =	sdelay $0x1  }
0x99: {  	s19 =	simm.s32 $_scs_section_size  }
0x9a: {  	s4 =	simm.s32 $_size__tile_overlayer_lowered;
	s5 =	simm.s32 $_tile_overlayer_lowered  }
0x9b: {  	s22 =	simm.s32 $0x1BFF;
	s21 =	sshll.u32 s5, $0x1;
	s2 =	sadd.s32 s19, s18  }
0x9c: {  	s6 =	simm.s32 $0x0;
	s20 =	sshll.u32 s4, $0x1;
	s4 =	sadd.s32 s21, s2  }
0x9d: {  	[timem:s6], [sflag:s22] =	dma.local [hbm:s4], s20  }
0x9e: {  	_ =	swait.ge [sflag:s22], s20  }
0x9f: {  	s3 =	ssub.s32 $0x0, s20;
	[sflag:s22] =	ssyncset.done $0x0  }
0xa0: {  	[sflag:s22] =	ssyncadd.s32 s3;
	_ =	sdelay $0x1  }
0xa1: {  	s23 =	simm.s32 $0x1B8B  }
0xa2: {  	_ =	swait.ge [sflag:s23], $0x1  }
0xa3: {  	[sflag:s23] =	ssyncset.done $0x0  }
0xa4: {  	s25 =	simm.s32 $0x1B8E;
	s24 =	sld [smem:$0x3FFE];
	[sflag:s23] =	ssyncadd.s32 $0xFFFFFFFF  }
0xa5: {  	s26 =	simm.s32 $execute0_lowered;
	[smem:$0x3FD2] =	sst s25  }
0xa6: {  	s4 =	sshll.u32 s26, $0x1;
	_ =	strace $0x80000049;
	[dreg:$0x1] =	wrdreg $0xFFFFFFFF  }
0xa7: {  	s28 =	simm.s32 $_size_execute0_lowered;
	s2 =	sadd.s32 s2, s4;
	[dreg:$0x0] =	wrdreg $0x0  }
0xa8: {  	s4 =	sshll.u32 s28, $0x1;
	[dreg:$0x2] =	wrdreg s2  }
0xa9: {  	[dreg:$0x3] =	wrdreg s4  }
0xaa: {  	[dreg:$0x4] =	wrdreg $0xC0  }
0xab: {  	_ =	task [dreg:s6], $0x5FFFF  }
0xac: {  	[dreg:$0x1] =	wrdreg $0xFFFFFFFF  }
0xad: {  	[dreg:$0x0] =	wrdreg $0x60  }
0xae: {  	[dreg:$0x2] =	wrdreg s24  }
0xaf: {  	[dreg:$0x3] =	wrdreg $0x28A00  }
0xb0: {  	[dreg:$0x4] =	wrdreg $0x9  }
0xb1: {  	_ =	task.clear_ibuf [dreg:s6], $0x5FFFF;
	_ =	strace $0x90000049  }
0xb2: {  	s29 =	simm.s32 $0x9;
	_ =	strace $0x8000004B  }
0xb3: {  	_ =	swait.ge [sflag:s29], $0x1  }
0xb4: {  	[sflag:s29] =	ssyncadd.s32 $0xFFFFFFFF  }
0xb5: {  	_ =	strace $0x9000004B  }
0xb6: {  	_ =	sfence  }
0xb7: {  	s30 =	sld [smem:$0x0];
	_ =	sdelay $0x2  }
0xb8: {  	s31 =	sshll.u32 s1, $0xD;
	s1 =	sshrl.u32 s1, $0x2  }
0xb9: {  	s3 =	sand.u32 $0x4000, s31;
	s1 =	sadd.s32 s1, s30  }
0xba: {  	s0 =	sor.u32 s3, s0;
	s1 =	sshll.u32 s1, $0x11  }
0xbb: {  	s0 =	sor.u32 s1, s0  }
0xbc: {  	s0 =	sadd.s32 $0x8F2B, s0  }
0xbd: {  	[sflag:s0] =	ssyncadd.remote.s32 $0x1  }
0xbe: {  	_ =	sfence.sel $0xFFFF  }
0xbf: {  	[dreg:$0x0] =	wrdreg $0xFFFFFFFF;
	(pc) =	sbr.abs _section_cstart, $3  }
0xc0: {  	[dreg:$0x1] =	wrdreg $0xFFFFFFFF  }
0xc1: {  	_ =	task.clear_ibuf [dreg:s6], $0x2FFFF;
	_ =	strace $0x9FFFFFFF  }
0xc2: {  	(tm) =	ssettm $0x7FFFFFFF  }
0xc3: {  	_ =	shalt  }
tec
execute0_lowered:
.L_overlay_start_1:
0x0: {  	(tag) =	ssettag $0x1  }
0x1: {  	s6 =	rddreg [dreg:$0x0]  }
0x2: {  	s0 =	srdreg.scid;
	s2 =	rddreg [dreg:$0x1]  }
0x3: {  	s1 =	rddreg [dreg:$0x2];
	s5 =	sand.u32 $0x1, s0  }
0x4: {  	s3 =	simm.s32 $0x0;
	s0 =	stileid.u32;
	s7 =	smul.u32 $0x2710, s5  }
0x5: {  	s15 =	simm.s32 $0x50;
	s16 =	simm.s32 $0xA0;
	s4 =	smul.u32 $0x4E20, s0  }
0x6: {  	s17 =	simm.s32 $0x1;
	s19 =	simm.s32 $0x0;
	s8 =	smul.u32 $0x14000, s0  }
0x7: {  	[smem:$0x7FF] =	sst s3;
	s14 =	sadd.s32 $0x12C000, s2;
	s10 =	smul.u32 $0x280, s0  }
0x8: {  	_ =	strace $0x8000004A;
	s5 =	ssub.s32 $0x2, s5;
	s12 =	smul.u32 $0x50000, s0  }
0x9: {  	p0 =	seq.s32 s0, $0xF;
	s30 =	sshrl.u32 s5, $0x1;
	s4 =	sadd.s32 s7, s4  }
0xa: {  	s29 =	sshrl.u32 s8, $0x3;
	s7 =	sadd.s32 s10, s7;
	s10 =	ssub.s32 s5, s30  }
0xb: {  	s13 =	sadd.s32 s8, s2;
	s31 =	sshrl.u32 s12, $0x2;
	s12 =	sshll.u32 @!p0 s0, $0x6  }
0xc: {  	s9 =	sshrl.u32 s4, $0x3;
	s4 =	sadd.s32 $0xE0200, s6;
	s7 =	sshll.u32 s7, $0x4  }
0xd: {  	s18 =	sadd.s32 s31, s2;
	s8 =	smax.u32 s10, $0x1;
	s12 =	sor.u32 @!p0 $0x1C02, s12  }
0xe: {  	s13 =	sshrl.u32 @!p0 s13, $0x3;
	s11 =	sadd.s32 s9, s6;
	s9 =	sadd.s32 s29, s6  }
0xf: {  	s7 =	sadd.s32 s7, s6;
	s6 =	sadd.s32 $0xD9800, s6;
	s18 =	sshrl.u32 @!p0 s18, $0x3  }
0x10: {  	s5 =	sadd.s32 $0xB4000, s9;
	s7 =	sadd.s32 $0x186400, s7;
	s9 =	sadd.s32 $0x4000, s11  }
0x11: {  	s10 =	sadd.s32 $0xDE00, s11;
	s11 =	sshrl.u32 @p0 s14, $0x3;
	s14 =	simm.s32 $0x2  }
.LBB2_1:
0x12: {  	s20 =	simm.s32 @p0 $0x1FC2  }
0x13: {  	[spmem:s11], [sflag:s20] =	dma.local @p0 [hbm:s6], $0x1900  }
0x14: {  	s20 =	simm.s32 @p0 $0x2  }
0x15: {  	_ =	swait.ge @p0 [sflag:s20], $0x1900  }
0x16: {  	[sflag:s20] =	ssyncset.done @p0 $0x0  }
0x17: {  	[sflag:s20] =	ssyncadd.s32 @p0 $0xFFFFE700;
	s20 =	simm.s32 @!p0 $0x2  }
0x18: {  	[spmem:s13], [sflag:s12] =	dma.local @!p0 [hbm:s5], $0x2800  }
0x19: {  	_ =	swait.ge @!p0 [sflag:s20], $0x2800  }
0x1a: {  	[sflag:s20] =	ssyncset.done @!p0 $0x0  }
0x1b: {  	[sflag:s20] =	ssyncadd.s32 @!p0 $0xFFFFD800  }
0x1c: {  	s30 =	sadd.s32 $0x0, s10;
	[bflag:$0x0] =	sbarrier.arrive $0xFFFF  }
0x1d: {  	[tilespmem:s3], [sflag:$0x2] =	stream.linear.gather [hbm4b:s30+s3], $0x50, $0x38;
	[tilespmem:$0x16120] =	vst v63  }
0x1e: {  	_ =	swait.ge [sflag:s14], $0x50  }
0x1f: {  	[sflag:s14] =	ssyncset.done $0x0  }
0x20: {  	s31 =	sadd.s32 $0x0, s9;
	[sflag:s14] =	ssyncadd.s32 $0xFFFFFFB0  }
0x21: {  	[tilespmem:s15], [sflag:$0x2] =	stream.linear.gather [hbm4b:s31+s3], $0x50, $0x38;
	[tilespmem:$0x16120] =	vst v63  }
0x22: {  	_ =	swait.ge [sflag:s14], $0x50  }
0x23: {  	[sflag:s14] =	ssyncset.done $0x0  }
0x24: {  	[sflag:s14] =	ssyncadd.s32 $0xFFFFFFB0  }
0x25: {  	[tilespmem:s16], [sflag:$0x1] =	stream.indirect.gather [hbm4b:s4+s15], $0x80, s3, s15, $0xb8;
	[tilespmem:$0x16120] =	vst v63  }
0x26: {  	_ =	swait.ge [sflag:s17], $0x2800  }
0x27: {  	[sflag:s17] =	ssyncset.done $0x0  }
0x28: {  	[sflag:s17] =	ssyncadd.s32 $0xFFFFD800  }
0x29: {  	[spmem:s2] =	stream.indirect.scatter.add.f32 [tilespmem:s16], [sflag:$0x2], $0x80, s15, s15, $0xb8;
	[tilespmem:$0x16120] =	vst v63  }
0x2a: {  	_ =	swait.ge [sflag:s14], $0x2800  }
0x2b: {  	s21 =	simm.s32 $0x14;
	s20 =	simm.s32 $0xA;
	[sflag:s14] =	ssyncset.done $0x0  }
.LBB2_2:
0x2c: {  	s22 =	sadd.s32 s20, s10  }
0x2d: {  	[sflag:s14] =	ssyncadd.s32 $0xFFFFD800;
	s23 =	smov.u32 s21;
	s24 =	sadd.s32 $0xA, s21  }
0x2e: {  	[tilespmem:s3], [sflag:$0x2] =	stream.linear.gather [hbm4b:s22+s3], $0x50, $0x38;
	[tilespmem:$0x16120] =	vst v63  }
0x2f: {  	p1 =	sne.s32 s21, $0x4D8;
	_ =	swait.ge [sflag:s14], $0x50  }
0x30: {  	[sflag:s14] =	ssyncset.done $0x0  }
0x31: {  	s21 =	sadd.s32 s20, s9;
	s20 =	smov.u32 s23;
	[sflag:s14] =	ssyncadd.s32 $0xFFFFFFB0  }
0x32: {  	[tilespmem:s15], [sflag:$0x2] =	stream.linear.gather [hbm4b:s21+s3], $0x50, $0x38;
	[tilespmem:$0x16120] =	vst v63  }
0x33: {  	_ =	swait.ge [sflag:s14], $0x50  }
0x34: {  	[sflag:s14] =	ssyncset.done $0x0  }
0x35: {  	[sflag:s14] =	ssyncadd.s32 $0xFFFFFFB0  }
0x36: {  	[tilespmem:s16], [sflag:$0x1] =	stream.indirect.gather [hbm4b:s4+s15], $0x80, s3, s15, $0xb8;
	[tilespmem:$0x16120] =	vst v63  }
0x37: {  	_ =	swait.ge [sflag:s17], $0x2800  }
.Ltmp0:
0x38: {  	[sflag:s17] =	ssyncset.done $0x0;
	(pc) =	sbr.rel @p1 .LBB2_2-.Ltmp0, $4  }
0x39: {  	[sflag:s17] =	ssyncadd.s32 $0xFFFFD800  }
0x3a: {  	[spmem:s2] =	stream.indirect.scatter.add.f32 [tilespmem:s16], [sflag:$0x2], $0x80, s15, s15, $0xb8;
	[tilespmem:$0x16120] =	vst v63  }
0x3b: {  	_ =	swait.ge [sflag:s14], $0x2800  }
0x3c: {  	s21 =	smov.u32 s24;
	[sflag:s14] =	ssyncset.done $0x0  }
0x3d: {  	s21 =	sadd.s32 s20, s10;
	[sflag:s14] =	ssyncadd.s32 $0xFFFFD800  }
0x3e: {  	[tilespmem:s3], [sflag:$0x2] =	stream.linear.gather [hbm4b:s21+s3], $0x50, $0x38;
	[tilespmem:$0x16120] =	vst v63  }
0x3f: {  	_ =	swait.ge [sflag:s14], $0x50  }
0x40: {  	[sflag:s14] =	ssyncset.done $0x0  }
0x41: {  	s31 =	sadd.s32 s20, s9;
	[sflag:s14] =	ssyncadd.s32 $0xFFFFFFB0  }
0x42: {  	[tilespmem:s15], [sflag:$0x2] =	stream.linear.gather [hbm4b:s31+s3], $0x50, $0x38;
	[tilespmem:$0x16120] =	vst v63  }
0x43: {  	_ =	swait.ge [sflag:s14], $0x50  }
0x44: {  	[sflag:s14] =	ssyncset.done $0x0  }
0x45: {  	[sflag:s14] =	ssyncadd.s32 $0xFFFFFFB0  }
0x46: {  	[tilespmem:s16], [sflag:$0x1] =	stream.indirect.gather [hbm4b:s4+s15], $0x80, s3, s15, $0xb8;
	[tilespmem:$0x16120] =	vst v63  }
0x47: {  	_ =	swait.ge [sflag:s17], $0x2800  }
0x48: {  	[sflag:s17] =	ssyncset.done $0x0  }
0x49: {  	[sflag:s17] =	ssyncadd.s32 $0xFFFFD800  }
0x4a: {  	[spmem:s2] =	stream.indirect.scatter.add.f32 [tilespmem:s16], [sflag:$0x2], $0x80, s15, s15, $0xb8;
	[tilespmem:$0x16120] =	vst v63  }
0x4b: {  	_ =	swait.ge [sflag:s14], $0x2800  }
0x4c: {  	[sflag:s14] =	ssyncset.done $0x0  }
0x4d: {  	[sflag:s14] =	ssyncadd.s32 $0xFFFFD800  }
0x4e: {  	s20 =	simm.s32 @p0 $0x1FC2;
	[bflag:$0x0] =	sbarrier.arrive $0xFFFF  }
0x4f: {  	[hbm:s7], [sflag:s20] =	dma.local @p0 [spmem:s11], $0x1900  }
0x50: {  	s20 =	simm.s32 @p0 $0x2  }
0x51: {  	s19 =	sadd.s32 $0x1, s19;
	_ =	swait.ge @p0 [sflag:s20], $0x1900  }
0x52: {  	p1 =	sne.s32 s19, s8;
	[sflag:s20] =	ssyncset.done @p0 $0x0  }
.Ltmp1:
0x53: {  	[sflag:s20] =	ssyncadd.s32 @p0 $0xFFFFE700;
	s20 =	simm.s32 @!p0 $0x2;
	(pc) =	sbr.rel @p1 .LBB2_1-.Ltmp1, $4  }
0x54: {  	[hbm:s7], [sflag:s12] =	dma.local @!p0 [spmem:s18], $0x2800  }
0x55: {  	_ =	swait.ge @!p0 [sflag:s20], $0x2800  }
0x56: {  	[sflag:s20] =	ssyncset.done @!p0 $0x0  }
0x57: {  	[sflag:s20] =	ssyncadd.s32 @!p0 $0xFFFFD800  }
0x58: {  	_ =	sfence.sel $0x180000  }
0x59: {  	[bflag:$0x0] =	sbarrier.arrive $0xFFFF  }
0x5a: {  	p0 =	sne.s32 s0, $0x0;
	_ =	strace $0x9000004A  }
0x5b: {  	s0 =	sadd.s32 @!p0 $0x100000, s1;
	[bflag:$0x2] =	sbarrier.arrive $0xFFFF  }
0x5c: {  	[sflag:s0] =	ssyncadd.tile.s32 @!p0 $0x1;
	_ =	shalt  }
.Lfunc_end2:
_tile_overlayer_lowered:
.L_overlay_start_2:
0x5d: {  	(tag) =	ssettag $0x2  }
0x5e: {  	s0 =	rddreg [dreg:$0x0];
	s2 =	stileid.u32  }
0x5f: {  	s1 =	rddreg [dreg:$0x1];
	p0 =	sne.s32 s2, $0x0  }
0x60: {  	s3 =	rddreg [dreg:$0x2];
	[bflag:$0x3] =	sbarrier.arrive $0xFFFF;
	s2 =	simm.s32 @!p0 $0x1C02  }
0x61: {  	[timem:s3], [sflag:s2] =	dma.local @!p0 [hbm:s0], s1  }
0x62: {  	s0 =	simm.s32 @!p0 $0x2  }
0x63: {  	_ =	swait.ge @!p0 [sflag:s0], s1  }
0x64: {  	s1 =	ssub.s32 @!p0 $0x0, s1;
	[sflag:s0] =	ssyncset.done @!p0 $0x0  }
0x65: {  	[sflag:s0] =	ssyncadd.s32 @!p0 s1  }
0x66: {  	[bflag:$0x3] =	sbarrier.arrive $0xFFFF  }
0x67: {  	_ =	shalt  }

// kernel: kernel.17.cloned.1.call-start
scs
__scs_entry_jumppad:
0x0: {  	(pc) =	sbr.rel $0x88, $3  }
0x1: {  	(tag) =	ssettag $0x0;
	lr =	simm.s32 $0x1  }
0x2: {  	[smem:$0x3F8D] =	sst lr;
	_ =	strace $0xD0000000  }
0x3: {  	_ = 	snop  }
0x4: {  	_ = 	snop  }
0x5: {  	_ = 	snop  }
0x6: {  	_ = 	snop  }
0x7: {  	_ = 	snop  }
__scs_overlays_trampoline_lowered:
0x8: {  	[smem:$0x3F9C] =	sst s0  }
0x9: {  	[smem:$0x3F9D] =	sst s1  }
0xa: {  	[smem:$0x3F9E] =	sst s2  }
0xb: {  	[smem:$0x3F9F] =	sst s3  }
0xc: {  	[smem:$0x3FA0] =	sst s4  }
0xd: {  	[smem:$0x3FA1] =	sst s5  }
0xe: {  	[smem:$0x3FA2] =	sst s6  }
0xf: {  	[smem:$0x3FA3] =	sst s7  }
0x10: {  	[smem:$0x3FA4] =	sst s8  }
0x11: {  	[smem:$0x3FA5] =	sst s9;
	s0 =	simm.s32 @!p0 $0x0  }
0x12: {  	s1 =	sld [smem:$0x3F8B];
	s0 =	simm.s32 @p0 $0x1  }
0x13: {  	[smem:$0x3FA6] =	sst s0;
	s0 =	simm.s32 @!p1 $0x0  }
0x14: {  	s2 =	sld [smem:$0x3F8A];
	s0 =	simm.s32 @p1 $0x1  }
0x15: {  	[smem:$0x3FA7] =	sst s0;
	s0 =	simm.s32 @!p2 $0x0  }
0x16: {  	s3 =	sld [smem:$0x3FDB];
	s0 =	simm.s32 @p2 $0x1  }
0x17: {  	s4 =	simm.s32 $0x1BF5;
	[smem:$0x3FA9] =	sst s0  }
0x18: {  	s0 =	sld [smem:$0x3F8C];
	_ =	swait.ge [sflag:s4], $0x0  }
0x19: {  	s7 =	sld [smem:$0x3F8D]  }
0x1a: {  	s8 =	sadd.s32 $0xFFFFE003, lr  }
0x1b: {  	s9 =	sadd.s32 $0xFFFFFEF7, lr;
	s5 =	simm.s32 $0xFFFFFFFF;
	p2 =	slt.u32 s8, $0xFFFFF086  }
0x1c: {  	p1 =	slt.u32 s9, $0xF7A;
	s5 =	simm.s32 @!p2 $0x0  }
0x1d: {  	s5 =	simm.s32 @p1 $0x1;
	p0 =	seq.s32 s7, s2  }
0x1e: {  	s7 =	smul.u32 @!p0 $0xF7A, s2;
	p2 =	seq.s32 @!p0 s5, $0x0  }
0x1f: {  	s9 =	smul.u32 $0xF7A, s1;
	s8 =	simm.s32 @!p0 $0x1BF5;
	p2 =	por !p2, p0  }
0x20: {  	[sflag:s8] =	ssyncset.s32 @!p0 $0xFFFFF086;
	s6 =	sadd.s32 @!p0 s3, s7;
	s7 =	simm.s32 @!p0 $0x108  }
0x21: {  	s3 =	sadd.s32 s3, s9;
	s6 =	sadd.s32 @!p0 $0x88, s6;
	s7 =	simm.s32 @p2 $0x1082  }
0x22: {  	[simem:s7], [sflag:s8] =	dma.local @!p0 [hbm:s6], $0xF7A  }
0x23: {  	s9 =	sor.u32 $0xD0000000, s2;
	s6 =	simm.s32 $0x108;
	_ =	swait.ge @!p0 [sflag:s8], $0x0  }
0x24: {  	s3 =	sadd.s32 $0x88, s3;
	s6 =	simm.s32 @!p1 $0x1082;
	[sflag:s4] =	ssyncset.s32 $0xFFFFF086  }
0x25: {  	[simem:s6], [sflag:s4] =	dma.local [hbm:s3], $0xF7A  }
0x26: {  	[smem:$0x3F8D] =	sst s1;
	(tag) =	ssettag s2;
	_ =	strace s9  }
0x27: {  	s1 =	sld [smem:$0x3F9D]  }
0x28: {  	s2 =	sld [smem:$0x3F9E]  }
0x29: {  	s4 =	sld [smem:$0x3FA0]  }
0x2a: {  	p0 =	seq.s32 s5, $0x0;
	s5 =	sld [smem:$0x3FA1]  }
0x2b: {  	s6 =	sld [smem:$0x3FA2]  }
0x2c: {  	s7 =	sld [smem:$0x3FA3]  }
0x2d: {  	s3 =	simm.s32 $0x108;
	s8 =	sld [smem:$0x3FA4]  }
0x2e: {  	s3 =	simm.s32 @!p0 $0x1082;
	s9 =	sld [smem:$0x3FA5]  }
0x2f: {  	lr =	sadd.s32 s0, s3;
	s0 =	sld [smem:$0x3F9C]  }
0x30: {  	s3 =	sld [smem:$0x3F9F]  }
0x31: {  	[smem:$0x3FA8] =	sst s10  }
0x32: {  	s10 =	sld [smem:$0x3FA6];
	_ =	sdelay $0x3  }
0x33: {  	p0 =	seq.s32 s10, $0x1;
	s10 =	sld [smem:$0x3FA8];
	_ =	sdelay $0x3  }
0x34: {  	[smem:$0x3FA8] =	sst s10  }
0x35: {  	s10 =	sld [smem:$0x3FA7];
	_ =	sdelay $0x3  }
0x36: {  	p1 =	seq.s32 s10, $0x1;
	s10 =	sld [smem:$0x3FA8];
	_ =	sdelay $0x3  }
0x37: {  	[smem:$0x3FA8] =	sst s10  }
0x38: {  	s10 =	sld [smem:$0x3FA9]  }
0x39: {  	_ = 	snop;
	(pc) =	sbr.ind lr, $3  }
0x3a: {  	_ = 	snop  }
0x3b: {  	_ = 	snop  }
0x3c: {  	p2 =	seq.s32 s10, $0x1;
	s10 =	sld [smem:$0x3FA8]  }
0x3d: {  	_ =	shalt  }
0x3e: {  	_ =	shalt  }
0x3f: {  	_ =	shalt  }
0x40: {  	_ =	shalt  }
0x41: {  	_ =	shalt  }
0x42: {  	_ =	shalt  }
0x43: {  	_ =	shalt  }
0x44: {  	_ =	shalt  }
0x45: {  	_ =	shalt  }
0x46: {  	_ =	shalt  }
0x47: {  	_ =	shalt  }
0x48: {  	_ =	shalt  }
0x49: {  	_ =	shalt  }
0x4a: {  	_ =	shalt  }
0x4b: {  	_ =	shalt  }
0x4c: {  	_ =	shalt  }
0x4d: {  	_ =	shalt  }
0x4e: {  	_ =	shalt  }
0x4f: {  	_ =	shalt  }
0x50: {  	_ =	shalt  }
0x51: {  	_ =	shalt  }
0x52: {  	_ =	shalt  }
0x53: {  	_ =	shalt  }
0x54: {  	_ =	shalt  }
0x55: {  	_ =	shalt  }
0x56: {  	_ =	shalt  }
0x57: {  	_ =	shalt  }
0x58: {  	_ =	shalt  }
0x59: {  	_ =	shalt  }
0x5a: {  	_ =	shalt  }
0x5b: {  	_ =	shalt  }
0x5c: {  	_ =	shalt  }
0x5d: {  	_ =	shalt  }
0x5e: {  	_ =	shalt  }
0x5f: {  	_ =	shalt  }
0x60: {  	_ =	shalt  }
0x61: {  	_ =	shalt  }
0x62: {  	_ =	shalt  }
0x63: {  	_ =	shalt  }
0x64: {  	_ =	shalt  }
0x65: {  	_ =	shalt  }
0x66: {  	_ =	shalt  }
0x67: {  	_ =	shalt  }
0x68: {  	_ =	shalt  }
0x69: {  	_ =	shalt  }
0x6a: {  	_ =	shalt  }
0x6b: {  	_ =	shalt  }
0x6c: {  	_ =	shalt  }
0x6d: {  	_ =	shalt  }
0x6e: {  	_ =	shalt  }
0x6f: {  	_ =	shalt  }
0x70: {  	_ =	shalt  }
0x71: {  	_ =	shalt  }
0x72: {  	_ =	shalt  }
0x73: {  	_ =	shalt  }
0x74: {  	_ =	shalt  }
0x75: {  	_ =	shalt  }
0x76: {  	_ =	shalt  }
0x77: {  	_ =	shalt  }
0x78: {  	_ =	shalt  }
0x79: {  	_ =	shalt  }
0x7a: {  	_ =	shalt  }
0x7b: {  	_ =	shalt  }
0x7c: {  	_ =	shalt  }
0x7d: {  	_ =	shalt  }
0x7e: {  	_ =	shalt  }
0x7f: {  	_ =	shalt  }
0x80: {  	_ =	shalt  }
0x81: {  	_ =	shalt  }
0x82: {  	_ =	shalt  }
0x83: {  	_ =	shalt  }
0x84: {  	_ =	shalt  }
0x85: {  	_ =	shalt  }
0x86: {  	_ =	shalt  }
0x87: {  	_ =	shalt  }
.Lfunc_end0:
.L_simem_size_0:
called_computation.2_lowered:
.L_overlay_start_0:
0x88: {  	s2 =	sld [smem:$0x3FD9]  }
0x89: {  	s3 =	sld [smem:$0x3FFE];
	_ =	sdelay $0x1  }
0x8a: {  	s1 =	srdreg.scid  }
0x8b: {  	s0 =	sand.u32 $0x1, s1  }
0x8c: {  	s16 =	sshll.u32 s0, $0xA;
	s2 =	sadd.s32 s3, s2  }
0x8d: {  	s2 =	sadd.s32 s2, s16  }
0x8e: {  	[smem:$0x3FB4] =	sst s2  }
0x8f: {  	_ = 	snop  }
0x90: {  	(tm) =	ssettm $0x1  }
0x91: {  	s17 =	sld [smem:$0x3FFB];
	_ =	sdelay $0x3  }
0x92: {  	_ =	strace s17  }
0x93: {  	s2 =	sld [smem:$0x3FFC];
	_ =	sdelay $0x3  }
0x94: {  	_ =	strace s2  }
0x95: {  	s2 =	sld [smem:$0x3FFD];
	_ =	sdelay $0x3  }
0x96: {  	_ =	strace s2  }
0x97: {  	_ =	strace $0x8FFFFFFF  }
0x98: {  	s18 =	sld [smem:$0x3FDB];
	_ =	sdelay $0x1  }
0x99: {  	s19 =	simm.s32 $_scs_section_size  }
0x9a: {  	s4 =	simm.s32 $_size__tile_overlayer_lowered;
	s5 =	simm.s32 $_tile_overlayer_lowered  }
0x9b: {  	s22 =	simm.s32 $0x1BFF;
	s21 =	sshll.u32 s5, $0x1;
	s2 =	sadd.s32 s19, s18  }
0x9c: {  	s6 =	simm.s32 $0x0;
	s20 =	sshll.u32 s4, $0x1;
	s4 =	sadd.s32 s21, s2  }
0x9d: {  	[timem:s6], [sflag:s22] =	dma.local [hbm:s4], s20  }
0x9e: {  	_ =	swait.ge [sflag:s22], s20  }
0x9f: {  	s3 =	ssub.s32 $0x0, s20;
	[sflag:s22] =	ssyncset.done $0x0  }
0xa0: {  	[sflag:s22] =	ssyncadd.s32 s3;
	_ =	sdelay $0x1  }
0xa1: {  	s23 =	simm.s32 $0x1B8B  }
0xa2: {  	_ =	swait.ge [sflag:s23], $0x1  }
0xa3: {  	[sflag:s23] =	ssyncset.done $0x0  }
0xa4: {  	s25 =	simm.s32 $0x1B8E;
	s24 =	sld [smem:$0x3FFE];
	[sflag:s23] =	ssyncadd.s32 $0xFFFFFFFF  }
0xa5: {  	s26 =	simm.s32 $execute0_lowered;
	[smem:$0x3FD2] =	sst s25  }
0xa6: {  	s4 =	sshll.u32 s26, $0x1;
	_ =	strace $0x8000004C;
	[dreg:$0x1] =	wrdreg $0xFFFFFFFF  }
0xa7: {  	s28 =	simm.s32 $_size_execute0_lowered;
	s2 =	sadd.s32 s2, s4;
	[dreg:$0x0] =	wrdreg $0x0  }
0xa8: {  	s4 =	sshll.u32 s28, $0x1;
	[dreg:$0x2] =	wrdreg s2  }
0xa9: {  	[dreg:$0x3] =	wrdreg s4  }
0xaa: {  	[dreg:$0x4] =	wrdreg $0xC0  }
0xab: {  	_ =	task [dreg:s6], $0x5FFFF  }
0xac: {  	[dreg:$0x1] =	wrdreg $0xFFFFFFFF  }
0xad: {  	[dreg:$0x0] =	wrdreg $0x60  }
0xae: {  	[dreg:$0x2] =	wrdreg s24  }
0xaf: {  	[dreg:$0x3] =	wrdreg $0x28A00  }
0xb0: {  	[dreg:$0x4] =	wrdreg $0x166200  }
0xb1: {  	[dreg:$0x5] =	wrdreg $0x9  }
0xb2: {  	_ =	task.clear_ibuf [dreg:s6], $0x6FFFF;
	_ =	strace $0x9000004C  }
0xb3: {  	s29 =	simm.s32 $0x9;
	_ =	strace $0x8000004E  }
0xb4: {  	_ =	swait.ge [sflag:s29], $0x1  }
0xb5: {  	[sflag:s29] =	ssyncadd.s32 $0xFFFFFFFF  }
0xb6: {  	_ =	strace $0x9000004E  }
0xb7: {  	_ =	sfence  }
0xb8: {  	s30 =	sld [smem:$0x0];
	_ =	sdelay $0x2  }
0xb9: {  	s31 =	sshll.u32 s1, $0xD;
	s1 =	sshrl.u32 s1, $0x2  }
0xba: {  	s3 =	sand.u32 $0x4000, s31;
	s1 =	sadd.s32 s1, s30  }
0xbb: {  	s0 =	sor.u32 s3, s0;
	s1 =	sshll.u32 s1, $0x11  }
0xbc: {  	s0 =	sor.u32 s1, s0  }
0xbd: {  	s0 =	sadd.s32 $0x8F2B, s0  }
0xbe: {  	[sflag:s0] =	ssyncadd.remote.s32 $0x1  }
0xbf: {  	_ =	sfence.sel $0xFFFF  }
0xc0: {  	[dreg:$0x0] =	wrdreg $0xFFFFFFFF;
	(pc) =	sbr.abs _section_cstart, $3  }
0xc1: {  	[dreg:$0x1] =	wrdreg $0xFFFFFFFF  }
0xc2: {  	_ =	task.clear_ibuf [dreg:s6], $0x2FFFF;
	_ =	strace $0x9FFFFFFF  }
0xc3: {  	(tm) =	ssettm $0x7FFFFFFF  }
tec
execute0_lowered:
.L_overlay_start_1:
0x0: {  	(tag) =	ssettag $0x1  }
0x1: {  	s0 =	rddreg [dreg:$0x0]  }
0x2: {  	s2 =	rddreg [dreg:$0x1]  }
0x3: {  	s3 =	rddreg [dreg:$0x2]  }
0x4: {  	s4 =	simm.s32 $0x0;
	s21 =	stileid.u32;
	s5 =	srdreg.scid  }
0x5: {  	s28 =	simm.s32 $0x18D30;
	s29 =	simm.s32 $0x16120;
	s1 =	smul.u32 $0x14000, s21  }
0x6: {  	s30 =	simm.s32 $0x1;
	s31 =	simm.s32 $0x2;
	s10 =	smul.u32 $0x2800, s21  }
0x7: {  	[smem:$0x7FF] =	sst s4;
	s11 =	sand.u32 $0x1, s5;
	s9 =	smul.u32 $0x280, s21  }
0x8: {  	s5 =	sadd.s32 $0xE0200, s0;
	s6 =	sadd.s32 $0xDE00, s0;
	s7 =	sadd.s32 $0x4000, s0  }
0x9: {  	s18 =	sshll.u32 s21, $0x1;
	s22 =	sadd.s32 $0xD9800, s0;
	s23 =	smul.u32 $0x50000, s21  }
0xa: {  	s24 =	sadd.s32 $0x25800, s3;
	s25 =	smul.u32 $0xA000, s21;
	p0 =	seq.s32 s21, $0xF  }
0xb: {  	_ =	strace $0x8000004D;
	s12 =	smul.u32 $0x2710, s11;
	[dreg:$0x6] =	wrdreg s22  }
0xc: {  	s19 =	ssub.s32 $0x2, s11;
	s11 =	sor.u32 s11, s18;
	[dreg:$0x7] =	wrdreg s24  }
0xd: {  	s22 =	simm.s32 $0x3;
	s8 =	sshrl.u32 s1, $0x3;
	s14 =	sshrl.u32 s10, $0x3  }
0xe: {  	s17 =	sshrl.u32 s19, $0x1;
	s1 =	sadd.s32 s1, s2;
	s10 =	sadd.s32 s10, s3  }
0xf: {  	s26 =	sshrl.u32 s23, $0x2;
	s23 =	simm.s32 $0x50;
	s13 =	sadd.s32 s8, s0  }
0x10: {  	s8 =	sadd.s32 $0x17C00, s0;
	s12 =	sadd.s32 s9, s12;
	s14 =	sadd.s32 s14, s0  }
0x11: {  	s9 =	sadd.s32 $0x107400, s0;
	s19 =	ssub.s32 s19, s17;
	s21 =	sshrl.u32 @!p0 s10, $0x3  }
0x12: {  	s15 =	sshll.u32 s12, $0x4;
	s12 =	sshll.u32 s12, $0x1;
	s13 =	sadd.s32 $0xB4000, s13  }
0x13: {  	s20 =	sadd.s32 $0xDB200, s14;
	s18 =	smax.u32 s19, $0x1;
	s14 =	simm.s32 $0x0  }
0x14: {  	s16 =	sadd.s32 s15, s0;
	s12 =	sadd.s32 s12, s0;
	[dreg:$0x4] =	wrdreg s13  }
0x15: {  	[dreg:$0x5] =	wrdreg s20;
	s20 =	sadd.s32 $0x12C000, s2;
	s0 =	sadd.s32 $0xDFD00, s0  }
0x16: {  	s15 =	smul.u32 $0x2710, s11;
	s11 =	sadd.s32 s26, s2;
	s26 =	simm.s32 $0xA0  }
0x17: {  	[dreg:$0x8] =	wrdreg s0;
	s16 =	sadd.s32 $0x116200, s16;
	s0 =	sshrl.u32 s25, $0x2  }
0x18: {  	s17 =	sadd.s32 $0x10C400, s12;
	s19 =	sshrl.u32 @p0 s20, $0x3;
	s0 =	sadd.s32 s0, s3  }
0x19: {  	s20 =	sshrl.u32 @!p0 s1, $0x3;
	s24 =	sshrl.u32 @!p0 s11, $0x3;
	s25 =	sshrl.u32 @!p0 s0, $0x3  }
.LBB2_1:
0x1a: {  	s0 =	simm.s32 @p0 $0x1FC3;
	s1 =	rddreg [dreg:$0x6];
	s10 =	simm.s32 @p0 $0x3  }
0x1b: {  	[spmem:s19], [sflag:s0] =	dma.local @p0 [hbm:s1], $0x1900  }
0x1c: {  	_ =	swait.ge @p0 [sflag:s10], $0x1900  }
0x1d: {  	[sflag:s10] =	ssyncset.done @p0 $0x0;
	s1 =	rddreg [dreg:$0x7]  }
0x1e: {  	s11 =	rddreg [dreg:$0x8];
	[sflag:s10] =	ssyncadd.s32 @p0 $0xFFFFE700;
	s1 =	sshrl.u32 @p0 s1, $0x3  }
0x1f: {  	[spmem:s1], [sflag:s0] =	dma.local @p0 [hbm:s11], $0x320  }
0x20: {  	s0 =	stileid.u32;
	_ =	swait.ge @p0 [sflag:s10], $0x320  }
0x21: {  	s0 =	sshll.u32 @!p0 s0, $0x6;
	[sflag:s10] =	ssyncset.done @p0 $0x0  }
0x22: {  	s0 =	sor.u32 @!p0 $0x1C03, s0;
	[sflag:s10] =	ssyncadd.s32 @p0 $0xFFFFFCE0;
	s10 =	rddreg [dreg:$0x4]  }
0x23: {  	[spmem:s20], [sflag:s0] =	dma.local @!p0 [hbm:s10], $0x2800  }
0x24: {  	s10 =	simm.s32 @!p0 $0x3  }
0x25: {  	_ =	swait.ge @!p0 [sflag:s10], $0x2800  }
0x26: {  	[sflag:s10] =	ssyncset.done @!p0 $0x0  }
0x27: {  	s11 =	rddreg [dreg:$0x5];
	[sflag:s10] =	ssyncadd.s32 @!p0 $0xFFFFD800  }
0x28: {  	[spmem:s21], [sflag:s0] =	dma.local @!p0 [hbm:s11], $0x500  }
0x29: {  	_ =	swait.ge @!p0 [sflag:s10], $0x500  }
0x2a: {  	[sflag:s10] =	ssyncset.done @!p0 $0x0  }
0x2b: {  	[sflag:s10] =	ssyncadd.s32 @!p0 $0xFFFFFB00  }
0x2c: {  	s10 =	simm.s32 $0x0;
	[bflag:$0x0] =	sbarrier.arrive $0xFFFF  }
.LBB2_2:
0x2d: {  	s11 =	smul.u32 $0x50, s10;
	_ =	sdelay $0x1  }
0x2e: {  	s11 =	sadd.s32 s15, s11  }
0x2f: {  	s12 =	sshrl.u32 s11, $0x3  }
0x30: {  	s13 =	sadd.s32 s6, s12  }
0x31: {  	[tilespmem:s14], [sflag:$0x3] =	stream.linear.gather [hbm4b:s13+s14], $0x50, $0x38;
	[tilespmem:$0x19230] =	vst v63  }
0x32: {  	_ =	swait.ge [sflag:s22], $0x50  }
0x33: {  	[sflag:s22] =	ssyncset.done $0x0  }
0x34: {  	s12 =	sadd.s32 s7, s12;
	[sflag:s22] =	ssyncadd.s32 $0xFFFFFFB0  }
0x35: {  	[tilespmem:s23], [sflag:$0x3] =	stream.linear.gather [hbm4b:s12+s14], $0x50, $0x38;
	[tilespmem:$0x19230] =	vst v63  }
0x36: {  	_ =	swait.ge [sflag:s22], $0x50  }
0x37: {  	[sflag:s22] =	ssyncset.done $0x0  }
0x38: {  	[sflag:s22] =	ssyncadd.s32 $0xFFFFFFB0  }
0x39: {  	[tilespmem:s26], [sflag:$0x1] =	stream.indirect.gather [hbm4b:s5+s23], $0x80, s14, s23, $0xb8;
	[tilespmem:$0x19230] =	vst v63  }
0x3a: {  	s11 =	sshll.u32 s11, $0x1  }
0x3b: {  	[tilespmem:s28], [sflag:$0x2] =	stream.indirect.gather [hbm4b:s9+s23], $0x10, s14, s23, $0xb8;
	[tilespmem:$0x19230] =	vst v63  }
0x3c: {  	s11 =	sadd.s32 s8, s11  }
0x3d: {  	[tilespmem:s29], [sflag:$0x3] =	stream.linear.gather [hbm4b:s11+s14], $0x500, $0x38;
	[tilespmem:$0x19230] =	vst v63  }
0x3e: {  	_ =	swait.ge [sflag:s22], $0x500  }
0x3f: {  	[sflag:s22] =	ssyncset.done $0x0  }
0x40: {  	[sflag:s22] =	ssyncadd.s32 $0xFFFFFB00  }
0x41: {  	_ =	swait.ge [sflag:s30], $0x2800  }
0x42: {  	[sflag:s30] =	ssyncset.done $0x0  }
0x43: {  	[sflag:s30] =	ssyncadd.s32 $0xFFFFD800  }
0x44: {  	_ =	swait.ge [sflag:s31], $0x500  }
0x45: {  	[sflag:s31] =	ssyncset.done $0x0  }
0x46: {  	s11 =	simm.s32 $0x0;
	[sflag:s31] =	ssyncadd.s32 $0xFFFFFB00  }
0x47: {  	v7 =	vld [tilespmem:s11+$0x18D30]  }
0x48: {  	v11 =	vld [tilespmem:s11+$0x18D40]  }
0x49: {  	v5 =	vld [tilespmem:s11+$0x18D50]  }
0x4a: {  	v4 =	vld [tilespmem:s11+$0x18D60]  }
0x4b: {  	v3 =	vld [tilespmem:s11+$0x18D70]  }
0x4c: {  	v2 =	vld [tilespmem:s11+$0x18D80]  }
0x4d: {  	v1 =	vld [tilespmem:s11+$0x18D90]  }
0x4e: {  	v0 =	vld [tilespmem:s11+$0x18DA0]  }
0x4f: {  	v12 =	vld [tilespmem:s11+$0x16120]  }
0x50: {  	v13 =	vld [tilespmem:s11+$0x16130]  }
0x51: {  	v10 =	vld [tilespmem:s11+$0x16140]  }
0x52: {  	v9 =	vld [tilespmem:s11+$0x16150]  }
0x53: {  	v8 =	vld [tilespmem:s11+$0x16160]  }
0x54: {  	v6 =	vld [tilespmem:s11+$0x16170];
	v12 =	vmul.f32 v7, v12  }
0x55: {  	s12 =	simm.s32 $0x200;
	v11 =	vmul.f32 v11, v13;
	v7 =	vld [tilespmem:s11+$0x16180]  }
.LBB2_3:
0x56: {  	s13 =	sshra.s32 s12, $0x2;
	p1 =	sne.s32 s12, $0x1200;
	[tilespmem:s11+$0x16120] =	vst v12;
	v5 =	vmul.f32 v5, v10;
	v10 =	vld [tilespmem:s11+$0x16190]  }
0x57: {  	v12 =	vld [tilespmem:s13+$0x18D30];
	[tilespmem:s11+$0x16130] =	vst v11;
	v4 =	vmul.f32 v4, v9  }
0x58: {  	v11 =	vld [tilespmem:s13+$0x18D40];
	[tilespmem:s11+$0x16140] =	vst v5;
	v3 =	vmul.f32 v3, v8  }
0x59: {  	v5 =	vld [tilespmem:s13+$0x18D50];
	[tilespmem:s11+$0x16150] =	vst v4;
	v2 =	vmul.f32 v2, v6  }
0x5a: {  	v4 =	vld [tilespmem:s13+$0x18D60];
	[tilespmem:s11+$0x16160] =	vst v3;
	v1 =	vmul.f32 v1, v7  }
0x5b: {  	v3 =	vld [tilespmem:s13+$0x18D70];
	[tilespmem:s11+$0x16170] =	vst v2;
	v0 =	vmul.f32 v0, v10  }
0x5c: {  	v2 =	vld [tilespmem:s13+$0x18D80];
	[tilespmem:s11+$0x16180] =	vst v1  }
0x5d: {  	v1 =	vld [tilespmem:s13+$0x18D90];
	[tilespmem:s11+$0x16190] =	vst v0;
	s11 =	smov.u32 s13  }
0x5e: {  	v0 =	vld [tilespmem:s11+$0x18DA0]  }
0x5f: {  	v6 =	vld [tilespmem:s11+$0x16120]  }
0x60: {  	v7 =	vld [tilespmem:s11+$0x16130]  }
.Ltmp0:
0x61: {  	v10 =	vld [tilespmem:s11+$0x16140];
	(pc) =	sbr.rel @p1 .LBB2_3-.Ltmp0, $4  }
0x62: {  	v9 =	vld [tilespmem:s11+$0x16150]  }
0x63: {  	v8 =	vld [tilespmem:s11+$0x16160]  }
0x64: {  	v12 =	vmul.f32 v12, v6;
	v6 =	vld [tilespmem:s11+$0x16170]  }
0x65: {  	s12 =	sadd.s32 $0x200, s12;
	v11 =	vmul.f32 v11, v7;
	v7 =	vld [tilespmem:s11+$0x16180]  }
0x66: {  	[tilespmem:s11+$0x16120] =	vst v12;
	v5 =	vmul.f32 v5, v10;
	v63 =	vld [tilespmem:s11+$0x16190]  }
0x67: {  	[tilespmem:s11+$0x16130] =	vst v11;
	v4 =	vmul.f32 v4, v9  }
0x68: {  	[tilespmem:s11+$0x16140] =	vst v5;
	v3 =	vmul.f32 v3, v8  }
0x69: {  	[tilespmem:s11+$0x16150] =	vst v4;
	v2 =	vmul.f32 v2, v6  }
0x6a: {  	[tilespmem:s11+$0x16160] =	vst v3;
	v1 =	vmul.f32 v1, v7  }
0x6b: {  	[tilespmem:s11+$0x16170] =	vst v2;
	v0 =	vmul.f32 v0, v63  }
0x6c: {  	[tilespmem:s11+$0x16180] =	vst v1  }
0x6d: {  	[tilespmem:s11+$0x16190] =	vst v0  }
0x6e: {  	[spmem:s2] =	stream.indirect.scatter.add.f32 [tilespmem:s26], [sflag:$0x3], $0x80, s23, s23, $0xb8;
	[tilespmem:$0x19230] =	vst v63  }
0x6f: {  	s10 =	sadd.s32 $0x1, s10;
	_ =	swait.ge [sflag:s22], $0x2800  }
0x70: {  	p1 =	sne.s32 s10, $0x7D;
	[sflag:s22] =	ssyncset.done $0x0  }
.Ltmp1:
0x71: {  	[sflag:s22] =	ssyncadd.s32 $0xFFFFD800;
	(pc) =	sbr.rel @p1 .LBB2_2-.Ltmp1, $4  }
0x72: {  	[spmem:s3] =	stream.indirect.scatter.add.f32 [tilespmem:s29], [sflag:$0x3], $0x10, s23, s23, $0xb8;
	[tilespmem:$0x19230] =	vst v63  }
0x73: {  	_ =	swait.ge [sflag:s22], $0x500  }
0x74: {  	[sflag:s22] =	ssyncset.done $0x0  }
0x75: {  	[sflag:s22] =	ssyncadd.s32 $0xFFFFFB00  }
0x76: {  	[bflag:$0x0] =	sbarrier.arrive $0xFFFF;
	s10 =	simm.s32 @p0 $0x1FC3;
	s11 =	simm.s32 @p0 $0x3  }
0x77: {  	[hbm:s16], [sflag:s10] =	dma.local @p0 [spmem:s19], $0x1900  }
0x78: {  	_ =	swait.ge @p0 [sflag:s11], $0x1900  }
0x79: {  	[sflag:s11] =	ssyncset.done @p0 $0x0  }
0x7a: {  	[sflag:s11] =	ssyncadd.s32 @p0 $0xFFFFE700  }
0x7b: {  	[hbm:s17], [sflag:s10] =	dma.local @p0 [spmem:s1], $0x320  }
0x7c: {  	_ =	swait.ge @p0 [sflag:s11], $0x320  }
0x7d: {  	[sflag:s11] =	ssyncset.done @p0 $0x0  }
0x7e: {  	s1 =	simm.s32 @!p0 $0x3;
	[sflag:s11] =	ssyncadd.s32 @p0 $0xFFFFFCE0  }
0x7f: {  	[hbm:s16], [sflag:s0] =	dma.local @!p0 [spmem:s24], $0x2800  }
0x80: {  	s4 =	sadd.s32 $0x1, s4;
	_ =	swait.ge @!p0 [sflag:s1], $0x2800  }
0x81: {  	p1 =	sne.s32 s4, s18;
	[sflag:s1] =	ssyncset.done @!p0 $0x0  }
.Ltmp2:
0x82: {  	[sflag:s1] =	ssyncadd.s32 @!p0 $0xFFFFD800;
	(pc) =	sbr.rel @p1 .LBB2_1-.Ltmp2, $4  }
0x83: {  	[hbm:s17], [sflag:s0] =	dma.local @!p0 [spmem:s25], $0x500  }
0x84: {  	_ =	swait.ge @!p0 [sflag:s1], $0x500  }
0x85: {  	[sflag:s1] =	ssyncset.done @!p0 $0x0  }
0x86: {  	[sflag:s1] =	ssyncadd.s32 @!p0 $0xFFFFFB00  }
0x87: {  	_ =	sfence.sel $0x180000  }
0x88: {  	[bflag:$0x0] =	sbarrier.arrive $0xFFFF  }
0x89: {  	_ =	strace $0x9000004D  }
0x8a: {  	s0 =	stileid.u32;
	[bflag:$0x2] =	sbarrier.arrive $0xFFFF  }
0x8b: {  	p0 =	sne.s32 s0, $0x0;
	s0 =	rddreg [dreg:$0x3]  }
0x8c: {  	s0 =	sadd.s32 @!p0 $0x100000, s0  }
0x8d: {  	[sflag:s0] =	ssyncadd.tile.s32 @!p0 $0x1;
	_ =	shalt  }
.Lfunc_end2:
_tile_overlayer_lowered:
.L_overlay_start_2:
0x8e: {  	(tag) =	ssettag $0x2  }
0x8f: {  	s0 =	rddreg [dreg:$0x0];
	s2 =	stileid.u32  }
0x90: {  	s1 =	rddreg [dreg:$0x1];
	p0 =	sne.s32 s2, $0x0  }
0x91: {  	s3 =	rddreg [dreg:$0x2];
	[bflag:$0x3] =	sbarrier.arrive $0xFFFF;
	s2 =	simm.s32 @!p0 $0x1C03  }
0x92: {  	[timem:s3], [sflag:s2] =	dma.local @!p0 [hbm:s0], s1  }
0x93: {  	s0 =	simm.s32 @!p0 $0x3  }
0x94: {  	_ =	swait.ge @!p0 [sflag:s0], s1  }
0x95: {  	s1 =	ssub.s32 @!p0 $0x0, s1;
	[sflag:s0] =	ssyncset.done @!p0 $0x0  }
0x96: {  	[sflag:s0] =	ssyncadd.s32 @!p0 s1  }
0x97: {  	[bflag:$0x3] =	sbarrier.arrive $0xFFFF  }
0x98: {  	_ =	shalt  }

// kernel: kernel.20.cloned.1.call-start
scs
__scs_entry_jumppad:
0x0: {  	(pc) =	sbr.rel $0x88, $3  }
0x1: {  	(tag) =	ssettag $0x0;
	lr =	simm.s32 $0x1  }
0x2: {  	[smem:$0x3F8D] =	sst lr;
	_ =	strace $0xD0000000  }
0x3: {  	_ = 	snop  }
0x4: {  	_ = 	snop  }
0x5: {  	_ = 	snop  }
0x6: {  	_ = 	snop  }
0x7: {  	_ = 	snop  }
__scs_overlays_trampoline_lowered:
0x8: {  	[smem:$0x3F9C] =	sst s0  }
0x9: {  	[smem:$0x3F9D] =	sst s1  }
0xa: {  	[smem:$0x3F9E] =	sst s2  }
0xb: {  	[smem:$0x3F9F] =	sst s3  }
0xc: {  	[smem:$0x3FA0] =	sst s4  }
0xd: {  	[smem:$0x3FA1] =	sst s5  }
0xe: {  	[smem:$0x3FA2] =	sst s6  }
0xf: {  	[smem:$0x3FA3] =	sst s7  }
0x10: {  	[smem:$0x3FA4] =	sst s8  }
0x11: {  	[smem:$0x3FA5] =	sst s9;
	s0 =	simm.s32 @!p0 $0x0  }
0x12: {  	s1 =	sld [smem:$0x3F8B];
	s0 =	simm.s32 @p0 $0x1  }
0x13: {  	[smem:$0x3FA6] =	sst s0;
	s0 =	simm.s32 @!p1 $0x0  }
0x14: {  	s2 =	sld [smem:$0x3F8A];
	s0 =	simm.s32 @p1 $0x1  }
0x15: {  	[smem:$0x3FA7] =	sst s0;
	s0 =	simm.s32 @!p2 $0x0  }
0x16: {  	s3 =	sld [smem:$0x3FDB];
	s0 =	simm.s32 @p2 $0x1  }
0x17: {  	s4 =	simm.s32 $0x1BF5;
	[smem:$0x3FA9] =	sst s0  }
0x18: {  	s0 =	sld [smem:$0x3F8C];
	_ =	swait.ge [sflag:s4], $0x0  }
0x19: {  	s7 =	sld [smem:$0x3F8D]  }
0x1a: {  	s8 =	sadd.s32 $0xFFFFE003, lr  }
0x1b: {  	s9 =	sadd.s32 $0xFFFFFEF7, lr;
	s5 =	simm.s32 $0xFFFFFFFF;
	p2 =	slt.u32 s8, $0xFFFFF086  }
0x1c: {  	p1 =	slt.u32 s9, $0xF7A;
	s5 =	simm.s32 @!p2 $0x0  }
0x1d: {  	s5 =	simm.s32 @p1 $0x1;
	p0 =	seq.s32 s7, s2  }
0x1e: {  	s7 =	smul.u32 @!p0 $0xF7A, s2;
	p2 =	seq.s32 @!p0 s5, $0x0  }
0x1f: {  	s9 =	smul.u32 $0xF7A, s1;
	s8 =	simm.s32 @!p0 $0x1BF5;
	p2 =	por !p2, p0  }
0x20: {  	[sflag:s8] =	ssyncset.s32 @!p0 $0xFFFFF086;
	s6 =	sadd.s32 @!p0 s3, s7;
	s7 =	simm.s32 @!p0 $0x108  }
0x21: {  	s3 =	sadd.s32 s3, s9;
	s6 =	sadd.s32 @!p0 $0x88, s6;
	s7 =	simm.s32 @p2 $0x1082  }
0x22: {  	[simem:s7], [sflag:s8] =	dma.local @!p0 [hbm:s6], $0xF7A  }
0x23: {  	s9 =	sor.u32 $0xD0000000, s2;
	s6 =	simm.s32 $0x108;
	_ =	swait.ge @!p0 [sflag:s8], $0x0  }
0x24: {  	s3 =	sadd.s32 $0x88, s3;
	s6 =	simm.s32 @!p1 $0x1082;
	[sflag:s4] =	ssyncset.s32 $0xFFFFF086  }
0x25: {  	[simem:s6], [sflag:s4] =	dma.local [hbm:s3], $0xF7A  }
0x26: {  	[smem:$0x3F8D] =	sst s1;
	(tag) =	ssettag s2;
	_ =	strace s9  }
0x27: {  	s1 =	sld [smem:$0x3F9D]  }
0x28: {  	s2 =	sld [smem:$0x3F9E]  }
0x29: {  	s4 =	sld [smem:$0x3FA0]  }
0x2a: {  	p0 =	seq.s32 s5, $0x0;
	s5 =	sld [smem:$0x3FA1]  }
0x2b: {  	s6 =	sld [smem:$0x3FA2]  }
0x2c: {  	s7 =	sld [smem:$0x3FA3]  }
0x2d: {  	s3 =	simm.s32 $0x108;
	s8 =	sld [smem:$0x3FA4]  }
0x2e: {  	s3 =	simm.s32 @!p0 $0x1082;
	s9 =	sld [smem:$0x3FA5]  }
0x2f: {  	lr =	sadd.s32 s0, s3;
	s0 =	sld [smem:$0x3F9C]  }
0x30: {  	s3 =	sld [smem:$0x3F9F]  }
0x31: {  	[smem:$0x3FA8] =	sst s10  }
0x32: {  	s10 =	sld [smem:$0x3FA6];
	_ =	sdelay $0x3  }
0x33: {  	p0 =	seq.s32 s10, $0x1;
	s10 =	sld [smem:$0x3FA8];
	_ =	sdelay $0x3  }
0x34: {  	[smem:$0x3FA8] =	sst s10  }
0x35: {  	s10 =	sld [smem:$0x3FA7];
	_ =	sdelay $0x3  }
0x36: {  	p1 =	seq.s32 s10, $0x1;
	s10 =	sld [smem:$0x3FA8];
	_ =	sdelay $0x3  }
0x37: {  	[smem:$0x3FA8] =	sst s10  }
0x38: {  	s10 =	sld [smem:$0x3FA9]  }
0x39: {  	_ = 	snop;
	(pc) =	sbr.ind lr, $3  }
0x3a: {  	_ = 	snop  }
0x3b: {  	_ = 	snop  }
0x3c: {  	p2 =	seq.s32 s10, $0x1;
	s10 =	sld [smem:$0x3FA8]  }
0x3d: {  	_ =	shalt  }
0x3e: {  	_ =	shalt  }
0x3f: {  	_ =	shalt  }
0x40: {  	_ =	shalt  }
0x41: {  	_ =	shalt  }
0x42: {  	_ =	shalt  }
0x43: {  	_ =	shalt  }
0x44: {  	_ =	shalt  }
0x45: {  	_ =	shalt  }
0x46: {  	_ =	shalt  }
0x47: {  	_ =	shalt  }
0x48: {  	_ =	shalt  }
0x49: {  	_ =	shalt  }
0x4a: {  	_ =	shalt  }
0x4b: {  	_ =	shalt  }
0x4c: {  	_ =	shalt  }
0x4d: {  	_ =	shalt  }
0x4e: {  	_ =	shalt  }
0x4f: {  	_ =	shalt  }
0x50: {  	_ =	shalt  }
0x51: {  	_ =	shalt  }
0x52: {  	_ =	shalt  }
0x53: {  	_ =	shalt  }
0x54: {  	_ =	shalt  }
0x55: {  	_ =	shalt  }
0x56: {  	_ =	shalt  }
0x57: {  	_ =	shalt  }
0x58: {  	_ =	shalt  }
0x59: {  	_ =	shalt  }
0x5a: {  	_ =	shalt  }
0x5b: {  	_ =	shalt  }
0x5c: {  	_ =	shalt  }
0x5d: {  	_ =	shalt  }
0x5e: {  	_ =	shalt  }
0x5f: {  	_ =	shalt  }
0x60: {  	_ =	shalt  }
0x61: {  	_ =	shalt  }
0x62: {  	_ =	shalt  }
0x63: {  	_ =	shalt  }
0x64: {  	_ =	shalt  }
0x65: {  	_ =	shalt  }
0x66: {  	_ =	shalt  }
0x67: {  	_ =	shalt  }
0x68: {  	_ =	shalt  }
0x69: {  	_ =	shalt  }
0x6a: {  	_ =	shalt  }
0x6b: {  	_ =	shalt  }
0x6c: {  	_ =	shalt  }
0x6d: {  	_ =	shalt  }
0x6e: {  	_ =	shalt  }
0x6f: {  	_ =	shalt  }
0x70: {  	_ =	shalt  }
0x71: {  	_ =	shalt  }
0x72: {  	_ =	shalt  }
0x73: {  	_ =	shalt  }
0x74: {  	_ =	shalt  }
0x75: {  	_ =	shalt  }
0x76: {  	_ =	shalt  }
0x77: {  	_ =	shalt  }
0x78: {  	_ =	shalt  }
0x79: {  	_ =	shalt  }
0x7a: {  	_ =	shalt  }
0x7b: {  	_ =	shalt  }
0x7c: {  	_ =	shalt  }
0x7d: {  	_ =	shalt  }
0x7e: {  	_ =	shalt  }
0x7f: {  	_ =	shalt  }
0x80: {  	_ =	shalt  }
0x81: {  	_ =	shalt  }
0x82: {  	_ =	shalt  }
0x83: {  	_ =	shalt  }
0x84: {  	_ =	shalt  }
0x85: {  	_ =	shalt  }
0x86: {  	_ =	shalt  }
0x87: {  	_ =	shalt  }
.Lfunc_end0:
.L_simem_size_0:
called_computation.3_lowered:
.L_overlay_start_0:
0x88: {  	s2 =	sld [smem:$0x3FD9]  }
0x89: {  	s3 =	sld [smem:$0x3FFE];
	_ =	sdelay $0x1  }
0x8a: {  	s1 =	srdreg.scid  }
0x8b: {  	s0 =	sand.u32 $0x1, s1  }
0x8c: {  	s16 =	sshll.u32 s0, $0xA;
	s2 =	sadd.s32 s3, s2  }
0x8d: {  	s2 =	sadd.s32 s2, s16  }
0x8e: {  	[smem:$0x3FB4] =	sst s2  }
0x8f: {  	_ = 	snop  }
0x90: {  	(tm) =	ssettm $0x1  }
0x91: {  	s17 =	sld [smem:$0x3FFB];
	_ =	sdelay $0x3  }
0x92: {  	_ =	strace s17  }
0x93: {  	s2 =	sld [smem:$0x3FFC];
	_ =	sdelay $0x3  }
0x94: {  	_ =	strace s2  }
0x95: {  	s2 =	sld [smem:$0x3FFD];
	_ =	sdelay $0x3  }
0x96: {  	_ =	strace s2  }
0x97: {  	_ =	strace $0x8FFFFFFF  }
0x98: {  	s18 =	sld [smem:$0x3FDB];
	_ =	sdelay $0x1  }
0x99: {  	s19 =	simm.s32 $_scs_section_size  }
0x9a: {  	s4 =	simm.s32 $_size__tile_overlayer_lowered;
	s5 =	simm.s32 $_tile_overlayer_lowered  }
0x9b: {  	s22 =	simm.s32 $0x1BFF;
	s21 =	sshll.u32 s5, $0x1;
	s2 =	sadd.s32 s19, s18  }
0x9c: {  	s6 =	simm.s32 $0x0;
	s20 =	sshll.u32 s4, $0x1;
	s4 =	sadd.s32 s21, s2  }
0x9d: {  	[timem:s6], [sflag:s22] =	dma.local [hbm:s4], s20  }
0x9e: {  	_ =	swait.ge [sflag:s22], s20  }
0x9f: {  	s3 =	ssub.s32 $0x0, s20;
	[sflag:s22] =	ssyncset.done $0x0  }
0xa0: {  	[sflag:s22] =	ssyncadd.s32 s3;
	_ =	sdelay $0x1  }
0xa1: {  	s23 =	simm.s32 $0x1B8B  }
0xa2: {  	_ =	swait.ge [sflag:s23], $0x1  }
0xa3: {  	[sflag:s23] =	ssyncset.done $0x0  }
0xa4: {  	s25 =	simm.s32 $0x1B8E;
	s24 =	sld [smem:$0x3FFE];
	[sflag:s23] =	ssyncadd.s32 $0xFFFFFFFF  }
0xa5: {  	s26 =	simm.s32 $execute0_lowered;
	[smem:$0x3FD2] =	sst s25  }
0xa6: {  	s4 =	sshll.u32 s26, $0x1;
	_ =	strace $0x8000004F;
	[dreg:$0x1] =	wrdreg $0xFFFFFFFF  }
0xa7: {  	s28 =	simm.s32 $_size_execute0_lowered;
	s2 =	sadd.s32 s2, s4;
	[dreg:$0x0] =	wrdreg $0x0  }
0xa8: {  	s4 =	sshll.u32 s28, $0x1;
	[dreg:$0x2] =	wrdreg s2  }
0xa9: {  	[dreg:$0x3] =	wrdreg s4  }
0xaa: {  	[dreg:$0x4] =	wrdreg $0xC0  }
0xab: {  	_ =	task [dreg:s6], $0x5FFFF  }
0xac: {  	[dreg:$0x1] =	wrdreg $0xFFFFFFFF  }
0xad: {  	[dreg:$0x0] =	wrdreg $0x60  }
0xae: {  	[dreg:$0x2] =	wrdreg s24  }
0xaf: {  	[dreg:$0x3] =	wrdreg $0x28A00  }
0xb0: {  	[dreg:$0x4] =	wrdreg $0x9  }
0xb1: {  	_ =	task.clear_ibuf [dreg:s6], $0x5FFFF;
	_ =	strace $0x9000004F  }
0xb2: {  	s29 =	simm.s32 $0x9;
	_ =	strace $0x80000051  }
0xb3: {  	_ =	swait.ge [sflag:s29], $0x1  }
0xb4: {  	[sflag:s29] =	ssyncadd.s32 $0xFFFFFFFF  }
0xb5: {  	_ =	strace $0x90000051  }
0xb6: {  	_ =	sfence  }
0xb7: {  	s30 =	sld [smem:$0x0];
	_ =	sdelay $0x2  }
0xb8: {  	s31 =	sshll.u32 s1, $0xD;
	s1 =	sshrl.u32 s1, $0x2  }
0xb9: {  	s3 =	sand.u32 $0x4000, s31;
	s1 =	sadd.s32 s1, s30  }
0xba: {  	s0 =	sor.u32 s3, s0;
	s1 =	sshll.u32 s1, $0x11  }
0xbb: {  	s0 =	sor.u32 s1, s0  }
0xbc: {  	s0 =	sadd.s32 $0x8F2B, s0  }
0xbd: {  	[sflag:s0] =	ssyncadd.remote.s32 $0x1  }
0xbe: {  	_ =	sfence.sel $0xFFFF  }
0xbf: {  	[dreg:$0x0] =	wrdreg $0xFFFFFFFF;
	(pc) =	sbr.abs _section_cstart, $3  }
0xc0: {  	[dreg:$0x1] =	wrdreg $0xFFFFFFFF  }
0xc1: {  	_ =	task.clear_ibuf [dreg:s6], $0x2FFFF;
	_ =	strace $0x9FFFFFFF  }
0xc2: {  	(tm) =	ssettm $0x7FFFFFFF  }
0xc3: {  	_ =	shalt  }
tec
execute0_lowered:
.L_overlay_start_1:
0x0: {  	(tag) =	ssettag $0x1  }
0x1: {  	s6 =	rddreg [dreg:$0x0]  }
0x2: {  	s0 =	srdreg.scid;
	s2 =	rddreg [dreg:$0x1]  }
0x3: {  	s1 =	rddreg [dreg:$0x2];
	s5 =	sand.u32 $0x1, s0  }
0x4: {  	s3 =	simm.s32 $0x0;
	s0 =	stileid.u32;
	s7 =	smul.u32 $0x2710, s5  }
0x5: {  	s15 =	simm.s32 $0x50;
	s16 =	simm.s32 $0xA0;
	s4 =	smul.u32 $0x4E20, s0  }
0x6: {  	s17 =	simm.s32 $0x1;
	s19 =	simm.s32 $0x0;
	s8 =	smul.u32 $0x14000, s0  }
0x7: {  	[smem:$0x7FF] =	sst s3;
	s14 =	sadd.s32 $0x12C000, s2;
	s10 =	smul.u32 $0x280, s0  }
0x8: {  	_ =	strace $0x80000050;
	s5 =	ssub.s32 $0x2, s5;
	s12 =	smul.u32 $0x50000, s0  }
0x9: {  	p0 =	seq.s32 s0, $0xF;
	s30 =	sshrl.u32 s5, $0x1;
	s4 =	sadd.s32 s7, s4  }
0xa: {  	s29 =	sshrl.u32 s8, $0x3;
	s7 =	sadd.s32 s10, s7;
	s10 =	ssub.s32 s5, s30  }
0xb: {  	s13 =	sadd.s32 s8, s2;
	s31 =	sshrl.u32 s12, $0x2;
	s12 =	sshll.u32 @!p0 s0, $0x6  }
0xc: {  	s9 =	sshrl.u32 s4, $0x3;
	s4 =	sadd.s32 $0x65E00, s6;
	s7 =	sshll.u32 s7, $0x4  }
0xd: {  	s18 =	sadd.s32 s31, s2;
	s8 =	smax.u32 s10, $0x1;
	s12 =	sor.u32 @!p0 $0x1C02, s12  }
0xe: {  	s13 =	sshrl.u32 @!p0 s13, $0x3;
	s11 =	sadd.s32 s9, s6;
	s9 =	sadd.s32 s29, s6  }
0xf: {  	s7 =	sadd.s32 s7, s6;
	s6 =	sadd.s32 $0xD9800, s6;
	s18 =	sshrl.u32 @!p0 s18, $0x3  }
0x10: {  	s5 =	sadd.s32 $0xB4000, s9;
	s7 =	sadd.s32 $0xDB200, s7;
	s9 =	sadd.s32 $0x4000, s11  }
0x11: {  	s10 =	sadd.s32 $0xDE00, s11;
	s11 =	sshrl.u32 @p0 s14, $0x3;
	s14 =	simm.s32 $0x2  }
.LBB2_1:
0x12: {  	s20 =	simm.s32 @p0 $0x1FC2  }
0x13: {  	[spmem:s11], [sflag:s20] =	dma.local @p0 [hbm:s6], $0x1900  }
0x14: {  	s20 =	simm.s32 @p0 $0x2  }
0x15: {  	_ =	swait.ge @p0 [sflag:s20], $0x1900  }
0x16: {  	[sflag:s20] =	ssyncset.done @p0 $0x0  }
0x17: {  	[sflag:s20] =	ssyncadd.s32 @p0 $0xFFFFE700;
	s20 =	simm.s32 @!p0 $0x2  }
0x18: {  	[spmem:s13], [sflag:s12] =	dma.local @!p0 [hbm:s5], $0x2800  }
0x19: {  	_ =	swait.ge @!p0 [sflag:s20], $0x2800  }
0x1a: {  	[sflag:s20] =	ssyncset.done @!p0 $0x0  }
0x1b: {  	[sflag:s20] =	ssyncadd.s32 @!p0 $0xFFFFD800  }
0x1c: {  	s30 =	sadd.s32 $0x0, s10;
	[bflag:$0x0] =	sbarrier.arrive $0xFFFF  }
0x1d: {  	[tilespmem:s3], [sflag:$0x2] =	stream.linear.gather [hbm4b:s30+s3], $0x50, $0x38;
	[tilespmem:$0x16120] =	vst v63  }
0x1e: {  	_ =	swait.ge [sflag:s14], $0x50  }
0x1f: {  	[sflag:s14] =	ssyncset.done $0x0  }
0x20: {  	s31 =	sadd.s32 $0x0, s9;
	[sflag:s14] =	ssyncadd.s32 $0xFFFFFFB0  }
0x21: {  	[tilespmem:s15], [sflag:$0x2] =	stream.linear.gather [hbm4b:s31+s3], $0x50, $0x38;
	[tilespmem:$0x16120] =	vst v63  }
0x22: {  	_ =	swait.ge [sflag:s14], $0x50  }
0x23: {  	[sflag:s14] =	ssyncset.done $0x0  }
0x24: {  	[sflag:s14] =	ssyncadd.s32 $0xFFFFFFB0  }
0x25: {  	[tilespmem:s16], [sflag:$0x1] =	stream.indirect.gather [hbm4b:s4+s15], $0x80, s3, s15, $0xb8;
	[tilespmem:$0x16120] =	vst v63  }
0x26: {  	_ =	swait.ge [sflag:s17], $0x2800  }
0x27: {  	[sflag:s17] =	ssyncset.done $0x0  }
0x28: {  	[sflag:s17] =	ssyncadd.s32 $0xFFFFD800  }
0x29: {  	[spmem:s2] =	stream.indirect.scatter.add.f32 [tilespmem:s16], [sflag:$0x2], $0x80, s15, s15, $0xb8;
	[tilespmem:$0x16120] =	vst v63  }
0x2a: {  	_ =	swait.ge [sflag:s14], $0x2800  }
0x2b: {  	s21 =	simm.s32 $0x14;
	s20 =	simm.s32 $0xA;
	[sflag:s14] =	ssyncset.done $0x0  }
.LBB2_2:
0x2c: {  	s22 =	sadd.s32 s20, s10  }
0x2d: {  	[sflag:s14] =	ssyncadd.s32 $0xFFFFD800;
	s23 =	smov.u32 s21;
	s24 =	sadd.s32 $0xA, s21  }
0x2e: {  	[tilespmem:s3], [sflag:$0x2] =	stream.linear.gather [hbm4b:s22+s3], $0x50, $0x38;
	[tilespmem:$0x16120] =	vst v63  }
0x2f: {  	p1 =	sne.s32 s21, $0x4D8;
	_ =	swait.ge [sflag:s14], $0x50  }
0x30: {  	[sflag:s14] =	ssyncset.done $0x0  }
0x31: {  	s21 =	sadd.s32 s20, s9;
	s20 =	smov.u32 s23;
	[sflag:s14] =	ssyncadd.s32 $0xFFFFFFB0  }
0x32: {  	[tilespmem:s15], [sflag:$0x2] =	stream.linear.gather [hbm4b:s21+s3], $0x50, $0x38;
	[tilespmem:$0x16120] =	vst v63  }
0x33: {  	_ =	swait.ge [sflag:s14], $0x50  }
0x34: {  	[sflag:s14] =	ssyncset.done $0x0  }
0x35: {  	[sflag:s14] =	ssyncadd.s32 $0xFFFFFFB0  }
0x36: {  	[tilespmem:s16], [sflag:$0x1] =	stream.indirect.gather [hbm4b:s4+s15], $0x80, s3, s15, $0xb8;
	[tilespmem:$0x16120] =	vst v63  }
0x37: {  	_ =	swait.ge [sflag:s17], $0x2800  }
.Ltmp0:
0x38: {  	[sflag:s17] =	ssyncset.done $0x0;
	(pc) =	sbr.rel @p1 .LBB2_2-.Ltmp0, $4  }
0x39: {  	[sflag:s17] =	ssyncadd.s32 $0xFFFFD800  }
0x3a: {  	[spmem:s2] =	stream.indirect.scatter.add.f32 [tilespmem:s16], [sflag:$0x2], $0x80, s15, s15, $0xb8;
	[tilespmem:$0x16120] =	vst v63  }
0x3b: {  	_ =	swait.ge [sflag:s14], $0x2800  }
0x3c: {  	s21 =	smov.u32 s24;
	[sflag:s14] =	ssyncset.done $0x0  }
0x3d: {  	s21 =	sadd.s32 s20, s10;
	[sflag:s14] =	ssyncadd.s32 $0xFFFFD800  }
0x3e: {  	[tilespmem:s3], [sflag:$0x2] =	stream.linear.gather [hbm4b:s21+s3], $0x50, $0x38;
	[tilespmem:$0x16120] =	vst v63  }
0x3f: {  	_ =	swait.ge [sflag:s14], $0x50  }
0x40: {  	[sflag:s14] =	ssyncset.done $0x0  }
0x41: {  	s31 =	sadd.s32 s20, s9;
	[sflag:s14] =	ssyncadd.s32 $0xFFFFFFB0  }
0x42: {  	[tilespmem:s15], [sflag:$0x2] =	stream.linear.gather [hbm4b:s31+s3], $0x50, $0x38;
	[tilespmem:$0x16120] =	vst v63  }
0x43: {  	_ =	swait.ge [sflag:s14], $0x50  }
0x44: {  	[sflag:s14] =	ssyncset.done $0x0  }
0x45: {  	[sflag:s14] =	ssyncadd.s32 $0xFFFFFFB0  }
0x46: {  	[tilespmem:s16], [sflag:$0x1] =	stream.indirect.gather [hbm4b:s4+s15], $0x80, s3, s15, $0xb8;
	[tilespmem:$0x16120] =	vst v63  }
0x47: {  	_ =	swait.ge [sflag:s17], $0x2800  }
0x48: {  	[sflag:s17] =	ssyncset.done $0x0  }
0x49: {  	[sflag:s17] =	ssyncadd.s32 $0xFFFFD800  }
0x4a: {  	[spmem:s2] =	stream.indirect.scatter.add.f32 [tilespmem:s16], [sflag:$0x2], $0x80, s15, s15, $0xb8;
	[tilespmem:$0x16120] =	vst v63  }
0x4b: {  	_ =	swait.ge [sflag:s14], $0x2800  }
0x4c: {  	[sflag:s14] =	ssyncset.done $0x0  }
0x4d: {  	[sflag:s14] =	ssyncadd.s32 $0xFFFFD800  }
0x4e: {  	s20 =	simm.s32 @p0 $0x1FC2;
	[bflag:$0x0] =	sbarrier.arrive $0xFFFF  }
0x4f: {  	[hbm:s7], [sflag:s20] =	dma.local @p0 [spmem:s11], $0x1900  }
0x50: {  	s20 =	simm.s32 @p0 $0x2  }
0x51: {  	s19 =	sadd.s32 $0x1, s19;
	_ =	swait.ge @p0 [sflag:s20], $0x1900  }
0x52: {  	p1 =	sne.s32 s19, s8;
	[sflag:s20] =	ssyncset.done @p0 $0x0  }
.Ltmp1:
0x53: {  	[sflag:s20] =	ssyncadd.s32 @p0 $0xFFFFE700;
	s20 =	simm.s32 @!p0 $0x2;
	(pc) =	sbr.rel @p1 .LBB2_1-.Ltmp1, $4  }
0x54: {  	[hbm:s7], [sflag:s12] =	dma.local @!p0 [spmem:s18], $0x2800  }
0x55: {  	_ =	swait.ge @!p0 [sflag:s20], $0x2800  }
0x56: {  	[sflag:s20] =	ssyncset.done @!p0 $0x0  }
0x57: {  	[sflag:s20] =	ssyncadd.s32 @!p0 $0xFFFFD800  }
0x58: {  	_ =	sfence.sel $0x180000  }
0x59: {  	[bflag:$0x0] =	sbarrier.arrive $0xFFFF  }
0x5a: {  	p0 =	sne.s32 s0, $0x0;
	_ =	strace $0x90000050  }
0x5b: {  	s0 =	sadd.s32 @!p0 $0x100000, s1;
	[bflag:$0x2] =	sbarrier.arrive $0xFFFF  }
0x5c: {  	[sflag:s0] =	ssyncadd.tile.s32 @!p0 $0x1;
	_ =	shalt  }
.Lfunc_end2:
_tile_overlayer_lowered:
.L_overlay_start_2:
0x5d: {  	(tag) =	ssettag $0x2  }
0x5e: {  	s0 =	rddreg [dreg:$0x0];
	s2 =	stileid.u32  }
0x5f: {  	s1 =	rddreg [dreg:$0x1];
	p0 =	sne.s32 s2, $0x0  }
0x60: {  	s3 =	rddreg [dreg:$0x2];
	[bflag:$0x3] =	sbarrier.arrive $0xFFFF;
	s2 =	simm.s32 @!p0 $0x1C02  }
0x61: {  	[timem:s3], [sflag:s2] =	dma.local @!p0 [hbm:s0], s1  }
0x62: {  	s0 =	simm.s32 @!p0 $0x2  }
0x63: {  	_ =	swait.ge @!p0 [sflag:s0], s1  }
0x64: {  	s1 =	ssub.s32 @!p0 $0x0, s1;
	[sflag:s0] =	ssyncset.done @!p0 $0x0  }
0x65: {  	[sflag:s0] =	ssyncadd.s32 @!p0 s1  }
0x66: {  	[bflag:$0x3] =	sbarrier.arrive $0xFFFF  }
0x67: {  	_ =	shalt  }

</sc_bundles>
